<compile_context>
chip_gen: v7x
topology: tpu7x:2x2x1
jax: 0.10.2.dev20260603
libtpu: 0.0.44.dev20260713+nightly
codegen_flags: <defaults>
</compile_context>

<pallas_src>
import functools
import math

import jax
import jax.numpy as jnp
from jax import lax
from jax.experimental import pallas as pl
from jax.experimental.pallas import tpu as pltpu
from jax.experimental.pallas import tpu_sc as plsc

B, N, F, M, O, KS = 4, 4096, 64, 1024, 16, 4
BM = B * M
NW = 32
QPW = BM // NW
QCH = 8
NCH = QPW // QCH
LOG_HALF = math.log(0.5)


def _sc_gather(tab, iflat):
    mesh = plsc.VectorSubcoreMesh(core_axis_name="c", subcore_axis_name="s")

    @functools.partial(
        pl.kernel,
        mesh=mesh,
        out_type=jax.ShapeDtypeStruct((BM * O, 2 * F), jnp.float32),
        scratch_types=(
            pltpu.VMEM((QCH * O,), jnp.int32),
            pltpu.VMEM((QCH * O,), jnp.int32),
            pltpu.VMEM((QCH * O, 2 * F), jnp.float32),
            pltpu.VMEM((QCH * O, 2 * F), jnp.float32),
            pltpu.SemaphoreType.DMA,
            pltpu.SemaphoreType.DMA,
        ),
    )
    def k(tab_hbm, i_hbm, g_hbm, idx0, idx1, g0, g1, sem0, sem1):
        wid = lax.axis_index("s") * 2 + lax.axis_index("c")
        row_off = (wid // (M // QPW)) * N
        idx_v = (idx0, idx1)
        g_v = (g0, g1)
        sems = (sem0, sem1)

        def issue(c):
            sl = c % 2
            ibase = (wid * QPW + c * QCH) * O
            pltpu.sync_copy(i_hbm.at[pl.ds(ibase, QCH * O)], idx_v[sl])
            for t in range(QCH):
                s = pl.ds(t * O, O)
                idx_v[sl][s] = idx_v[sl][s] + row_off
            return pltpu.async_copy(tab_hbm.at[idx_v[sl]], g_v[sl], sems[sl])

        cp = issue(0)
        for c in range(NCH):
            nxt = issue(c + 1) if c + 1 < NCH else None
            cp.wait()
            ibase = (wid * QPW + c * QCH) * O
            pltpu.sync_copy(g_v[c % 2], g_hbm.at[pl.ds(ibase, QCH * O)])
            cp = nxt

    return k(tab, iflat)


BMBLK = 512
DBLK = 256


def _sum64(v):
    p = v[:, 0:8]
    for i in range(1, 8):
        p = p + v[:, 8 * i : 8 * i + 8]
    a = p[:, :4] + p[:, 4:]
    b = a[:, :2] + a[:, 2:]
    return b[:, :1] + b[:, 1:]


def _dist_body(g_ref, ye_ref, d_ref):
    xg = g_ref[...][:, F:]
    ye = ye_ref[...]
    mm = lax.dot_general(ye, xg, (((1,), (1,)), ((), ())))
    mm3 = mm.reshape(DBLK, DBLK, O)
    qi = lax.broadcasted_iota(jnp.int32, (DBLK, DBLK, 1), 0)
    pi = lax.broadcasted_iota(jnp.int32, (DBLK, DBLK, 1), 1)
    dot = jnp.sum(jnp.where(qi == pi, mm3, 0.0), axis=1)
    nxe = _sum64(xg * xg).reshape(DBLK, O)
    nye = _sum64(ye * ye)
    d_ref[...] = -((-2.0 * dot + nxe) + nye)


def _tc_dist(g, ye2):
    return pl.pallas_call(
        _dist_body,
        grid=(BM // DBLK,),
        in_specs=[
            pl.BlockSpec((DBLK * O, 2 * F), lambda i: (i, 0)),
            pl.BlockSpec((DBLK, F), lambda i: (i, 0)),
        ],
        out_specs=pl.BlockSpec((DBLK, O), lambda i: (i, 0)),
        out_shape=jax.ShapeDtypeStruct((BM, O), jnp.float32),
    )(g, ye2)


def _agg_body(g_ref, w0_ref, w1_ref, w2_ref, w3_ref, *z_refs):
    x3 = g_ref[...].reshape(BMBLK, O, 2 * F)[:, :, :F]
    for k, w_ref in enumerate((w0_ref, w1_ref, w2_ref, w3_ref)):
        z_refs[k][...] = jnp.sum(w_ref[...][:, :, None] * x3, axis=1)


def _tc_agg(g, ws):
    return pl.pallas_call(
        _agg_body,
        grid=(BM // BMBLK,),
        in_specs=[pl.BlockSpec((BMBLK * O, 2 * F), lambda i: (i, 0))]
        + [pl.BlockSpec((BMBLK, O), lambda i: (i, 0))] * KS,
        out_specs=[pl.BlockSpec((BMBLK, F), lambda i: (i, 0))] * KS,
        out_shape=[jax.ShapeDtypeStruct((BM, F), jnp.float32)] * KS,
    )(g, *ws)


def _log1mexp_ref(x, guard=1e-07):
    t = x < LOG_HALF
    xs = jnp.where(t, x, -1.0)
    xl = jnp.where(t, -1.0, x)
    ys = jnp.log1p(-jnp.exp(xs))
    em = -jnp.expm1(xl)
    fw = jnp.log(em)
    bw = jnp.log(em + guard)
    yl = jax.lax.stop_gradient(fw) + (bw - jax.lax.stop_gradient(bw))
    return jnp.where(t, ys, yl)


def kernel(x, xe, ye, I, log_temp):
    tab = jnp.concatenate([x.reshape(B * N, F), xe.reshape(B * N, F)], axis=1)
    iflat = I.astype(jnp.int32).reshape(BM * O)
    g = _sc_gather(tab, iflat)
    ye2 = ye.reshape(BM, F)
    D = _tc_dist(g, ye2)

    temperature = jnp.exp(log_temp[0])
    logits = D / temperature
    ws = []
    for r in range(KS):
        w = jax.nn.log_softmax(logits, axis=1)
        ws.append(jnp.exp(w))
        if r < KS - 1:
            logits = logits + _log1mexp_ref(w)

    z0, z1, z2, z3 = _tc_agg(g, ws)
    z = jnp.stack([z0, z1, z2, z3], axis=-1)
    return z.reshape(B, M, F, KS)

# --- scband reference (transcript-rebuilt; emitter-appended) ---
"""Pipeline reference for scband-n3-aggregation-base-29841432773340 (READ-ONLY COPY).

The authoritative reference and input builder live on the scoring server;
editing this copy changes nothing except your own understanding.
"""

import math
import jax, jax.numpy as jnp
import numpy as np

K = 4

def log1mexp(x, guard=1e-07):
    t = x < math.log(0.5)
    xs = jnp.where(t, x, -1.0)
    xl = jnp.where(t, -1.0, x)
    ys = jnp.log1p(-jnp.exp(xs))
    em = -jnp.expm1(xl)
    fw = jnp.log(em)
    bw = jnp.log(em + guard)
    yl = jax.lax.stop_gradient(fw) + (bw - jax.lax.stop_gradient(bw))
    return jnp.where(t, ys, yl)

def setup_inputs(seed: int = 0):
    key = jax.random.key(seed)
    k1, k2, k3, k4 = jax.random.split(key, 4)
    x = jax.random.normal(k1, (4, 4096, 64), dtype=jnp.float32)
    xe = jax.random.normal(k2, (4, 4096, 64), dtype=jnp.float32)
    ye = jax.random.normal(k3, (4, 1024, 64), dtype=jnp.float32)
    I = jax.random.randint(k4, (4, 1024, 16), 0, 4096)
    log_temp = jnp.zeros((1,), dtype=jnp.float32)
    return {"x": x, "xe": xe, "ye": ye, "I": I, "log_temp": log_temp}

def reference(x, xe, ye, I, log_temp):
    b, n, f = x.shape
    m = ye.shape[1]
    o = I.shape[2]
    # compute_distances (train path): full squared-euclidean distance then gather
    D_full = (-2.0 * jnp.einsum('bme,bne->bmn', ye, xe)
              + jnp.sum(xe ** 2, axis=-1)[:, None, :]
              + jnp.sum(ye ** 2, axis=-1)[:, :, None])
    D = -jnp.take_along_axis(D_full, I, axis=2)
    # NeuralNearestNeighbors: internal temperature (log_temp param, bias log(1)=0)
    temperature = jnp.exp(log_temp[0])
    D = D / temperature
    logits = D.reshape(b * m, o)
    samples = []
    for r in range(K):
        w = jax.nn.log_softmax(logits, axis=1)
        samples.append(jnp.exp(w).reshape(b, m, o))
        logits = logits + log1mexp(w)
    W = jnp.stack(samples, axis=3)  # (b, m, o, k)
    # aggregate_output: gather database items at I and weight-average
    bi = jnp.arange(b)[:, None, None]
    xg = x[bi, I]  # (b, m, o, f)
    z = jnp.einsum('bmok,bmof->bmfk', W, xg)
    return z

if __name__ == "__main__":
    import jax
    _d = setup_inputs()
    print(jax.jit(kernel)(*tuple(_d.values())))

</pallas_src>

<mosaic_0001>
#map = affine_map<(d0, d1) -> (0, 0)>
#map1 = affine_map<(d0, d1) -> (0)>
module attributes {stable_mosaic.version = 14 : i64} {
  func.func @k(%arg0: i32, %arg1: i32, %arg2: memref<16384x128xf32, #tpu.memory_space<hbm>>, %arg3: memref<65536xi32, #tpu.memory_space<hbm>>, %arg4: memref<65536x128xf32, #tpu.memory_space<hbm>>, %arg5: memref<128xi32, #tpu.memory_space<vmem>>, %arg6: memref<128xi32, #tpu.memory_space<vmem>>, %arg7: memref<128x128xf32, #tpu.memory_space<vmem>>, %arg8: memref<128x128xf32, #tpu.memory_space<vmem>>, %arg9: memref<!tpu.dma_semaphore, #tpu.memory_space<semaphore_mem>>, %arg10: memref<!tpu.dma_semaphore, #tpu.memory_space<semaphore_mem>>) attributes {dimension_semantics = [#tpu.dimension_semantics<core_parallel>, #tpu.dimension_semantics<subcore_parallel>], iteration_bounds = array<i64: 2, 16>, scalar_prefetch = 0 : i64, scratch_operands = 6 : i64, tpu.core_type = #tpu.core_type<sc_vector_subcore>, window_params = [{transform_indices = #map}, {transform_indices = #map1}, {transform_indices = #map}]} {
    %mul3A = arith.constant 2 : i32
    %mul3A_0 = arith.muli %arg1, %mul3A : i32
    %add3A = arith.addi %mul3A_0, %arg0 : i32
    %jit3A = arith.constant 8 : i32
    %div3A = arith.divsi %add3A, %jit3A : i32
    %sign3A = arith.constant 0 : i32
    %sign3A_1 = arith.cmpi sgt, %add3A, %sign3A : i32
    %sign3A_2 = arith.extui %sign3A_1 : i1 to i32
    %sign3A_3 = arith.constant 0 : i32
    %sign3A_4 = arith.cmpi slt, %add3A, %sign3A_3 : i32
    %sign3A_5 = arith.extui %sign3A_4 : i1 to i32
    %sign3A_6 = arith.subi %sign3A_2, %sign3A_5 : i32
    %sign3A_7 = arith.constant 0 : i32
    %sign3A_8 = arith.cmpi sgt, %jit3A, %sign3A_7 : i32
    %sign3A_9 = arith.extui %sign3A_8 : i1 to i32
    %sign3A_10 = arith.constant 0 : i32
    %sign3A_11 = arith.cmpi slt, %jit3A, %sign3A_10 : i32
    %sign3A_12 = arith.extui %sign3A_11 : i1 to i32
    %sign3A_13 = arith.subi %sign3A_9, %sign3A_12 : i32
    %ne3A = arith.cmpi ne, %sign3A_6, %sign3A_13 : i32
    %rem3A = arith.remsi %add3A, %jit3A : i32
    %ne3A_14 = arith.constant 0 : i32
    %ne3A_15 = arith.cmpi ne, %rem3A, %ne3A_14 : i32
    %and3A = arith.andi %ne3A, %ne3A_15 : i1
    %sub3A = arith.constant 1 : i32
    %sub3A_16 = arith.subi %div3A, %sub3A : i32
    %select_n3A = arith.select %and3A, %sub3A_16, %div3A : i32
    %mul3A_17 = arith.constant 4096 : i32
    %mul3A_18 = arith.muli %select_n3A, %mul3A_17 : i32
    %mul3A_19 = arith.constant 128 : i32
    %mul3A_20 = arith.muli %add3A, %mul3A_19 : i32
    %add3A_21 = arith.constant 0 : i32
    %add3A_22 = arith.addi %mul3A_20, %add3A_21 : i32
    %mul3A_23 = arith.constant 16 : i32
    %mul3A_24 = arith.muli %add3A_22, %mul3A_23 : i32
    "tpu.region"() ({
      %run_scoped3A = tpu.sem_alloc : memref<!tpu.dma_semaphore, #tpu.memory_space<semaphore_mem>>
      %dma_start3A_1455 = tpu.memref_slice %arg3[%mul3A_24] : memref<65536xi32, #tpu.memory_space<hbm>> -> memref<128xi32, #tpu.memory_space<hbm>>
      %dma_start3A_1456 = tpu.memref_slice %arg3[%mul3A_24] : memref<65536xi32, #tpu.memory_space<hbm>> -> memref<128xi32, #tpu.memory_space<hbm>>
      tpu.enqueue_dma source(%dma_start3A_1456 : memref<128xi32, #tpu.memory_space<hbm>>) target(%arg5 : memref<128xi32, #tpu.memory_space<vmem>>) target_semaphore(%run_scoped3A : memref<!tpu.dma_semaphore, #tpu.memory_space<semaphore_mem>>)
      %dma_wait3A_1457 = tpu.memref_slice %arg3[%mul3A_24] : memref<65536xi32, #tpu.memory_space<hbm>> -> memref<128xi32, #tpu.memory_space<hbm>>
      %dma_wait3A_1458 = tpu.memref_slice %arg3[%mul3A_24] : memref<65536xi32, #tpu.memory_space<hbm>> -> memref<128xi32, #tpu.memory_space<hbm>>
      tpu.wait_dma2 semaphore(%run_scoped3A : memref<!tpu.dma_semaphore, #tpu.memory_space<semaphore_mem>>) src(%dma_wait3A_1458 : memref<128xi32, #tpu.memory_space<hbm>>) dst(%arg5 : memref<128xi32, #tpu.memory_space<vmem>>)
      tpu.yield
    }) : () -> ()
    %get3A = arith.constant 0 : index
    %get3A_25 = tpu.vector_load %arg5[%get3A] {strides = array<i32>} : memref<128xi32, #tpu.memory_space<vmem>>, vector<16xi32>,
    %get3A_26 = vector.shape_cast %get3A_25 : vector<16xi32> to vector<16xi32>
    %add3A_27 = vector.broadcast %mul3A_18 : i32 to vector<16xi32>
    %add3A_28 = arith.addi %get3A_26, %add3A_27 : vector<16xi32>
    %swap3A = arith.constant 0 : index
    %swap3A_29 = tpu.vector_load %arg5[%swap3A] {strides = array<i32>} : memref<128xi32, #tpu.memory_space<vmem>>, vector<16xi32>,
    %swap3A_30 = vector.shape_cast %swap3A_29 : vector<16xi32> to vector<16xi32>
    %swap3A_31 = vector.shape_cast %add3A_28 : vector<16xi32> to vector<16xi32>
    tpu.vector_store %arg5[%swap3A], %swap3A_31 {strides = array<i32>} : memref<128xi32, #tpu.memory_space<vmem>>, vector<16xi32>,
    %get3A_32 = arith.constant 16 : index
    %get3A_33 = tpu.vector_load %arg5[%get3A_32] {strides = array<i32>} : memref<128xi32, #tpu.memory_space<vmem>>, vector<16xi32>,
    %get3A_34 = vector.shape_cast %get3A_33 : vector<16xi32> to vector<16xi32>
    %add3A_35 = vector.broadcast %mul3A_18 : i32 to vector<16xi32>
    %add3A_36 = arith.addi %get3A_34, %add3A_35 : vector<16xi32>
    %swap3A_37 = arith.constant 16 : index
    %swap3A_38 = tpu.vector_load %arg5[%swap3A_37] {strides = array<i32>} : memref<128xi32, #tpu.memory_space<vmem>>, vector<16xi32>,
    %swap3A_39 = vector.shape_cast %swap3A_38 : vector<16xi32> to vector<16xi32>
    %swap3A_40 = vector.shape_cast %add3A_36 : vector<16xi32> to vector<16xi32>
    tpu.vector_store %arg5[%swap3A_37], %swap3A_40 {strides = array<i32>} : memref<128xi32, #tpu.memory_space<vmem>>, vector<16xi32>,
    %get3A_41 = arith.constant 32 : index
    %get3A_42 = tpu.vector_load %arg5[%get3A_41] {strides = array<i32>} : memref<128xi32, #tpu.memory_space<vmem>>, vector<16xi32>,
    %get3A_43 = vector.shape_cast %get3A_42 : vector<16xi32> to vector<16xi32>
    %add3A_44 = vector.broadcast %mul3A_18 : i32 to vector<16xi32>
    %add3A_45 = arith.addi %get3A_43, %add3A_44 : vector<16xi32>
    %swap3A_46 = arith.constant 32 : index
    %swap3A_47 = tpu.vector_load %arg5[%swap3A_46] {strides = array<i32>} : memref<128xi32, #tpu.memory_space<vmem>>, vector<16xi32>,
    %swap3A_48 = vector.shape_cast %swap3A_47 : vector<16xi32> to vector<16xi32>
    %swap3A_49 = vector.shape_cast %add3A_45 : vector<16xi32> to vector<16xi32>
    tpu.vector_store %arg5[%swap3A_46], %swap3A_49 {strides = array<i32>} : memref<128xi32, #tpu.memory_space<vmem>>, vector<16xi32>,
    %get3A_50 = arith.constant 48 : index
    %get3A_51 = tpu.vector_load %arg5[%get3A_50] {strides = array<i32>} : memref<128xi32, #tpu.memory_space<vmem>>, vector<16xi32>,
    %get3A_52 = vector.shape_cast %get3A_51 : vector<16xi32> to vector<16xi32>
    %add3A_53 = vector.broadcast %mul3A_18 : i32 to vector<16xi32>
    %add3A_54 = arith.addi %get3A_52, %add3A_53 : vector<16xi32>
    %swap3A_55 = arith.constant 48 : index
    %swap3A_56 = tpu.vector_load %arg5[%swap3A_55] {strides = array<i32>} : memref<128xi32, #tpu.memory_space<vmem>>, vector<16xi32>,
    %swap3A_57 = vector.shape_cast %swap3A_56 : vector<16xi32> to vector<16xi32>
    %swap3A_58 = vector.shape_cast %add3A_54 : vector<16xi32> to vector<16xi32>
    tpu.vector_store %arg5[%swap3A_55], %swap3A_58 {strides = array<i32>} : memref<128xi32, #tpu.memory_space<vmem>>, vector<16xi32>,
    %get3A_59 = arith.constant 64 : index
    %get3A_60 = tpu.vector_load %arg5[%get3A_59] {strides = array<i32>} : memref<128xi32, #tpu.memory_space<vmem>>, vector<16xi32>,
    %get3A_61 = vector.shape_cast %get3A_60 : vector<16xi32> to vector<16xi32>
    %add3A_62 = vector.broadcast %mul3A_18 : i32 to vector<16xi32>
    %add3A_63 = arith.addi %get3A_61, %add3A_62 : vector<16xi32>
    %swap3A_64 = arith.constant 64 : index
    %swap3A_65 = tpu.vector_load %arg5[%swap3A_64] {strides = array<i32>} : memref<128xi32, #tpu.memory_space<vmem>>, vector<16xi32>,
    %swap3A_66 = vector.shape_cast %swap3A_65 : vector<16xi32> to vector<16xi32>
    %swap3A_67 = vector.shape_cast %add3A_63 : vector<16xi32> to vector<16xi32>
    tpu.vector_store %arg5[%swap3A_64], %swap3A_67 {strides = array<i32>} : memref<128xi32, #tpu.memory_space<vmem>>, vector<16xi32>,
    %get3A_68 = arith.constant 80 : index
    %get3A_69 = tpu.vector_load %arg5[%get3A_68] {strides = array<i32>} : memref<128xi32, #tpu.memory_space<vmem>>, vector<16xi32>,
    %get3A_70 = vector.shape_cast %get3A_69 : vector<16xi32> to vector<16xi32>
    %add3A_71 = vector.broadcast %mul3A_18 : i32 to vector<16xi32>
    %add3A_72 = arith.addi %get3A_70, %add3A_71 : vector<16xi32>
    %swap3A_73 = arith.constant 80 : index
    %swap3A_74 = tpu.vector_load %arg5[%swap3A_73] {strides = array<i32>} : memref<128xi32, #tpu.memory_space<vmem>>, vector<16xi32>,
    %swap3A_75 = vector.shape_cast %swap3A_74 : vector<16xi32> to vector<16xi32>
    %swap3A_76 = vector.shape_cast %add3A_72 : vector<16xi32> to vector<16xi32>
    tpu.vector_store %arg5[%swap3A_73], %swap3A_76 {strides = array<i32>} : memref<128xi32, #tpu.memory_space<vmem>>, vector<16xi32>,
    %get3A_77 = arith.constant 96 : index
    %get3A_78 = tpu.vector_load %arg5[%get3A_77] {strides = array<i32>} : memref<128xi32, #tpu.memory_space<vmem>>, vector<16xi32>,
    %get3A_79 = vector.shape_cast %get3A_78 : vector<16xi32> to vector<16xi32>
    %add3A_80 = vector.broadcast %mul3A_18 : i32 to vector<16xi32>
    %add3A_81 = arith.addi %get3A_79, %add3A_80 : vector<16xi32>
    %swap3A_82 = arith.constant 96 : index
    %swap3A_83 = tpu.vector_load %arg5[%swap3A_82] {strides = array<i32>} : memref<128xi32, #tpu.memory_space<vmem>>, vector<16xi32>,
    %swap3A_84 = vector.shape_cast %swap3A_83 : vector<16xi32> to vector<16xi32>
    %swap3A_85 = vector.shape_cast %add3A_81 : vector<16xi32> to vector<16xi32>
    tpu.vector_store %arg5[%swap3A_82], %swap3A_85 {strides = array<i32>} : memref<128xi32, #tpu.memory_space<vmem>>, vector<16xi32>,
    %get3A_86 = arith.constant 112 : index
    %get3A_87 = tpu.vector_load %arg5[%get3A_86] {strides = array<i32>} : memref<128xi32, #tpu.memory_space<vmem>>, vector<16xi32>,
    %get3A_88 = vector.shape_cast %get3A_87 : vector<16xi32> to vector<16xi32>
    %add3A_89 = vector.broadcast %mul3A_18 : i32 to vector<16xi32>
    %add3A_90 = arith.addi %get3A_88, %add3A_89 : vector<16xi32>
    %swap3A_91 = arith.constant 112 : index
    %swap3A_92 = tpu.vector_load %arg5[%swap3A_91] {strides = array<i32>} : memref<128xi32, #tpu.memory_space<vmem>>, vector<16xi32>,
    %swap3A_93 = vector.shape_cast %swap3A_92 : vector<16xi32> to vector<16xi32>
    %swap3A_94 = vector.shape_cast %add3A_90 : vector<16xi32> to vector<16xi32>
    tpu.vector_store %arg5[%swap3A_91], %swap3A_94 {strides = array<i32>} : memref<128xi32, #tpu.memory_space<vmem>>, vector<16xi32>,
    %dma_start3A = arith.constant 0 : i32
    %dma_start3A_95 = arith.constant 0 : i32
    %dma_start3A_96 = tpu.memref_slice %arg2[%dma_start3A, %dma_start3A_95] : memref<16384x128xf32, #tpu.memory_space<hbm>> -> memref<16384x128xf32, #tpu.memory_space<hbm>>
    tpu.enqueue_indirect_dma source(%dma_start3A_96 : memref<16384x128xf32, #tpu.memory_space<hbm>>) target(%arg7 : memref<128x128xf32, #tpu.memory_space<vmem>>) offsets(%arg5 : memref<128xi32, #tpu.memory_space<vmem>>) semaphore(%arg9 : memref<!tpu.dma_semaphore, #tpu.memory_space<semaphore_mem>>)
    %mul3A_97 = arith.constant 128 : i32
    %mul3A_98 = arith.muli %add3A, %mul3A_97 : i32
    %add3A_99 = arith.constant 8 : i32
    %add3A_100 = arith.addi %mul3A_98, %add3A_99 : i32
    %mul3A_101 = arith.constant 16 : i32
    %mul3A_102 = arith.muli %add3A_100, %mul3A_101 : i32
    "tpu.region"() ({
      %run_scoped3A = tpu.sem_alloc : memref<!tpu.dma_semaphore, #tpu.memory_space<semaphore_mem>>
      %dma_start3A_1455 = tpu.memref_slice %arg3[%mul3A_102] : memref<65536xi32, #tpu.memory_space<hbm>> -> memref<128xi32, #tpu.memory_space<hbm>>
      %dma_start3A_1456 = tpu.memref_slice %arg3[%mul3A_102] : memref<65536xi32, #tpu.memory_space<hbm>> -> memref<128xi32, #tpu.memory_space<hbm>>
      tpu.enqueue_dma source(%dma_start3A_1456 : memref<128xi32, #tpu.memory_space<hbm>>) target(%arg6 : memref<128xi32, #tpu.memory_space<vmem>>) target_semaphore(%run_scoped3A : memref<!tpu.dma_semaphore, #tpu.memory_space<semaphore_mem>>)
      %dma_wait3A_1457 = tpu.memref_slice %arg3[%mul3A_102] : memref<65536xi32, #tpu.memory_space<hbm>> -> memref<128xi32, #tpu.memory_space<hbm>>
      %dma_wait3A_1458 = tpu.memref_slice %arg3[%mul3A_102] : memref<65536xi32, #tpu.memory_space<hbm>> -> memref<128xi32, #tpu.memory_space<hbm>>
      tpu.wait_dma2 semaphore(%run_scoped3A : memref<!tpu.dma_semaphore, #tpu.memory_space<semaphore_mem>>) src(%dma_wait3A_1458 : memref<128xi32, #tpu.memory_space<hbm>>) dst(%arg6 : memref<128xi32, #tpu.memory_space<vmem>>)
      tpu.yield
    }) : () -> ()
    %get3A_103 = arith.constant 0 : index
    %get3A_104 = tpu.vector_load %arg6[%get3A_103] {strides = array<i32>} : memref<128xi32, #tpu.memory_space<vmem>>, vector<16xi32>,
    %get3A_105 = vector.shape_cast %get3A_104 : vector<16xi32> to vector<16xi32>
    %add3A_106 = vector.broadcast %mul3A_18 : i32 to vector<16xi32>
    %add3A_107 = arith.addi %get3A_105, %add3A_106 : vector<16xi32>
    %swap3A_108 = arith.constant 0 : index
    %swap3A_109 = tpu.vector_load %arg6[%swap3A_108] {strides = array<i32>} : memref<128xi32, #tpu.memory_space<vmem>>, vector<16xi32>,
    %swap3A_110 = vector.shape_cast %swap3A_109 : vector<16xi32> to vector<16xi32>
    %swap3A_111 = vector.shape_cast %add3A_107 : vector<16xi32> to vector<16xi32>
    tpu.vector_store %arg6[%swap3A_108], %swap3A_111 {strides = array<i32>} : memref<128xi32, #tpu.memory_space<vmem>>, vector<16xi32>,
    %get3A_112 = arith.constant 16 : index
    %get3A_113 = tpu.vector_load %arg6[%get3A_112] {strides = array<i32>} : memref<128xi32, #tpu.memory_space<vmem>>, vector<16xi32>,
    %get3A_114 = vector.shape_cast %get3A_113 : vector<16xi32> to vector<16xi32>
    %add3A_115 = vector.broadcast %mul3A_18 : i32 to vector<16xi32>
    %add3A_116 = arith.addi %get3A_114, %add3A_115 : vector<16xi32>
    %swap3A_117 = arith.constant 16 : index
    %swap3A_118 = tpu.vector_load %arg6[%swap3A_117] {strides = array<i32>} : memref<128xi32, #tpu.memory_space<vmem>>, vector<16xi32>,
    %swap3A_119 = vector.shape_cast %swap3A_118 : vector<16xi32> to vector<16xi32>
    %swap3A_120 = vector.shape_cast %add3A_116 : vector<16xi32> to vector<16xi32>
    tpu.vector_store %arg6[%swap3A_117], %swap3A_120 {strides = array<i32>} : memref<128xi32, #tpu.memory_space<vmem>>, vector<16xi32>,
    %get3A_121 = arith.constant 32 : index
    %get3A_122 = tpu.vector_load %arg6[%get3A_121] {strides = array<i32>} : memref<128xi32, #tpu.memory_space<vmem>>, vector<16xi32>,
    %get3A_123 = vector.shape_cast %get3A_122 : vector<16xi32> to vector<16xi32>
    %add3A_124 = vector.broadcast %mul3A_18 : i32 to vector<16xi32>
    %add3A_125 = arith.addi %get3A_123, %add3A_124 : vector<16xi32>
    %swap3A_126 = arith.constant 32 : index
    %swap3A_127 = tpu.vector_load %arg6[%swap3A_126] {strides = array<i32>} : memref<128xi32, #tpu.memory_space<vmem>>, vector<16xi32>,
    %swap3A_128 = vector.shape_cast %swap3A_127 : vector<16xi32> to vector<16xi32>
    %swap3A_129 = vector.shape_cast %add3A_125 : vector<16xi32> to vector<16xi32>
    tpu.vector_store %arg6[%swap3A_126], %swap3A_129 {strides = array<i32>} : memref<128xi32, #tpu.memory_space<vmem>>, vector<16xi32>,
    %get3A_130 = arith.constant 48 : index
    %get3A_131 = tpu.vector_load %arg6[%get3A_130] {strides = array<i32>} : memref<128xi32, #tpu.memory_space<vmem>>, vector<16xi32>,
    %get3A_132 = vector.shape_cast %get3A_131 : vector<16xi32> to vector<16xi32>
    %add3A_133 = vector.broadcast %mul3A_18 : i32 to vector<16xi32>
    %add3A_134 = arith.addi %get3A_132, %add3A_133 : vector<16xi32>
    %swap3A_135 = arith.constant 48 : index
    %swap3A_136 = tpu.vector_load %arg6[%swap3A_135] {strides = array<i32>} : memref<128xi32, #tpu.memory_space<vmem>>, vector<16xi32>,
    %swap3A_137 = vector.shape_cast %swap3A_136 : vector<16xi32> to vector<16xi32>
    %swap3A_138 = vector.shape_cast %add3A_134 : vector<16xi32> to vector<16xi32>
    tpu.vector_store %arg6[%swap3A_135], %swap3A_138 {strides = array<i32>} : memref<128xi32, #tpu.memory_space<vmem>>, vector<16xi32>,
    %get3A_139 = arith.constant 64 : index
    %get3A_140 = tpu.vector_load %arg6[%get3A_139] {strides = array<i32>} : memref<128xi32, #tpu.memory_space<vmem>>, vector<16xi32>,
    %get3A_141 = vector.shape_cast %get3A_140 : vector<16xi32> to vector<16xi32>
    %add3A_142 = vector.broadcast %mul3A_18 : i32 to vector<16xi32>
    %add3A_143 = arith.addi %get3A_141, %add3A_142 : vector<16xi32>
    %swap3A_144 = arith.constant 64 : index
    %swap3A_145 = tpu.vector_load %arg6[%swap3A_144] {strides = array<i32>} : memref<128xi32, #tpu.memory_space<vmem>>, vector<16xi32>,
    %swap3A_146 = vector.shape_cast %swap3A_145 : vector<16xi32> to vector<16xi32>
    %swap3A_147 = vector.shape_cast %add3A_143 : vector<16xi32> to vector<16xi32>
    tpu.vector_store %arg6[%swap3A_144], %swap3A_147 {strides = array<i32>} : memref<128xi32, #tpu.memory_space<vmem>>, vector<16xi32>,
    %get3A_148 = arith.constant 80 : index
    %get3A_149 = tpu.vector_load %arg6[%get3A_148] {strides = array<i32>} : memref<128xi32, #tpu.memory_space<vmem>>, vector<16xi32>,
    %get3A_150 = vector.shape_cast %get3A_149 : vector<16xi32> to vector<16xi32>
    %add3A_151 = vector.broadcast %mul3A_18 : i32 to vector<16xi32>
    %add3A_152 = arith.addi %get3A_150, %add3A_151 : vector<16xi32>
    %swap3A_153 = arith.constant 80 : index
    %swap3A_154 = tpu.vector_load %arg6[%swap3A_153] {strides = array<i32>} : memref<128xi32, #tpu.memory_space<vmem>>, vector<16xi32>,
    %swap3A_155 = vector.shape_cast %swap3A_154 : vector<16xi32> to vector<16xi32>
    %swap3A_156 = vector.shape_cast %add3A_152 : vector<16xi32> to vector<16xi32>
    tpu.vector_store %arg6[%swap3A_153], %swap3A_156 {strides = array<i32>} : memref<128xi32, #tpu.memory_space<vmem>>, vector<16xi32>,
    %get3A_157 = arith.constant 96 : index
    %get3A_158 = tpu.vector_load %arg6[%get3A_157] {strides = array<i32>} : memref<128xi32, #tpu.memory_space<vmem>>, vector<16xi32>,
    %get3A_159 = vector.shape_cast %get3A_158 : vector<16xi32> to vector<16xi32>
    %add3A_160 = vector.broadcast %mul3A_18 : i32 to vector<16xi32>
    %add3A_161 = arith.addi %get3A_159, %add3A_160 : vector<16xi32>
    %swap3A_162 = arith.constant 96 : index
    %swap3A_163 = tpu.vector_load %arg6[%swap3A_162] {strides = array<i32>} : memref<128xi32, #tpu.memory_space<vmem>>, vector<16xi32>,
    %swap3A_164 = vector.shape_cast %swap3A_163 : vector<16xi32> to vector<16xi32>
    %swap3A_165 = vector.shape_cast %add3A_161 : vector<16xi32> to vector<16xi32>
    tpu.vector_store %arg6[%swap3A_162], %swap3A_165 {strides = array<i32>} : memref<128xi32, #tpu.memory_space<vmem>>, vector<16xi32>,
    %get3A_166 = arith.constant 112 : index
    %get3A_167 = tpu.vector_load %arg6[%get3A_166] {strides = array<i32>} : memref<128xi32, #tpu.memory_space<vmem>>, vector<16xi32>,
    %get3A_168 = vector.shape_cast %get3A_167 : vector<16xi32> to vector<16xi32>
    %add3A_169 = vector.broadcast %mul3A_18 : i32 to vector<16xi32>
    %add3A_170 = arith.addi %get3A_168, %add3A_169 : vector<16xi32>
    %swap3A_171 = arith.constant 112 : index
    %swap3A_172 = tpu.vector_load %arg6[%swap3A_171] {strides = array<i32>} : memref<128xi32, #tpu.memory_space<vmem>>, vector<16xi32>,
    %swap3A_173 = vector.shape_cast %swap3A_172 : vector<16xi32> to vector<16xi32>
    %swap3A_174 = vector.shape_cast %add3A_170 : vector<16xi32> to vector<16xi32>
    tpu.vector_store %arg6[%swap3A_171], %swap3A_174 {strides = array<i32>} : memref<128xi32, #tpu.memory_space<vmem>>, vector<16xi32>,
    %dma_start3A_175 = arith.constant 0 : i32
    %dma_start3A_176 = arith.constant 0 : i32
    %dma_start3A_177 = tpu.memref_slice %arg2[%dma_start3A_175, %dma_start3A_176] : memref<16384x128xf32, #tpu.memory_space<hbm>> -> memref<16384x128xf32, #tpu.memory_space<hbm>>
    tpu.enqueue_indirect_dma source(%dma_start3A_177 : memref<16384x128xf32, #tpu.memory_space<hbm>>) target(%arg8 : memref<128x128xf32, #tpu.memory_space<vmem>>) offsets(%arg6 : memref<128xi32, #tpu.memory_space<vmem>>) semaphore(%arg10 : memref<!tpu.dma_semaphore, #tpu.memory_space<semaphore_mem>>)
    %dma_wait3A = arith.constant 0 : i32
    %dma_wait3A_178 = arith.constant 0 : i32
    %dma_wait3A_179 = tpu.memref_slice %arg2[%dma_wait3A, %dma_wait3A_178] : memref<16384x128xf32, #tpu.memory_space<hbm>> -> memref<16384x128xf32, #tpu.memory_space<hbm>>
    tpu.wait_indirect_dma semaphore(%arg9 : memref<!tpu.dma_semaphore, #tpu.memory_space<semaphore_mem>>) src(%dma_wait3A_179 : memref<16384x128xf32, #tpu.memory_space<hbm>>) dst(%arg7 : memref<128x128xf32, #tpu.memory_space<vmem>>)
    %mul3A_180 = arith.constant 128 : i32
    %mul3A_181 = arith.muli %add3A, %mul3A_180 : i32
    %add3A_182 = arith.constant 0 : i32
    %add3A_183 = arith.addi %mul3A_181, %add3A_182 : i32
    %mul3A_184 = arith.constant 16 : i32
    %mul3A_185 = arith.muli %add3A_183, %mul3A_184 : i32
    "tpu.region"() ({
      %run_scoped3A = tpu.sem_alloc : memref<!tpu.dma_semaphore, #tpu.memory_space<semaphore_mem>>
      %dma_start3A_1455 = arith.constant 0 : i32
      %dma_start3A_1456 = tpu.memref_slice %arg4[%mul3A_185, %dma_start3A_1455] : memref<65536x128xf32, #tpu.memory_space<hbm>> -> memref<128x128xf32, #tpu.memory_space<hbm>>
      %dma_start3A_1457 = arith.constant 0 : i32
      %dma_start3A_1458 = tpu.memref_slice %arg4[%mul3A_185, %dma_start3A_1457] : memref<65536x128xf32, #tpu.memory_space<hbm>> -> memref<128x128xf32, #tpu.memory_space<hbm>>
      tpu.enqueue_dma source(%arg7 : memref<128x128xf32, #tpu.memory_space<vmem>>) target(%dma_start3A_1458 : memref<128x128xf32, #tpu.memory_space<hbm>>) target_semaphore(%run_scoped3A : memref<!tpu.dma_semaphore, #tpu.memory_space<semaphore_mem>>)
      %dma_wait3A_1459 = arith.constant 0 : i32
      %dma_wait3A_1460 = tpu.memref_slice %arg4[%mul3A_185, %dma_wait3A_1459] : memref<65536x128xf32, #tpu.memory_space<hbm>> -> memref<128x128xf32, #tpu.memory_space<hbm>>
      %dma_wait3A_1461 = arith.constant 0 : i32
      %dma_wait3A_1462 = tpu.memref_slice %arg4[%mul3A_185, %dma_wait3A_1461] : memref<65536x128xf32, #tpu.memory_space<hbm>> -> memref<128x128xf32, #tpu.memory_space<hbm>>
      tpu.wait_dma2 semaphore(%run_scoped3A : memref<!tpu.dma_semaphore, #tpu.memory_space<semaphore_mem>>) src(%arg7 : memref<128x128xf32, #tpu.memory_space<vmem>>) dst(%dma_wait3A_1462 : memref<128x128xf32, #tpu.memory_space<hbm>>)
      tpu.yield
    }) : () -> ()
    %mul3A_186 = arith.constant 128 : i32
    %mul3A_187 = arith.muli %add3A, %mul3A_186 : i32
    %add3A_188 = arith.constant 16 : i32
    %add3A_189 = arith.addi %mul3A_187, %add3A_188 : i32
    %mul3A_190 = arith.constant 16 : i32
    %mul3A_191 = arith.muli %add3A_189, %mul3A_190 : i32
    "tpu.region"() ({
      %run_scoped3A = tpu.sem_alloc : memref<!tpu.dma_semaphore, #tpu.memory_space<semaphore_mem>>
      %dma_start3A_1455 = tpu.memref_slice %arg3[%mul3A_191] : memref<65536xi32, #tpu.memory_space<hbm>> -> memref<128xi32, #tpu.memory_space<hbm>>
      %dma_start3A_1456 = tpu.memref_slice %arg3[%mul3A_191] : memref<65536xi32, #tpu.memory_space<hbm>> -> memref<128xi32, #tpu.memory_space<hbm>>
      tpu.enqueue_dma source(%dma_start3A_1456 : memref<128xi32, #tpu.memory_space<hbm>>) target(%arg5 : memref<128xi32, #tpu.memory_space<vmem>>) target_semaphore(%run_scoped3A : memref<!tpu.dma_semaphore, #tpu.memory_space<semaphore_mem>>)
      %dma_wait3A_1457 = tpu.memref_slice %arg3[%mul3A_191] : memref<65536xi32, #tpu.memory_space<hbm>> -> memref<128xi32, #tpu.memory_space<hbm>>
      %dma_wait3A_1458 = tpu.memref_slice %arg3[%mul3A_191] : memref<65536xi32, #tpu.memory_space<hbm>> -> memref<128xi32, #tpu.memory_space<hbm>>
      tpu.wait_dma2 semaphore(%run_scoped3A : memref<!tpu.dma_semaphore, #tpu.memory_space<semaphore_mem>>) src(%dma_wait3A_1458 : memref<128xi32, #tpu.memory_space<hbm>>) dst(%arg5 : memref<128xi32, #tpu.memory_space<vmem>>)
      tpu.yield
    }) : () -> ()
    %get3A_192 = arith.constant 0 : index
    %get3A_193 = tpu.vector_load %arg5[%get3A_192] {strides = array<i32>} : memref<128xi32, #tpu.memory_space<vmem>>, vector<16xi32>,
    %get3A_194 = vector.shape_cast %get3A_193 : vector<16xi32> to vector<16xi32>
    %add3A_195 = vector.broadcast %mul3A_18 : i32 to vector<16xi32>
    %add3A_196 = arith.addi %get3A_194, %add3A_195 : vector<16xi32>
    %swap3A_197 = arith.constant 0 : index
    %swap3A_198 = tpu.vector_load %arg5[%swap3A_197] {strides = array<i32>} : memref<128xi32, #tpu.memory_space<vmem>>, vector<16xi32>,
    %swap3A_199 = vector.shape_cast %swap3A_198 : vector<16xi32> to vector<16xi32>
    %swap3A_200 = vector.shape_cast %add3A_196 : vector<16xi32> to vector<16xi32>
    tpu.vector_store %arg5[%swap3A_197], %swap3A_200 {strides = array<i32>} : memref<128xi32, #tpu.memory_space<vmem>>, vector<16xi32>,
    %get3A_201 = arith.constant 16 : index
    %get3A_202 = tpu.vector_load %arg5[%get3A_201] {strides = array<i32>} : memref<128xi32, #tpu.memory_space<vmem>>, vector<16xi32>,
    %get3A_203 = vector.shape_cast %get3A_202 : vector<16xi32> to vector<16xi32>
    %add3A_204 = vector.broadcast %mul3A_18 : i32 to vector<16xi32>
    %add3A_205 = arith.addi %get3A_203, %add3A_204 : vector<16xi32>
    %swap3A_206 = arith.constant 16 : index
    %swap3A_207 = tpu.vector_load %arg5[%swap3A_206] {strides = array<i32>} : memref<128xi32, #tpu.memory_space<vmem>>, vector<16xi32>,
    %swap3A_208 = vector.shape_cast %swap3A_207 : vector<16xi32> to vector<16xi32>
    %swap3A_209 = vector.shape_cast %add3A_205 : vector<16xi32> to vector<16xi32>
    tpu.vector_store %arg5[%swap3A_206], %swap3A_209 {strides = array<i32>} : memref<128xi32, #tpu.memory_space<vmem>>, vector<16xi32>,
    %get3A_210 = arith.constant 32 : index
    %get3A_211 = tpu.vector_load %arg5[%get3A_210] {strides = array<i32>} : memref<128xi32, #tpu.memory_space<vmem>>, vector<16xi32>,
    %get3A_212 = vector.shape_cast %get3A_211 : vector<16xi32> to vector<16xi32>
    %add3A_213 = vector.broadcast %mul3A_18 : i32 to vector<16xi32>
    %add3A_214 = arith.addi %get3A_212, %add3A_213 : vector<16xi32>
    %swap3A_215 = arith.constant 32 : index
    %swap3A_216 = tpu.vector_load %arg5[%swap3A_215] {strides = array<i32>} : memref<128xi32, #tpu.memory_space<vmem>>, vector<16xi32>,
    %swap3A_217 = vector.shape_cast %swap3A_216 : vector<16xi32> to vector<16xi32>
    %swap3A_218 = vector.shape_cast %add3A_214 : vector<16xi32> to vector<16xi32>
    tpu.vector_store %arg5[%swap3A_215], %swap3A_218 {strides = array<i32>} : memref<128xi32, #tpu.memory_space<vmem>>, vector<16xi32>,
    %get3A_219 = arith.constant 48 : index
    %get3A_220 = tpu.vector_load %arg5[%get3A_219] {strides = array<i32>} : memref<128xi32, #tpu.memory_space<vmem>>, vector<16xi32>,
    %get3A_221 = vector.shape_cast %get3A_220 : vector<16xi32> to vector<16xi32>
    %add3A_222 = vector.broadcast %mul3A_18 : i32 to vector<16xi32>
    %add3A_223 = arith.addi %get3A_221, %add3A_222 : vector<16xi32>
    %swap3A_224 = arith.constant 48 : index
    %swap3A_225 = tpu.vector_load %arg5[%swap3A_224] {strides = array<i32>} : memref<128xi32, #tpu.memory_space<vmem>>, vector<16xi32>,
    %swap3A_226 = vector.shape_cast %swap3A_225 : vector<16xi32> to vector<16xi32>
    %swap3A_227 = vector.shape_cast %add3A_223 : vector<16xi32> to vector<16xi32>
    tpu.vector_store %arg5[%swap3A_224], %swap3A_227 {strides = array<i32>} : memref<128xi32, #tpu.memory_space<vmem>>, vector<16xi32>,
    %get3A_228 = arith.constant 64 : index
    %get3A_229 = tpu.vector_load %arg5[%get3A_228] {strides = array<i32>} : memref<128xi32, #tpu.memory_space<vmem>>, vector<16xi32>,
    %get3A_230 = vector.shape_cast %get3A_229 : vector<16xi32> to vector<16xi32>
    %add3A_231 = vector.broadcast %mul3A_18 : i32 to vector<16xi32>
    %add3A_232 = arith.addi %get3A_230, %add3A_231 : vector<16xi32>
    %swap3A_233 = arith.constant 64 : index
    %swap3A_234 = tpu.vector_load %arg5[%swap3A_233] {strides = array<i32>} : memref<128xi32, #tpu.memory_space<vmem>>, vector<16xi32>,
    %swap3A_235 = vector.shape_cast %swap3A_234 : vector<16xi32> to vector<16xi32>
    %swap3A_236 = vector.shape_cast %add3A_232 : vector<16xi32> to vector<16xi32>
    tpu.vector_store %arg5[%swap3A_233], %swap3A_236 {strides = array<i32>} : memref<128xi32, #tpu.memory_space<vmem>>, vector<16xi32>,
    %get3A_237 = arith.constant 80 : index
    %get3A_238 = tpu.vector_load %arg5[%get3A_237] {strides = array<i32>} : memref<128xi32, #tpu.memory_space<vmem>>, vector<16xi32>,
    %get3A_239 = vector.shape_cast %get3A_238 : vector<16xi32> to vector<16xi32>
    %add3A_240 = vector.broadcast %mul3A_18 : i32 to vector<16xi32>
    %add3A_241 = arith.addi %get3A_239, %add3A_240 : vector<16xi32>
    %swap3A_242 = arith.constant 80 : index
    %swap3A_243 = tpu.vector_load %arg5[%swap3A_242] {strides = array<i32>} : memref<128xi32, #tpu.memory_space<vmem>>, vector<16xi32>,
    %swap3A_244 = vector.shape_cast %swap3A_243 : vector<16xi32> to vector<16xi32>
    %swap3A_245 = vector.shape_cast %add3A_241 : vector<16xi32> to vector<16xi32>
    tpu.vector_store %arg5[%swap3A_242], %swap3A_245 {strides = array<i32>} : memref<128xi32, #tpu.memory_space<vmem>>, vector<16xi32>,
    %get3A_246 = arith.constant 96 : index
    %get3A_247 = tpu.vector_load %arg5[%get3A_246] {strides = array<i32>} : memref<128xi32, #tpu.memory_space<vmem>>, vector<16xi32>,
    %get3A_248 = vector.shape_cast %get3A_247 : vector<16xi32> to vector<16xi32>
    %add3A_249 = vector.broadcast %mul3A_18 : i32 to vector<16xi32>
    %add3A_250 = arith.addi %get3A_248, %add3A_249 : vector<16xi32>
    %swap3A_251 = arith.constant 96 : index
    %swap3A_252 = tpu.vector_load %arg5[%swap3A_251] {strides = array<i32>} : memref<128xi32, #tpu.memory_space<vmem>>, vector<16xi32>,
    %swap3A_253 = vector.shape_cast %swap3A_252 : vector<16xi32> to vector<16xi32>
    %swap3A_254 = vector.shape_cast %add3A_250 : vector<16xi32> to vector<16xi32>
    tpu.vector_store %arg5[%swap3A_251], %swap3A_254 {strides = array<i32>} : memref<128xi32, #tpu.memory_space<vmem>>, vector<16xi32>,
    %get3A_255 = arith.constant 112 : index
    %get3A_256 = tpu.vector_load %arg5[%get3A_255] {strides = array<i32>} : memref<128xi32, #tpu.memory_space<vmem>>, vector<16xi32>,
    %get3A_257 = vector.shape_cast %get3A_256 : vector<16xi32> to vector<16xi32>
    %add3A_258 = vector.broadcast %mul3A_18 : i32 to vector<16xi32>
    %add3A_259 = arith.addi %get3A_257, %add3A_258 : vector<16xi32>
    %swap3A_260 = arith.constant 112 : index
    %swap3A_261 = tpu.vector_load %arg5[%swap3A_260] {strides = array<i32>} : memref<128xi32, #tpu.memory_space<vmem>>, vector<16xi32>,
    %swap3A_262 = vector.shape_cast %swap3A_261 : vector<16xi32> to vector<16xi32>
    %swap3A_263 = vector.shape_cast %add3A_259 : vector<16xi32> to vector<16xi32>
    tpu.vector_store %arg5[%swap3A_260], %swap3A_263 {strides = array<i32>} : memref<128xi32, #tpu.memory_space<vmem>>, vector<16xi32>,
    %dma_start3A_264 = arith.constant 0 : i32
    %dma_start3A_265 = arith.constant 0 : i32
    %dma_start3A_266 = tpu.memref_slice %arg2[%dma_start3A_264, %dma_start3A_265] : memref<16384x128xf32, #tpu.memory_space<hbm>> -> memref<16384x128xf32, #tpu.memory_space<hbm>>
    tpu.enqueue_indirect_dma source(%dma_start3A_266 : memref<16384x128xf32, #tpu.memory_space<hbm>>) target(%arg7 : memref<128x128xf32, #tpu.memory_space<vmem>>) offsets(%arg5 : memref<128xi32, #tpu.memory_space<vmem>>) semaphore(%arg9 : memref<!tpu.dma_semaphore, #tpu.memory_space<semaphore_mem>>)
    %dma_wait3A_267 = arith.constant 0 : i32
    %dma_wait3A_268 = arith.constant 0 : i32
    %dma_wait3A_269 = tpu.memref_slice %arg2[%dma_wait3A_267, %dma_wait3A_268] : memref<16384x128xf32, #tpu.memory_space<hbm>> -> memref<16384x128xf32, #tpu.memory_space<hbm>>
    tpu.wait_indirect_dma semaphore(%arg10 : memref<!tpu.dma_semaphore, #tpu.memory_space<semaphore_mem>>) src(%dma_wait3A_269 : memref<16384x128xf32, #tpu.memory_space<hbm>>) dst(%arg8 : memref<128x128xf32, #tpu.memory_space<vmem>>)
    %mul3A_270 = arith.constant 128 : i32
    %mul3A_271 = arith.muli %add3A, %mul3A_270 : i32
    %add3A_272 = arith.constant 8 : i32
    %add3A_273 = arith.addi %mul3A_271, %add3A_272 : i32
    %mul3A_274 = arith.constant 16 : i32
    %mul3A_275 = arith.muli %add3A_273, %mul3A_274 : i32
    "tpu.region"() ({
      %run_scoped3A = tpu.sem_alloc : memref<!tpu.dma_semaphore, #tpu.memory_space<semaphore_mem>>
      %dma_start3A_1455 = arith.constant 0 : i32
      %dma_start3A_1456 = tpu.memref_slice %arg4[%mul3A_275, %dma_start3A_1455] : memref<65536x128xf32, #tpu.memory_space<hbm>> -> memref<128x128xf32, #tpu.memory_space<hbm>>
      %dma_start3A_1457 = arith.constant 0 : i32
      %dma_start3A_1458 = tpu.memref_slice %arg4[%mul3A_275, %dma_start3A_1457] : memref<65536x128xf32, #tpu.memory_space<hbm>> -> memref<128x128xf32, #tpu.memory_space<hbm>>
      tpu.enqueue_dma source(%arg8 : memref<128x128xf32, #tpu.memory_space<vmem>>) target(%dma_start3A_1458 : memref<128x128xf32, #tpu.memory_space<hbm>>) target_semaphore(%run_scoped3A : memref<!tpu.dma_semaphore, #tpu.memory_space<semaphore_mem>>)
      %dma_wait3A_1459 = arith.constant 0 : i32
      %dma_wait3A_1460 = tpu.memref_slice %arg4[%mul3A_275, %dma_wait3A_1459] : memref<65536x128xf32, #tpu.memory_space<hbm>> -> memref<128x128xf32, #tpu.memory_space<hbm>>
      %dma_wait3A_1461 = arith.constant 0 : i32
      %dma_wait3A_1462 = tpu.memref_slice %arg4[%mul3A_275, %dma_wait3A_1461] : memref<65536x128xf32, #tpu.memory_space<hbm>> -> memref<128x128xf32, #tpu.memory_space<hbm>>
      tpu.wait_dma2 semaphore(%run_scoped3A : memref<!tpu.dma_semaphore, #tpu.memory_space<semaphore_mem>>) src(%arg8 : memref<128x128xf32, #tpu.memory_space<vmem>>) dst(%dma_wait3A_1462 : memref<128x128xf32, #tpu.memory_space<hbm>>)
      tpu.yield
    }) : () -> ()
    %mul3A_276 = arith.constant 128 : i32
    %mul3A_277 = arith.muli %add3A, %mul3A_276 : i32
    %add3A_278 = arith.constant 24 : i32
    %add3A_279 = arith.addi %mul3A_277, %add3A_278 : i32
    %mul3A_280 = arith.constant 16 : i32
    %mul3A_281 = arith.muli %add3A_279, %mul3A_280 : i32
    "tpu.region"() ({
      %run_scoped3A = tpu.sem_alloc : memref<!tpu.dma_semaphore, #tpu.memory_space<semaphore_mem>>
      %dma_start3A_1455 = tpu.memref_slice %arg3[%mul3A_281] : memref<65536xi32, #tpu.memory_space<hbm>> -> memref<128xi32, #tpu.memory_space<hbm>>
      %dma_start3A_1456 = tpu.memref_slice %arg3[%mul3A_281] : memref<65536xi32, #tpu.memory_space<hbm>> -> memref<128xi32, #tpu.memory_space<hbm>>
      tpu.enqueue_dma source(%dma_start3A_1456 : memref<128xi32, #tpu.memory_space<hbm>>) target(%arg6 : memref<128xi32, #tpu.memory_space<vmem>>) target_semaphore(%run_scoped3A : memref<!tpu.dma_semaphore, #tpu.memory_space<semaphore_mem>>)
      %dma_wait3A_1457 = tpu.memref_slice %arg3[%mul3A_281] : memref<65536xi32, #tpu.memory_space<hbm>> -> memref<128xi32, #tpu.memory_space<hbm>>
      %dma_wait3A_1458 = tpu.memref_slice %arg3[%mul3A_281] : memref<65536xi32, #tpu.memory_space<hbm>> -> memref<128xi32, #tpu.memory_space<hbm>>
      tpu.wait_dma2 semaphore(%run_scoped3A : memref<!tpu.dma_semaphore, #tpu.memory_space<semaphore_mem>>) src(%dma_wait3A_1458 : memref<128xi32, #tpu.memory_space<hbm>>) dst(%arg6 : memref<128xi32, #tpu.memory_space<vmem>>)
      tpu.yield
    }) : () -> ()
    %get3A_282 = arith.constant 0 : index
    %get3A_283 = tpu.vector_load %arg6[%get3A_282] {strides = array<i32>} : memref<128xi32, #tpu.memory_space<vmem>>, vector<16xi32>,
    %get3A_284 = vector.shape_cast %get3A_283 : vector<16xi32> to vector<16xi32>
    %add3A_285 = vector.broadcast %mul3A_18 : i32 to vector<16xi32>
    %add3A_286 = arith.addi %get3A_284, %add3A_285 : vector<16xi32>
    %swap3A_287 = arith.constant 0 : index
    %swap3A_288 = tpu.vector_load %arg6[%swap3A_287] {strides = array<i32>} : memref<128xi32, #tpu.memory_space<vmem>>, vector<16xi32>,
    %swap3A_289 = vector.shape_cast %swap3A_288 : vector<16xi32> to vector<16xi32>
    %swap3A_290 = vector.shape_cast %add3A_286 : vector<16xi32> to vector<16xi32>
    tpu.vector_store %arg6[%swap3A_287], %swap3A_290 {strides = array<i32>} : memref<128xi32, #tpu.memory_space<vmem>>, vector<16xi32>,
    %get3A_291 = arith.constant 16 : index
    %get3A_292 = tpu.vector_load %arg6[%get3A_291] {strides = array<i32>} : memref<128xi32, #tpu.memory_space<vmem>>, vector<16xi32>,
    %get3A_293 = vector.shape_cast %get3A_292 : vector<16xi32> to vector<16xi32>
    %add3A_294 = vector.broadcast %mul3A_18 : i32 to vector<16xi32>
    %add3A_295 = arith.addi %get3A_293, %add3A_294 : vector<16xi32>
    %swap3A_296 = arith.constant 16 : index
    %swap3A_297 = tpu.vector_load %arg6[%swap3A_296] {strides = array<i32>} : memref<128xi32, #tpu.memory_space<vmem>>, vector<16xi32>,
    %swap3A_298 = vector.shape_cast %swap3A_297 : vector<16xi32> to vector<16xi32>
    %swap3A_299 = vector.shape_cast %add3A_295 : vector<16xi32> to vector<16xi32>
    tpu.vector_store %arg6[%swap3A_296], %swap3A_299 {strides = array<i32>} : memref<128xi32, #tpu.memory_space<vmem>>, vector<16xi32>,
    %get3A_300 = arith.constant 32 : index
    %get3A_301 = tpu.vector_load %arg6[%get3A_300] {strides = array<i32>} : memref<128xi32, #tpu.memory_space<vmem>>, vector<16xi32>,
    %get3A_302 = vector.shape_cast %get3A_301 : vector<16xi32> to vector<16xi32>
    %add3A_303 = vector.broadcast %mul3A_18 : i32 to vector<16xi32>
    %add3A_304 = arith.addi %get3A_302, %add3A_303 : vector<16xi32>
    %swap3A_305 = arith.constant 32 : index
    %swap3A_306 = tpu.vector_load %arg6[%swap3A_305] {strides = array<i32>} : memref<128xi32, #tpu.memory_space<vmem>>, vector<16xi32>,
    %swap3A_307 = vector.shape_cast %swap3A_306 : vector<16xi32> to vector<16xi32>
    %swap3A_308 = vector.shape_cast %add3A_304 : vector<16xi32> to vector<16xi32>
    tpu.vector_store %arg6[%swap3A_305], %swap3A_308 {strides = array<i32>} : memref<128xi32, #tpu.memory_space<vmem>>, vector<16xi32>,
    %get3A_309 = arith.constant 48 : index
    %get3A_310 = tpu.vector_load %arg6[%get3A_309] {strides = array<i32>} : memref<128xi32, #tpu.memory_space<vmem>>, vector<16xi32>,
    %get3A_311 = vector.shape_cast %get3A_310 : vector<16xi32> to vector<16xi32>
    %add3A_312 = vector.broadcast %mul3A_18 : i32 to vector<16xi32>
    %add3A_313 = arith.addi %get3A_311, %add3A_312 : vector<16xi32>
    %swap3A_314 = arith.constant 48 : index
    %swap3A_315 = tpu.vector_load %arg6[%swap3A_314] {strides = array<i32>} : memref<128xi32, #tpu.memory_space<vmem>>, vector<16xi32>,
    %swap3A_316 = vector.shape_cast %swap3A_315 : vector<16xi32> to vector<16xi32>
    %swap3A_317 = vector.shape_cast %add3A_313 : vector<16xi32> to vector<16xi32>
    tpu.vector_store %arg6[%swap3A_314], %swap3A_317 {strides = array<i32>} : memref<128xi32, #tpu.memory_space<vmem>>, vector<16xi32>,
    %get3A_318 = arith.constant 64 : index
    %get3A_319 = tpu.vector_load %arg6[%get3A_318] {strides = array<i32>} : memref<128xi32, #tpu.memory_space<vmem>>, vector<16xi32>,
    %get3A_320 = vector.shape_cast %get3A_319 : vector<16xi32> to vector<16xi32>
    %add3A_321 = vector.broadcast %mul3A_18 : i32 to vector<16xi32>
    %add3A_322 = arith.addi %get3A_320, %add3A_321 : vector<16xi32>
    %swap3A_323 = arith.constant 64 : index
    %swap3A_324 = tpu.vector_load %arg6[%swap3A_323] {strides = array<i32>} : memref<128xi32, #tpu.memory_space<vmem>>, vector<16xi32>,
    %swap3A_325 = vector.shape_cast %swap3A_324 : vector<16xi32> to vector<16xi32>
    %swap3A_326 = vector.shape_cast %add3A_322 : vector<16xi32> to vector<16xi32>
    tpu.vector_store %arg6[%swap3A_323], %swap3A_326 {strides = array<i32>} : memref<128xi32, #tpu.memory_space<vmem>>, vector<16xi32>,
    %get3A_327 = arith.constant 80 : index
    %get3A_328 = tpu.vector_load %arg6[%get3A_327] {strides = array<i32>} : memref<128xi32, #tpu.memory_space<vmem>>, vector<16xi32>,
    %get3A_329 = vector.shape_cast %get3A_328 : vector<16xi32> to vector<16xi32>
    %add3A_330 = vector.broadcast %mul3A_18 : i32 to vector<16xi32>
    %add3A_331 = arith.addi %get3A_329, %add3A_330 : vector<16xi32>
    %swap3A_332 = arith.constant 80 : index
    %swap3A_333 = tpu.vector_load %arg6[%swap3A_332] {strides = array<i32>} : memref<128xi32, #tpu.memory_space<vmem>>, vector<16xi32>,
    %swap3A_334 = vector.shape_cast %swap3A_333 : vector<16xi32> to vector<16xi32>
    %swap3A_335 = vector.shape_cast %add3A_331 : vector<16xi32> to vector<16xi32>
    tpu.vector_store %arg6[%swap3A_332], %swap3A_335 {strides = array<i32>} : memref<128xi32, #tpu.memory_space<vmem>>, vector<16xi32>,
    %get3A_336 = arith.constant 96 : index
    %get3A_337 = tpu.vector_load %arg6[%get3A_336] {strides = array<i32>} : memref<128xi32, #tpu.memory_space<vmem>>, vector<16xi32>,
    %get3A_338 = vector.shape_cast %get3A_337 : vector<16xi32> to vector<16xi32>
    %add3A_339 = vector.broadcast %mul3A_18 : i32 to vector<16xi32>
    %add3A_340 = arith.addi %get3A_338, %add3A_339 : vector<16xi32>
    %swap3A_341 = arith.constant 96 : index
    %swap3A_342 = tpu.vector_load %arg6[%swap3A_341] {strides = array<i32>} : memref<128xi32, #tpu.memory_space<vmem>>, vector<16xi32>,
    %swap3A_343 = vector.shape_cast %swap3A_342 : vector<16xi32> to vector<16xi32>
    %swap3A_344 = vector.shape_cast %add3A_340 : vector<16xi32> to vector<16xi32>
    tpu.vector_store %arg6[%swap3A_341], %swap3A_344 {strides = array<i32>} : memref<128xi32, #tpu.memory_space<vmem>>, vector<16xi32>,
    %get3A_345 = arith.constant 112 : index
    %get3A_346 = tpu.vector_load %arg6[%get3A_345] {strides = array<i32>} : memref<128xi32, #tpu.memory_space<vmem>>, vector<16xi32>,
    %get3A_347 = vector.shape_cast %get3A_346 : vector<16xi32> to vector<16xi32>
    %add3A_348 = vector.broadcast %mul3A_18 : i32 to vector<16xi32>
    %add3A_349 = arith.addi %get3A_347, %add3A_348 : vector<16xi32>
    %swap3A_350 = arith.constant 112 : index
    %swap3A_351 = tpu.vector_load %arg6[%swap3A_350] {strides = array<i32>} : memref<128xi32, #tpu.memory_space<vmem>>, vector<16xi32>,
    %swap3A_352 = vector.shape_cast %swap3A_351 : vector<16xi32> to vector<16xi32>
    %swap3A_353 = vector.shape_cast %add3A_349 : vector<16xi32> to vector<16xi32>
    tpu.vector_store %arg6[%swap3A_350], %swap3A_353 {strides = array<i32>} : memref<128xi32, #tpu.memory_space<vmem>>, vector<16xi32>,
    %dma_start3A_354 = arith.constant 0 : i32
    %dma_start3A_355 = arith.constant 0 : i32
    %dma_start3A_356 = tpu.memref_slice %arg2[%dma_start3A_354, %dma_start3A_355] : memref<16384x128xf32, #tpu.memory_space<hbm>> -> memref<16384x128xf32, #tpu.memory_space<hbm>>
    tpu.enqueue_indirect_dma source(%dma_start3A_356 : memref<16384x128xf32, #tpu.memory_space<hbm>>) target(%arg8 : memref<128x128xf32, #tpu.memory_space<vmem>>) offsets(%arg6 : memref<128xi32, #tpu.memory_space<vmem>>) semaphore(%arg10 : memref<!tpu.dma_semaphore, #tpu.memory_space<semaphore_mem>>)
    %dma_wait3A_357 = arith.constant 0 : i32
    %dma_wait3A_358 = arith.constant 0 : i32
    %dma_wait3A_359 = tpu.memref_slice %arg2[%dma_wait3A_357, %dma_wait3A_358] : memref<16384x128xf32, #tpu.memory_space<hbm>> -> memref<16384x128xf32, #tpu.memory_space<hbm>>
    tpu.wait_indirect_dma semaphore(%arg9 : memref<!tpu.dma_semaphore, #tpu.memory_space<semaphore_mem>>) src(%dma_wait3A_359 : memref<16384x128xf32, #tpu.memory_space<hbm>>) dst(%arg7 : memref<128x128xf32, #tpu.memory_space<vmem>>)
    %mul3A_360 = arith.constant 128 : i32
    %mul3A_361 = arith.muli %add3A, %mul3A_360 : i32
    %add3A_362 = arith.constant 16 : i32
    %add3A_363 = arith.addi %mul3A_361, %add3A_362 : i32
    %mul3A_364 = arith.constant 16 : i32
    %mul3A_365 = arith.muli %add3A_363, %mul3A_364 : i32
    "tpu.region"() ({
      %run_scoped3A = tpu.sem_alloc : memref<!tpu.dma_semaphore, #tpu.memory_space<semaphore_mem>>
      %dma_start3A_1455 = arith.constant 0 : i32
      %dma_start3A_1456 = tpu.memref_slice %arg4[%mul3A_365, %dma_start3A_1455] : memref<65536x128xf32, #tpu.memory_space<hbm>> -> memref<128x128xf32, #tpu.memory_space<hbm>>
      %dma_start3A_1457 = arith.constant 0 : i32
      %dma_start3A_1458 = tpu.memref_slice %arg4[%mul3A_365, %dma_start3A_1457] : memref<65536x128xf32, #tpu.memory_space<hbm>> -> memref<128x128xf32, #tpu.memory_space<hbm>>
      tpu.enqueue_dma source(%arg7 : memref<128x128xf32, #tpu.memory_space<vmem>>) target(%dma_start3A_1458 : memref<128x128xf32, #tpu.memory_space<hbm>>) target_semaphore(%run_scoped3A : memref<!tpu.dma_semaphore, #tpu.memory_space<semaphore_mem>>)
      %dma_wait3A_1459 = arith.constant 0 : i32
      %dma_wait3A_1460 = tpu.memref_slice %arg4[%mul3A_365, %dma_wait3A_1459] : memref<65536x128xf32, #tpu.memory_space<hbm>> -> memref<128x128xf32, #tpu.memory_space<hbm>>
      %dma_wait3A_1461 = arith.constant 0 : i32
      %dma_wait3A_1462 = tpu.memref_slice %arg4[%mul3A_365, %dma_wait3A_1461] : memref<65536x128xf32, #tpu.memory_space<hbm>> -> memref<128x128xf32, #tpu.memory_space<hbm>>
      tpu.wait_dma2 semaphore(%run_scoped3A : memref<!tpu.dma_semaphore, #tpu.memory_space<semaphore_mem>>) src(%arg7 : memref<128x128xf32, #tpu.memory_space<vmem>>) dst(%dma_wait3A_1462 : memref<128x128xf32, #tpu.memory_space<hbm>>)
      tpu.yield
    }) : () -> ()
    %mul3A_366 = arith.constant 128 : i32
    %mul3A_367 = arith.muli %add3A, %mul3A_366 : i32
    %add3A_368 = arith.constant 32 : i32
    %add3A_369 = arith.addi %mul3A_367, %add3A_368 : i32
    %mul3A_370 = arith.constant 16 : i32
    %mul3A_371 = arith.muli %add3A_369, %mul3A_370 : i32
    "tpu.region"() ({
      %run_scoped3A = tpu.sem_alloc : memref<!tpu.dma_semaphore, #tpu.memory_space<semaphore_mem>>
      %dma_start3A_1455 = tpu.memref_slice %arg3[%mul3A_371] : memref<65536xi32, #tpu.memory_space<hbm>> -> memref<128xi32, #tpu.memory_space<hbm>>
      %dma_start3A_1456 = tpu.memref_slice %arg3[%mul3A_371] : memref<65536xi32, #tpu.memory_space<hbm>> -> memref<128xi32, #tpu.memory_space<hbm>>
      tpu.enqueue_dma source(%dma_start3A_1456 : memref<128xi32, #tpu.memory_space<hbm>>) target(%arg5 : memref<128xi32, #tpu.memory_space<vmem>>) target_semaphore(%run_scoped3A : memref<!tpu.dma_semaphore, #tpu.memory_space<semaphore_mem>>)
      %dma_wait3A_1457 = tpu.memref_slice %arg3[%mul3A_371] : memref<65536xi32, #tpu.memory_space<hbm>> -> memref<128xi32, #tpu.memory_space<hbm>>
      %dma_wait3A_1458 = tpu.memref_slice %arg3[%mul3A_371] : memref<65536xi32, #tpu.memory_space<hbm>> -> memref<128xi32, #tpu.memory_space<hbm>>
      tpu.wait_dma2 semaphore(%run_scoped3A : memref<!tpu.dma_semaphore, #tpu.memory_space<semaphore_mem>>) src(%dma_wait3A_1458 : memref<128xi32, #tpu.memory_space<hbm>>) dst(%arg5 : memref<128xi32, #tpu.memory_space<vmem>>)
      tpu.yield
    }) : () -> ()
    %get3A_372 = arith.constant 0 : index
    %get3A_373 = tpu.vector_load %arg5[%get3A_372] {strides = array<i32>} : memref<128xi32, #tpu.memory_space<vmem>>, vector<16xi32>,
    %get3A_374 = vector.shape_cast %get3A_373 : vector<16xi32> to vector<16xi32>
    %add3A_375 = vector.broadcast %mul3A_18 : i32 to vector<16xi32>
    %add3A_376 = arith.addi %get3A_374, %add3A_375 : vector<16xi32>
    %swap3A_377 = arith.constant 0 : index
    %swap3A_378 = tpu.vector_load %arg5[%swap3A_377] {strides = array<i32>} : memref<128xi32, #tpu.memory_space<vmem>>, vector<16xi32>,
    %swap3A_379 = vector.shape_cast %swap3A_378 : vector<16xi32> to vector<16xi32>
    %swap3A_380 = vector.shape_cast %add3A_376 : vector<16xi32> to vector<16xi32>
    tpu.vector_store %arg5[%swap3A_377], %swap3A_380 {strides = array<i32>} : memref<128xi32, #tpu.memory_space<vmem>>, vector<16xi32>,
    %get3A_381 = arith.constant 16 : index
    %get3A_382 = tpu.vector_load %arg5[%get3A_381] {strides = array<i32>} : memref<128xi32, #tpu.memory_space<vmem>>, vector<16xi32>,
    %get3A_383 = vector.shape_cast %get3A_382 : vector<16xi32> to vector<16xi32>
    %add3A_384 = vector.broadcast %mul3A_18 : i32 to vector<16xi32>
    %add3A_385 = arith.addi %get3A_383, %add3A_384 : vector<16xi32>
    %swap3A_386 = arith.constant 16 : index
    %swap3A_387 = tpu.vector_load %arg5[%swap3A_386] {strides = array<i32>} : memref<128xi32, #tpu.memory_space<vmem>>, vector<16xi32>,
    %swap3A_388 = vector.shape_cast %swap3A_387 : vector<16xi32> to vector<16xi32>
    %swap3A_389 = vector.shape_cast %add3A_385 : vector<16xi32> to vector<16xi32>
    tpu.vector_store %arg5[%swap3A_386], %swap3A_389 {strides = array<i32>} : memref<128xi32, #tpu.memory_space<vmem>>, vector<16xi32>,
    %get3A_390 = arith.constant 32 : index
    %get3A_391 = tpu.vector_load %arg5[%get3A_390] {strides = array<i32>} : memref<128xi32, #tpu.memory_space<vmem>>, vector<16xi32>,
    %get3A_392 = vector.shape_cast %get3A_391 : vector<16xi32> to vector<16xi32>
    %add3A_393 = vector.broadcast %mul3A_18 : i32 to vector<16xi32>
    %add3A_394 = arith.addi %get3A_392, %add3A_393 : vector<16xi32>
    %swap3A_395 = arith.constant 32 : index
    %swap3A_396 = tpu.vector_load %arg5[%swap3A_395] {strides = array<i32>} : memref<128xi32, #tpu.memory_space<vmem>>, vector<16xi32>,
    %swap3A_397 = vector.shape_cast %swap3A_396 : vector<16xi32> to vector<16xi32>
    %swap3A_398 = vector.shape_cast %add3A_394 : vector<16xi32> to vector<16xi32>
    tpu.vector_store %arg5[%swap3A_395], %swap3A_398 {strides = array<i32>} : memref<128xi32, #tpu.memory_space<vmem>>, vector<16xi32>,
    %get3A_399 = arith.constant 48 : index
    %get3A_400 = tpu.vector_load %arg5[%get3A_399] {strides = array<i32>} : memref<128xi32, #tpu.memory_space<vmem>>, vector<16xi32>,
    %get3A_401 = vector.shape_cast %get3A_400 : vector<16xi32> to vector<16xi32>
    %add3A_402 = vector.broadcast %mul3A_18 : i32 to vector<16xi32>
    %add3A_403 = arith.addi %get3A_401, %add3A_402 : vector<16xi32>
    %swap3A_404 = arith.constant 48 : index
    %swap3A_405 = tpu.vector_load %arg5[%swap3A_404] {strides = array<i32>} : memref<128xi32, #tpu.memory_space<vmem>>, vector<16xi32>,
    %swap3A_406 = vector.shape_cast %swap3A_405 : vector<16xi32> to vector<16xi32>
    %swap3A_407 = vector.shape_cast %add3A_403 : vector<16xi32> to vector<16xi32>
    tpu.vector_store %arg5[%swap3A_404], %swap3A_407 {strides = array<i32>} : memref<128xi32, #tpu.memory_space<vmem>>, vector<16xi32>,
    %get3A_408 = arith.constant 64 : index
    %get3A_409 = tpu.vector_load %arg5[%get3A_408] {strides = array<i32>} : memref<128xi32, #tpu.memory_space<vmem>>, vector<16xi32>,
    %get3A_410 = vector.shape_cast %get3A_409 : vector<16xi32> to vector<16xi32>
    %add3A_411 = vector.broadcast %mul3A_18 : i32 to vector<16xi32>
    %add3A_412 = arith.addi %get3A_410, %add3A_411 : vector<16xi32>
    %swap3A_413 = arith.constant 64 : index
    %swap3A_414 = tpu.vector_load %arg5[%swap3A_413] {strides = array<i32>} : memref<128xi32, #tpu.memory_space<vmem>>, vector<16xi32>,
    %swap3A_415 = vector.shape_cast %swap3A_414 : vector<16xi32> to vector<16xi32>
    %swap3A_416 = vector.shape_cast %add3A_412 : vector<16xi32> to vector<16xi32>
    tpu.vector_store %arg5[%swap3A_413], %swap3A_416 {strides = array<i32>} : memref<128xi32, #tpu.memory_space<vmem>>, vector<16xi32>,
    %get3A_417 = arith.constant 80 : index
    %get3A_418 = tpu.vector_load %arg5[%get3A_417] {strides = array<i32>} : memref<128xi32, #tpu.memory_space<vmem>>, vector<16xi32>,
    %get3A_419 = vector.shape_cast %get3A_418 : vector<16xi32> to vector<16xi32>
    %add3A_420 = vector.broadcast %mul3A_18 : i32 to vector<16xi32>
    %add3A_421 = arith.addi %get3A_419, %add3A_420 : vector<16xi32>
    %swap3A_422 = arith.constant 80 : index
    %swap3A_423 = tpu.vector_load %arg5[%swap3A_422] {strides = array<i32>} : memref<128xi32, #tpu.memory_space<vmem>>, vector<16xi32>,
    %swap3A_424 = vector.shape_cast %swap3A_423 : vector<16xi32> to vector<16xi32>
    %swap3A_425 = vector.shape_cast %add3A_421 : vector<16xi32> to vector<16xi32>
    tpu.vector_store %arg5[%swap3A_422], %swap3A_425 {strides = array<i32>} : memref<128xi32, #tpu.memory_space<vmem>>, vector<16xi32>,
    %get3A_426 = arith.constant 96 : index
    %get3A_427 = tpu.vector_load %arg5[%get3A_426] {strides = array<i32>} : memref<128xi32, #tpu.memory_space<vmem>>, vector<16xi32>,
    %get3A_428 = vector.shape_cast %get3A_427 : vector<16xi32> to vector<16xi32>
    %add3A_429 = vector.broadcast %mul3A_18 : i32 to vector<16xi32>
    %add3A_430 = arith.addi %get3A_428, %add3A_429 : vector<16xi32>
    %swap3A_431 = arith.constant 96 : index
    %swap3A_432 = tpu.vector_load %arg5[%swap3A_431] {strides = array<i32>} : memref<128xi32, #tpu.memory_space<vmem>>, vector<16xi32>,
    %swap3A_433 = vector.shape_cast %swap3A_432 : vector<16xi32> to vector<16xi32>
    %swap3A_434 = vector.shape_cast %add3A_430 : vector<16xi32> to vector<16xi32>
    tpu.vector_store %arg5[%swap3A_431], %swap3A_434 {strides = array<i32>} : memref<128xi32, #tpu.memory_space<vmem>>, vector<16xi32>,
    %get3A_435 = arith.constant 112 : index
    %get3A_436 = tpu.vector_load %arg5[%get3A_435] {strides = array<i32>} : memref<128xi32, #tpu.memory_space<vmem>>, vector<16xi32>,
    %get3A_437 = vector.shape_cast %get3A_436 : vector<16xi32> to vector<16xi32>
    %add3A_438 = vector.broadcast %mul3A_18 : i32 to vector<16xi32>
    %add3A_439 = arith.addi %get3A_437, %add3A_438 : vector<16xi32>
    %swap3A_440 = arith.constant 112 : index
    %swap3A_441 = tpu.vector_load %arg5[%swap3A_440] {strides = array<i32>} : memref<128xi32, #tpu.memory_space<vmem>>, vector<16xi32>,
    %swap3A_442 = vector.shape_cast %swap3A_441 : vector<16xi32> to vector<16xi32>
    %swap3A_443 = vector.shape_cast %add3A_439 : vector<16xi32> to vector<16xi32>
    tpu.vector_store %arg5[%swap3A_440], %swap3A_443 {strides = array<i32>} : memref<128xi32, #tpu.memory_space<vmem>>, vector<16xi32>,
    %dma_start3A_444 = arith.constant 0 : i32
    %dma_start3A_445 = arith.constant 0 : i32
    %dma_start3A_446 = tpu.memref_slice %arg2[%dma_start3A_444, %dma_start3A_445] : memref<16384x128xf32, #tpu.memory_space<hbm>> -> memref<16384x128xf32, #tpu.memory_space<hbm>>
    tpu.enqueue_indirect_dma source(%dma_start3A_446 : memref<16384x128xf32, #tpu.memory_space<hbm>>) target(%arg7 : memref<128x128xf32, #tpu.memory_space<vmem>>) offsets(%arg5 : memref<128xi32, #tpu.memory_space<vmem>>) semaphore(%arg9 : memref<!tpu.dma_semaphore, #tpu.memory_space<semaphore_mem>>)
    %dma_wait3A_447 = arith.constant 0 : i32
    %dma_wait3A_448 = arith.constant 0 : i32
    %dma_wait3A_449 = tpu.memref_slice %arg2[%dma_wait3A_447, %dma_wait3A_448] : memref<16384x128xf32, #tpu.memory_space<hbm>> -> memref<16384x128xf32, #tpu.memory_space<hbm>>
    tpu.wait_indirect_dma semaphore(%arg10 : memref<!tpu.dma_semaphore, #tpu.memory_space<semaphore_mem>>) src(%dma_wait3A_449 : memref<16384x128xf32, #tpu.memory_space<hbm>>) dst(%arg8 : memref<128x128xf32, #tpu.memory_space<vmem>>)
    %mul3A_450 = arith.constant 128 : i32
    %mul3A_451 = arith.muli %add3A, %mul3A_450 : i32
    %add3A_452 = arith.constant 24 : i32
    %add3A_453 = arith.addi %mul3A_451, %add3A_452 : i32
    %mul3A_454 = arith.constant 16 : i32
    %mul3A_455 = arith.muli %add3A_453, %mul3A_454 : i32
    "tpu.region"() ({
      %run_scoped3A = tpu.sem_alloc : memref<!tpu.dma_semaphore, #tpu.memory_space<semaphore_mem>>
      %dma_start3A_1455 = arith.constant 0 : i32
      %dma_start3A_1456 = tpu.memref_slice %arg4[%mul3A_455, %dma_start3A_1455] : memref<65536x128xf32, #tpu.memory_space<hbm>> -> memref<128x128xf32, #tpu.memory_space<hbm>>
      %dma_start3A_1457 = arith.constant 0 : i32
      %dma_start3A_1458 = tpu.memref_slice %arg4[%mul3A_455, %dma_start3A_1457] : memref<65536x128xf32, #tpu.memory_space<hbm>> -> memref<128x128xf32, #tpu.memory_space<hbm>>
      tpu.enqueue_dma source(%arg8 : memref<128x128xf32, #tpu.memory_space<vmem>>) target(%dma_start3A_1458 : memref<128x128xf32, #tpu.memory_space<hbm>>) target_semaphore(%run_scoped3A : memref<!tpu.dma_semaphore, #tpu.memory_space<semaphore_mem>>)
      %dma_wait3A_1459 = arith.constant 0 : i32
      %dma_wait3A_1460 = tpu.memref_slice %arg4[%mul3A_455, %dma_wait3A_1459] : memref<65536x128xf32, #tpu.memory_space<hbm>> -> memref<128x128xf32, #tpu.memory_space<hbm>>
      %dma_wait3A_1461 = arith.constant 0 : i32
      %dma_wait3A_1462 = tpu.memref_slice %arg4[%mul3A_455, %dma_wait3A_1461] : memref<65536x128xf32, #tpu.memory_space<hbm>> -> memref<128x128xf32, #tpu.memory_space<hbm>>
      tpu.wait_dma2 semaphore(%run_scoped3A : memref<!tpu.dma_semaphore, #tpu.memory_space<semaphore_mem>>) src(%arg8 : memref<128x128xf32, #tpu.memory_space<vmem>>) dst(%dma_wait3A_1462 : memref<128x128xf32, #tpu.memory_space<hbm>>)
      tpu.yield
    }) : () -> ()
    %mul3A_456 = arith.constant 128 : i32
    %mul3A_457 = arith.muli %add3A, %mul3A_456 : i32
    %add3A_458 = arith.constant 40 : i32
    %add3A_459 = arith.addi %mul3A_457, %add3A_458 : i32
    %mul3A_460 = arith.constant 16 : i32
    %mul3A_461 = arith.muli %add3A_459, %mul3A_460 : i32
    "tpu.region"() ({
      %run_scoped3A = tpu.sem_alloc : memref<!tpu.dma_semaphore, #tpu.memory_space<semaphore_mem>>
      %dma_start3A_1455 = tpu.memref_slice %arg3[%mul3A_461] : memref<65536xi32, #tpu.memory_space<hbm>> -> memref<128xi32, #tpu.memory_space<hbm>>
      %dma_start3A_1456 = tpu.memref_slice %arg3[%mul3A_461] : memref<65536xi32, #tpu.memory_space<hbm>> -> memref<128xi32, #tpu.memory_space<hbm>>
      tpu.enqueue_dma source(%dma_start3A_1456 : memref<128xi32, #tpu.memory_space<hbm>>) target(%arg6 : memref<128xi32, #tpu.memory_space<vmem>>) target_semaphore(%run_scoped3A : memref<!tpu.dma_semaphore, #tpu.memory_space<semaphore_mem>>)
      %dma_wait3A_1457 = tpu.memref_slice %arg3[%mul3A_461] : memref<65536xi32, #tpu.memory_space<hbm>> -> memref<128xi32, #tpu.memory_space<hbm>>
      %dma_wait3A_1458 = tpu.memref_slice %arg3[%mul3A_461] : memref<65536xi32, #tpu.memory_space<hbm>> -> memref<128xi32, #tpu.memory_space<hbm>>
      tpu.wait_dma2 semaphore(%run_scoped3A : memref<!tpu.dma_semaphore, #tpu.memory_space<semaphore_mem>>) src(%dma_wait3A_1458 : memref<128xi32, #tpu.memory_space<hbm>>) dst(%arg6 : memref<128xi32, #tpu.memory_space<vmem>>)
      tpu.yield
    }) : () -> ()
    %get3A_462 = arith.constant 0 : index
    %get3A_463 = tpu.vector_load %arg6[%get3A_462] {strides = array<i32>} : memref<128xi32, #tpu.memory_space<vmem>>, vector<16xi32>,
    %get3A_464 = vector.shape_cast %get3A_463 : vector<16xi32> to vector<16xi32>
    %add3A_465 = vector.broadcast %mul3A_18 : i32 to vector<16xi32>
    %add3A_466 = arith.addi %get3A_464, %add3A_465 : vector<16xi32>
    %swap3A_467 = arith.constant 0 : index
    %swap3A_468 = tpu.vector_load %arg6[%swap3A_467] {strides = array<i32>} : memref<128xi32, #tpu.memory_space<vmem>>, vector<16xi32>,
    %swap3A_469 = vector.shape_cast %swap3A_468 : vector<16xi32> to vector<16xi32>
    %swap3A_470 = vector.shape_cast %add3A_466 : vector<16xi32> to vector<16xi32>
    tpu.vector_store %arg6[%swap3A_467], %swap3A_470 {strides = array<i32>} : memref<128xi32, #tpu.memory_space<vmem>>, vector<16xi32>,
    %get3A_471 = arith.constant 16 : index
    %get3A_472 = tpu.vector_load %arg6[%get3A_471] {strides = array<i32>} : memref<128xi32, #tpu.memory_space<vmem>>, vector<16xi32>,
    %get3A_473 = vector.shape_cast %get3A_472 : vector<16xi32> to vector<16xi32>
    %add3A_474 = vector.broadcast %mul3A_18 : i32 to vector<16xi32>
    %add3A_475 = arith.addi %get3A_473, %add3A_474 : vector<16xi32>
    %swap3A_476 = arith.constant 16 : index
    %swap3A_477 = tpu.vector_load %arg6[%swap3A_476] {strides = array<i32>} : memref<128xi32, #tpu.memory_space<vmem>>, vector<16xi32>,
    %swap3A_478 = vector.shape_cast %swap3A_477 : vector<16xi32> to vector<16xi32>
    %swap3A_479 = vector.shape_cast %add3A_475 : vector<16xi32> to vector<16xi32>
    tpu.vector_store %arg6[%swap3A_476], %swap3A_479 {strides = array<i32>} : memref<128xi32, #tpu.memory_space<vmem>>, vector<16xi32>,
    %get3A_480 = arith.constant 32 : index
    %get3A_481 = tpu.vector_load %arg6[%get3A_480] {strides = array<i32>} : memref<128xi32, #tpu.memory_space<vmem>>, vector<16xi32>,
    %get3A_482 = vector.shape_cast %get3A_481 : vector<16xi32> to vector<16xi32>
    %add3A_483 = vector.broadcast %mul3A_18 : i32 to vector<16xi32>
    %add3A_484 = arith.addi %get3A_482, %add3A_483 : vector<16xi32>
    %swap3A_485 = arith.constant 32 : index
    %swap3A_486 = tpu.vector_load %arg6[%swap3A_485] {strides = array<i32>} : memref<128xi32, #tpu.memory_space<vmem>>, vector<16xi32>,
    %swap3A_487 = vector.shape_cast %swap3A_486 : vector<16xi32> to vector<16xi32>
    %swap3A_488 = vector.shape_cast %add3A_484 : vector<16xi32> to vector<16xi32>
    tpu.vector_store %arg6[%swap3A_485], %swap3A_488 {strides = array<i32>} : memref<128xi32, #tpu.memory_space<vmem>>, vector<16xi32>,
    %get3A_489 = arith.constant 48 : index
    %get3A_490 = tpu.vector_load %arg6[%get3A_489] {strides = array<i32>} : memref<128xi32, #tpu.memory_space<vmem>>, vector<16xi32>,
    %get3A_491 = vector.shape_cast %get3A_490 : vector<16xi32> to vector<16xi32>
    %add3A_492 = vector.broadcast %mul3A_18 : i32 to vector<16xi32>
    %add3A_493 = arith.addi %get3A_491, %add3A_492 : vector<16xi32>
    %swap3A_494 = arith.constant 48 : index
    %swap3A_495 = tpu.vector_load %arg6[%swap3A_494] {strides = array<i32>} : memref<128xi32, #tpu.memory_space<vmem>>, vector<16xi32>,
    %swap3A_496 = vector.shape_cast %swap3A_495 : vector<16xi32> to vector<16xi32>
    %swap3A_497 = vector.shape_cast %add3A_493 : vector<16xi32> to vector<16xi32>
    tpu.vector_store %arg6[%swap3A_494], %swap3A_497 {strides = array<i32>} : memref<128xi32, #tpu.memory_space<vmem>>, vector<16xi32>,
    %get3A_498 = arith.constant 64 : index
    %get3A_499 = tpu.vector_load %arg6[%get3A_498] {strides = array<i32>} : memref<128xi32, #tpu.memory_space<vmem>>, vector<16xi32>,
    %get3A_500 = vector.shape_cast %get3A_499 : vector<16xi32> to vector<16xi32>
    %add3A_501 = vector.broadcast %mul3A_18 : i32 to vector<16xi32>
    %add3A_502 = arith.addi %get3A_500, %add3A_501 : vector<16xi32>
    %swap3A_503 = arith.constant 64 : index
    %swap3A_504 = tpu.vector_load %arg6[%swap3A_503] {strides = array<i32>} : memref<128xi32, #tpu.memory_space<vmem>>, vector<16xi32>,
    %swap3A_505 = vector.shape_cast %swap3A_504 : vector<16xi32> to vector<16xi32>
    %swap3A_506 = vector.shape_cast %add3A_502 : vector<16xi32> to vector<16xi32>
    tpu.vector_store %arg6[%swap3A_503], %swap3A_506 {strides = array<i32>} : memref<128xi32, #tpu.memory_space<vmem>>, vector<16xi32>,
    %get3A_507 = arith.constant 80 : index
    %get3A_508 = tpu.vector_load %arg6[%get3A_507] {strides = array<i32>} : memref<128xi32, #tpu.memory_space<vmem>>, vector<16xi32>,
    %get3A_509 = vector.shape_cast %get3A_508 : vector<16xi32> to vector<16xi32>
    %add3A_510 = vector.broadcast %mul3A_18 : i32 to vector<16xi32>
    %add3A_511 = arith.addi %get3A_509, %add3A_510 : vector<16xi32>
    %swap3A_512 = arith.constant 80 : index
    %swap3A_513 = tpu.vector_load %arg6[%swap3A_512] {strides = array<i32>} : memref<128xi32, #tpu.memory_space<vmem>>, vector<16xi32>,
    %swap3A_514 = vector.shape_cast %swap3A_513 : vector<16xi32> to vector<16xi32>
    %swap3A_515 = vector.shape_cast %add3A_511 : vector<16xi32> to vector<16xi32>
    tpu.vector_store %arg6[%swap3A_512], %swap3A_515 {strides = array<i32>} : memref<128xi32, #tpu.memory_space<vmem>>, vector<16xi32>,
    %get3A_516 = arith.constant 96 : index
    %get3A_517 = tpu.vector_load %arg6[%get3A_516] {strides = array<i32>} : memref<128xi32, #tpu.memory_space<vmem>>, vector<16xi32>,
    %get3A_518 = vector.shape_cast %get3A_517 : vector<16xi32> to vector<16xi32>
    %add3A_519 = vector.broadcast %mul3A_18 : i32 to vector<16xi32>
    %add3A_520 = arith.addi %get3A_518, %add3A_519 : vector<16xi32>
    %swap3A_521 = arith.constant 96 : index
    %swap3A_522 = tpu.vector_load %arg6[%swap3A_521] {strides = array<i32>} : memref<128xi32, #tpu.memory_space<vmem>>, vector<16xi32>,
    %swap3A_523 = vector.shape_cast %swap3A_522 : vector<16xi32> to vector<16xi32>
    %swap3A_524 = vector.shape_cast %add3A_520 : vector<16xi32> to vector<16xi32>
    tpu.vector_store %arg6[%swap3A_521], %swap3A_524 {strides = array<i32>} : memref<128xi32, #tpu.memory_space<vmem>>, vector<16xi32>,
    %get3A_525 = arith.constant 112 : index
    %get3A_526 = tpu.vector_load %arg6[%get3A_525] {strides = array<i32>} : memref<128xi32, #tpu.memory_space<vmem>>, vector<16xi32>,
    %get3A_527 = vector.shape_cast %get3A_526 : vector<16xi32> to vector<16xi32>
    %add3A_528 = vector.broadcast %mul3A_18 : i32 to vector<16xi32>
    %add3A_529 = arith.addi %get3A_527, %add3A_528 : vector<16xi32>
    %swap3A_530 = arith.constant 112 : index
    %swap3A_531 = tpu.vector_load %arg6[%swap3A_530] {strides = array<i32>} : memref<128xi32, #tpu.memory_space<vmem>>, vector<16xi32>,
    %swap3A_532 = vector.shape_cast %swap3A_531 : vector<16xi32> to vector<16xi32>
    %swap3A_533 = vector.shape_cast %add3A_529 : vector<16xi32> to vector<16xi32>
    tpu.vector_store %arg6[%swap3A_530], %swap3A_533 {strides = array<i32>} : memref<128xi32, #tpu.memory_space<vmem>>, vector<16xi32>,
    %dma_start3A_534 = arith.constant 0 : i32
    %dma_start3A_535 = arith.constant 0 : i32
    %dma_start3A_536 = tpu.memref_slice %arg2[%dma_start3A_534, %dma_start3A_535] : memref<16384x128xf32, #tpu.memory_space<hbm>> -> memref<16384x128xf32, #tpu.memory_space<hbm>>
    tpu.enqueue_indirect_dma source(%dma_start3A_536 : memref<16384x128xf32, #tpu.memory_space<hbm>>) target(%arg8 : memref<128x128xf32, #tpu.memory_space<vmem>>) offsets(%arg6 : memref<128xi32, #tpu.memory_space<vmem>>) semaphore(%arg10 : memref<!tpu.dma_semaphore, #tpu.memory_space<semaphore_mem>>)
    %dma_wait3A_537 = arith.constant 0 : i32
    %dma_wait3A_538 = arith.constant 0 : i32
    %dma_wait3A_539 = tpu.memref_slice %arg2[%dma_wait3A_537, %dma_wait3A_538] : memref<16384x128xf32, #tpu.memory_space<hbm>> -> memref<16384x128xf32, #tpu.memory_space<hbm>>
    tpu.wait_indirect_dma semaphore(%arg9 : memref<!tpu.dma_semaphore, #tpu.memory_space<semaphore_mem>>) src(%dma_wait3A_539 : memref<16384x128xf32, #tpu.memory_space<hbm>>) dst(%arg7 : memref<128x128xf32, #tpu.memory_space<vmem>>)
    %mul3A_540 = arith.constant 128 : i32
    %mul3A_541 = arith.muli %add3A, %mul3A_540 : i32
    %add3A_542 = arith.constant 32 : i32
    %add3A_543 = arith.addi %mul3A_541, %add3A_542 : i32
    %mul3A_544 = arith.constant 16 : i32
    %mul3A_545 = arith.muli %add3A_543, %mul3A_544 : i32
    "tpu.region"() ({
      %run_scoped3A = tpu.sem_alloc : memref<!tpu.dma_semaphore, #tpu.memory_space<semaphore_mem>>
      %dma_start3A_1455 = arith.constant 0 : i32
      %dma_start3A_1456 = tpu.memref_slice %arg4[%mul3A_545, %dma_start3A_1455] : memref<65536x128xf32, #tpu.memory_space<hbm>> -> memref<128x128xf32, #tpu.memory_space<hbm>>
      %dma_start3A_1457 = arith.constant 0 : i32
      %dma_start3A_1458 = tpu.memref_slice %arg4[%mul3A_545, %dma_start3A_1457] : memref<65536x128xf32, #tpu.memory_space<hbm>> -> memref<128x128xf32, #tpu.memory_space<hbm>>
      tpu.enqueue_dma source(%arg7 : memref<128x128xf32, #tpu.memory_space<vmem>>) target(%dma_start3A_1458 : memref<128x128xf32, #tpu.memory_space<hbm>>) target_semaphore(%run_scoped3A : memref<!tpu.dma_semaphore, #tpu.memory_space<semaphore_mem>>)
      %dma_wait3A_1459 = arith.constant 0 : i32
      %dma_wait3A_1460 = tpu.memref_slice %arg4[%mul3A_545, %dma_wait3A_1459] : memref<65536x128xf32, #tpu.memory_space<hbm>> -> memref<128x128xf32, #tpu.memory_space<hbm>>
      %dma_wait3A_1461 = arith.constant 0 : i32
      %dma_wait3A_1462 = tpu.memref_slice %arg4[%mul3A_545, %dma_wait3A_1461] : memref<65536x128xf32, #tpu.memory_space<hbm>> -> memref<128x128xf32, #tpu.memory_space<hbm>>
      tpu.wait_dma2 semaphore(%run_scoped3A : memref<!tpu.dma_semaphore, #tpu.memory_space<semaphore_mem>>) src(%arg7 : memref<128x128xf32, #tpu.memory_space<vmem>>) dst(%dma_wait3A_1462 : memref<128x128xf32, #tpu.memory_space<hbm>>)
      tpu.yield
    }) : () -> ()
    %mul3A_546 = arith.constant 128 : i32
    %mul3A_547 = arith.muli %add3A, %mul3A_546 : i32
    %add3A_548 = arith.constant 48 : i32
    %add3A_549 = arith.addi %mul3A_547, %add3A_548 : i32
    %mul3A_550 = arith.constant 16 : i32
    %mul3A_551 = arith.muli %add3A_549, %mul3A_550 : i32
    "tpu.region"() ({
      %run_scoped3A = tpu.sem_alloc : memref<!tpu.dma_semaphore, #tpu.memory_space<semaphore_mem>>
      %dma_start3A_1455 = tpu.memref_slice %arg3[%mul3A_551] : memref<65536xi32, #tpu.memory_space<hbm>> -> memref<128xi32, #tpu.memory_space<hbm>>
      %dma_start3A_1456 = tpu.memref_slice %arg3[%mul3A_551] : memref<65536xi32, #tpu.memory_space<hbm>> -> memref<128xi32, #tpu.memory_space<hbm>>
      tpu.enqueue_dma source(%dma_start3A_1456 : memref<128xi32, #tpu.memory_space<hbm>>) target(%arg5 : memref<128xi32, #tpu.memory_space<vmem>>) target_semaphore(%run_scoped3A : memref<!tpu.dma_semaphore, #tpu.memory_space<semaphore_mem>>)
      %dma_wait3A_1457 = tpu.memref_slice %arg3[%mul3A_551] : memref<65536xi32, #tpu.memory_space<hbm>> -> memref<128xi32, #tpu.memory_space<hbm>>
      %dma_wait3A_1458 = tpu.memref_slice %arg3[%mul3A_551] : memref<65536xi32, #tpu.memory_space<hbm>> -> memref<128xi32, #tpu.memory_space<hbm>>
      tpu.wait_dma2 semaphore(%run_scoped3A : memref<!tpu.dma_semaphore, #tpu.memory_space<semaphore_mem>>) src(%dma_wait3A_1458 : memref<128xi32, #tpu.memory_space<hbm>>) dst(%arg5 : memref<128xi32, #tpu.memory_space<vmem>>)
      tpu.yield
    }) : () -> ()
    %get3A_552 = arith.constant 0 : index
    %get3A_553 = tpu.vector_load %arg5[%get3A_552] {strides = array<i32>} : memref<128xi32, #tpu.memory_space<vmem>>, vector<16xi32>,
    %get3A_554 = vector.shape_cast %get3A_553 : vector<16xi32> to vector<16xi32>
    %add3A_555 = vector.broadcast %mul3A_18 : i32 to vector<16xi32>
    %add3A_556 = arith.addi %get3A_554, %add3A_555 : vector<16xi32>
    %swap3A_557 = arith.constant 0 : index
    %swap3A_558 = tpu.vector_load %arg5[%swap3A_557] {strides = array<i32>} : memref<128xi32, #tpu.memory_space<vmem>>, vector<16xi32>,
    %swap3A_559 = vector.shape_cast %swap3A_558 : vector<16xi32> to vector<16xi32>
    %swap3A_560 = vector.shape_cast %add3A_556 : vector<16xi32> to vector<16xi32>
    tpu.vector_store %arg5[%swap3A_557], %swap3A_560 {strides = array<i32>} : memref<128xi32, #tpu.memory_space<vmem>>, vector<16xi32>,
    %get3A_561 = arith.constant 16 : index
    %get3A_562 = tpu.vector_load %arg5[%get3A_561] {strides = array<i32>} : memref<128xi32, #tpu.memory_space<vmem>>, vector<16xi32>,
    %get3A_563 = vector.shape_cast %get3A_562 : vector<16xi32> to vector<16xi32>
    %add3A_564 = vector.broadcast %mul3A_18 : i32 to vector<16xi32>
    %add3A_565 = arith.addi %get3A_563, %add3A_564 : vector<16xi32>
    %swap3A_566 = arith.constant 16 : index
    %swap3A_567 = tpu.vector_load %arg5[%swap3A_566] {strides = array<i32>} : memref<128xi32, #tpu.memory_space<vmem>>, vector<16xi32>,
    %swap3A_568 = vector.shape_cast %swap3A_567 : vector<16xi32> to vector<16xi32>
    %swap3A_569 = vector.shape_cast %add3A_565 : vector<16xi32> to vector<16xi32>
    tpu.vector_store %arg5[%swap3A_566], %swap3A_569 {strides = array<i32>} : memref<128xi32, #tpu.memory_space<vmem>>, vector<16xi32>,
    %get3A_570 = arith.constant 32 : index
    %get3A_571 = tpu.vector_load %arg5[%get3A_570] {strides = array<i32>} : memref<128xi32, #tpu.memory_space<vmem>>, vector<16xi32>,
    %get3A_572 = vector.shape_cast %get3A_571 : vector<16xi32> to vector<16xi32>
    %add3A_573 = vector.broadcast %mul3A_18 : i32 to vector<16xi32>
    %add3A_574 = arith.addi %get3A_572, %add3A_573 : vector<16xi32>
    %swap3A_575 = arith.constant 32 : index
    %swap3A_576 = tpu.vector_load %arg5[%swap3A_575] {strides = array<i32>} : memref<128xi32, #tpu.memory_space<vmem>>, vector<16xi32>,
    %swap3A_577 = vector.shape_cast %swap3A_576 : vector<16xi32> to vector<16xi32>
    %swap3A_578 = vector.shape_cast %add3A_574 : vector<16xi32> to vector<16xi32>
    tpu.vector_store %arg5[%swap3A_575], %swap3A_578 {strides = array<i32>} : memref<128xi32, #tpu.memory_space<vmem>>, vector<16xi32>,
    %get3A_579 = arith.constant 48 : index
    %get3A_580 = tpu.vector_load %arg5[%get3A_579] {strides = array<i32>} : memref<128xi32, #tpu.memory_space<vmem>>, vector<16xi32>,
    %get3A_581 = vector.shape_cast %get3A_580 : vector<16xi32> to vector<16xi32>
    %add3A_582 = vector.broadcast %mul3A_18 : i32 to vector<16xi32>
    %add3A_583 = arith.addi %get3A_581, %add3A_582 : vector<16xi32>
    %swap3A_584 = arith.constant 48 : index
    %swap3A_585 = tpu.vector_load %arg5[%swap3A_584] {strides = array<i32>} : memref<128xi32, #tpu.memory_space<vmem>>, vector<16xi32>,
    %swap3A_586 = vector.shape_cast %swap3A_585 : vector<16xi32> to vector<16xi32>
    %swap3A_587 = vector.shape_cast %add3A_583 : vector<16xi32> to vector<16xi32>
    tpu.vector_store %arg5[%swap3A_584], %swap3A_587 {strides = array<i32>} : memref<128xi32, #tpu.memory_space<vmem>>, vector<16xi32>,
    %get3A_588 = arith.constant 64 : index
    %get3A_589 = tpu.vector_load %arg5[%get3A_588] {strides = array<i32>} : memref<128xi32, #tpu.memory_space<vmem>>, vector<16xi32>,
    %get3A_590 = vector.shape_cast %get3A_589 : vector<16xi32> to vector<16xi32>
    %add3A_591 = vector.broadcast %mul3A_18 : i32 to vector<16xi32>
    %add3A_592 = arith.addi %get3A_590, %add3A_591 : vector<16xi32>
    %swap3A_593 = arith.constant 64 : index
    %swap3A_594 = tpu.vector_load %arg5[%swap3A_593] {strides = array<i32>} : memref<128xi32, #tpu.memory_space<vmem>>, vector<16xi32>,
    %swap3A_595 = vector.shape_cast %swap3A_594 : vector<16xi32> to vector<16xi32>
    %swap3A_596 = vector.shape_cast %add3A_592 : vector<16xi32> to vector<16xi32>
    tpu.vector_store %arg5[%swap3A_593], %swap3A_596 {strides = array<i32>} : memref<128xi32, #tpu.memory_space<vmem>>, vector<16xi32>,
    %get3A_597 = arith.constant 80 : index
    %get3A_598 = tpu.vector_load %arg5[%get3A_597] {strides = array<i32>} : memref<128xi32, #tpu.memory_space<vmem>>, vector<16xi32>,
    %get3A_599 = vector.shape_cast %get3A_598 : vector<16xi32> to vector<16xi32>
    %add3A_600 = vector.broadcast %mul3A_18 : i32 to vector<16xi32>
    %add3A_601 = arith.addi %get3A_599, %add3A_600 : vector<16xi32>
    %swap3A_602 = arith.constant 80 : index
    %swap3A_603 = tpu.vector_load %arg5[%swap3A_602] {strides = array<i32>} : memref<128xi32, #tpu.memory_space<vmem>>, vector<16xi32>,
    %swap3A_604 = vector.shape_cast %swap3A_603 : vector<16xi32> to vector<16xi32>
    %swap3A_605 = vector.shape_cast %add3A_601 : vector<16xi32> to vector<16xi32>
    tpu.vector_store %arg5[%swap3A_602], %swap3A_605 {strides = array<i32>} : memref<128xi32, #tpu.memory_space<vmem>>, vector<16xi32>,
    %get3A_606 = arith.constant 96 : index
    %get3A_607 = tpu.vector_load %arg5[%get3A_606] {strides = array<i32>} : memref<128xi32, #tpu.memory_space<vmem>>, vector<16xi32>,
    %get3A_608 = vector.shape_cast %get3A_607 : vector<16xi32> to vector<16xi32>
    %add3A_609 = vector.broadcast %mul3A_18 : i32 to vector<16xi32>
    %add3A_610 = arith.addi %get3A_608, %add3A_609 : vector<16xi32>
    %swap3A_611 = arith.constant 96 : index
    %swap3A_612 = tpu.vector_load %arg5[%swap3A_611] {strides = array<i32>} : memref<128xi32, #tpu.memory_space<vmem>>, vector<16xi32>,
    %swap3A_613 = vector.shape_cast %swap3A_612 : vector<16xi32> to vector<16xi32>
    %swap3A_614 = vector.shape_cast %add3A_610 : vector<16xi32> to vector<16xi32>
    tpu.vector_store %arg5[%swap3A_611], %swap3A_614 {strides = array<i32>} : memref<128xi32, #tpu.memory_space<vmem>>, vector<16xi32>,
    %get3A_615 = arith.constant 112 : index
    %get3A_616 = tpu.vector_load %arg5[%get3A_615] {strides = array<i32>} : memref<128xi32, #tpu.memory_space<vmem>>, vector<16xi32>,
    %get3A_617 = vector.shape_cast %get3A_616 : vector<16xi32> to vector<16xi32>
    %add3A_618 = vector.broadcast %mul3A_18 : i32 to vector<16xi32>
    %add3A_619 = arith.addi %get3A_617, %add3A_618 : vector<16xi32>
    %swap3A_620 = arith.constant 112 : index
    %swap3A_621 = tpu.vector_load %arg5[%swap3A_620] {strides = array<i32>} : memref<128xi32, #tpu.memory_space<vmem>>, vector<16xi32>,
    %swap3A_622 = vector.shape_cast %swap3A_621 : vector<16xi32> to vector<16xi32>
    %swap3A_623 = vector.shape_cast %add3A_619 : vector<16xi32> to vector<16xi32>
    tpu.vector_store %arg5[%swap3A_620], %swap3A_623 {strides = array<i32>} : memref<128xi32, #tpu.memory_space<vmem>>, vector<16xi32>,
    %dma_start3A_624 = arith.constant 0 : i32
    %dma_start3A_625 = arith.constant 0 : i32
    %dma_start3A_626 = tpu.memref_slice %arg2[%dma_start3A_624, %dma_start3A_625] : memref<16384x128xf32, #tpu.memory_space<hbm>> -> memref<16384x128xf32, #tpu.memory_space<hbm>>
    tpu.enqueue_indirect_dma source(%dma_start3A_626 : memref<16384x128xf32, #tpu.memory_space<hbm>>) target(%arg7 : memref<128x128xf32, #tpu.memory_space<vmem>>) offsets(%arg5 : memref<128xi32, #tpu.memory_space<vmem>>) semaphore(%arg9 : memref<!tpu.dma_semaphore, #tpu.memory_space<semaphore_mem>>)
    %dma_wait3A_627 = arith.constant 0 : i32
    %dma_wait3A_628 = arith.constant 0 : i32
    %dma_wait3A_629 = tpu.memref_slice %arg2[%dma_wait3A_627, %dma_wait3A_628] : memref<16384x128xf32, #tpu.memory_space<hbm>> -> memref<16384x128xf32, #tpu.memory_space<hbm>>
    tpu.wait_indirect_dma semaphore(%arg10 : memref<!tpu.dma_semaphore, #tpu.memory_space<semaphore_mem>>) src(%dma_wait3A_629 : memref<16384x128xf32, #tpu.memory_space<hbm>>) dst(%arg8 : memref<128x128xf32, #tpu.memory_space<vmem>>)
    %mul3A_630 = arith.constant 128 : i32
    %mul3A_631 = arith.muli %add3A, %mul3A_630 : i32
    %add3A_632 = arith.constant 40 : i32
    %add3A_633 = arith.addi %mul3A_631, %add3A_632 : i32
    %mul3A_634 = arith.constant 16 : i32
    %mul3A_635 = arith.muli %add3A_633, %mul3A_634 : i32
    "tpu.region"() ({
      %run_scoped3A = tpu.sem_alloc : memref<!tpu.dma_semaphore, #tpu.memory_space<semaphore_mem>>
      %dma_start3A_1455 = arith.constant 0 : i32
      %dma_start3A_1456 = tpu.memref_slice %arg4[%mul3A_635, %dma_start3A_1455] : memref<65536x128xf32, #tpu.memory_space<hbm>> -> memref<128x128xf32, #tpu.memory_space<hbm>>
      %dma_start3A_1457 = arith.constant 0 : i32
      %dma_start3A_1458 = tpu.memref_slice %arg4[%mul3A_635, %dma_start3A_1457] : memref<65536x128xf32, #tpu.memory_space<hbm>> -> memref<128x128xf32, #tpu.memory_space<hbm>>
      tpu.enqueue_dma source(%arg8 : memref<128x128xf32, #tpu.memory_space<vmem>>) target(%dma_start3A_1458 : memref<128x128xf32, #tpu.memory_space<hbm>>) target_semaphore(%run_scoped3A : memref<!tpu.dma_semaphore, #tpu.memory_space<semaphore_mem>>)
      %dma_wait3A_1459 = arith.constant 0 : i32
      %dma_wait3A_1460 = tpu.memref_slice %arg4[%mul3A_635, %dma_wait3A_1459] : memref<65536x128xf32, #tpu.memory_space<hbm>> -> memref<128x128xf32, #tpu.memory_space<hbm>>
      %dma_wait3A_1461 = arith.constant 0 : i32
      %dma_wait3A_1462 = tpu.memref_slice %arg4[%mul3A_635, %dma_wait3A_1461] : memref<65536x128xf32, #tpu.memory_space<hbm>> -> memref<128x128xf32, #tpu.memory_space<hbm>>
      tpu.wait_dma2 semaphore(%run_scoped3A : memref<!tpu.dma_semaphore, #tpu.memory_space<semaphore_mem>>) src(%arg8 : memref<128x128xf32, #tpu.memory_space<vmem>>) dst(%dma_wait3A_1462 : memref<128x128xf32, #tpu.memory_space<hbm>>)
      tpu.yield
    }) : () -> ()
    %mul3A_636 = arith.constant 128 : i32
    %mul3A_637 = arith.muli %add3A, %mul3A_636 : i32
    %add3A_638 = arith.constant 56 : i32
    %add3A_639 = arith.addi %mul3A_637, %add3A_638 : i32
    %mul3A_640 = arith.constant 16 : i32
    %mul3A_641 = arith.muli %add3A_639, %mul3A_640 : i32
    "tpu.region"() ({
      %run_scoped3A = tpu.sem_alloc : memref<!tpu.dma_semaphore, #tpu.memory_space<semaphore_mem>>
      %dma_start3A_1455 = tpu.memref_slice %arg3[%mul3A_641] : memref<65536xi32, #tpu.memory_space<hbm>> -> memref<128xi32, #tpu.memory_space<hbm>>
      %dma_start3A_1456 = tpu.memref_slice %arg3[%mul3A_641] : memref<65536xi32, #tpu.memory_space<hbm>> -> memref<128xi32, #tpu.memory_space<hbm>>
      tpu.enqueue_dma source(%dma_start3A_1456 : memref<128xi32, #tpu.memory_space<hbm>>) target(%arg6 : memref<128xi32, #tpu.memory_space<vmem>>) target_semaphore(%run_scoped3A : memref<!tpu.dma_semaphore, #tpu.memory_space<semaphore_mem>>)
      %dma_wait3A_1457 = tpu.memref_slice %arg3[%mul3A_641] : memref<65536xi32, #tpu.memory_space<hbm>> -> memref<128xi32, #tpu.memory_space<hbm>>
      %dma_wait3A_1458 = tpu.memref_slice %arg3[%mul3A_641] : memref<65536xi32, #tpu.memory_space<hbm>> -> memref<128xi32, #tpu.memory_space<hbm>>
      tpu.wait_dma2 semaphore(%run_scoped3A : memref<!tpu.dma_semaphore, #tpu.memory_space<semaphore_mem>>) src(%dma_wait3A_1458 : memref<128xi32, #tpu.memory_space<hbm>>) dst(%arg6 : memref<128xi32, #tpu.memory_space<vmem>>)
      tpu.yield
    }) : () -> ()
    %get3A_642 = arith.constant 0 : index
    %get3A_643 = tpu.vector_load %arg6[%get3A_642] {strides = array<i32>} : memref<128xi32, #tpu.memory_space<vmem>>, vector<16xi32>,
    %get3A_644 = vector.shape_cast %get3A_643 : vector<16xi32> to vector<16xi32>
    %add3A_645 = vector.broadcast %mul3A_18 : i32 to vector<16xi32>
    %add3A_646 = arith.addi %get3A_644, %add3A_645 : vector<16xi32>
    %swap3A_647 = arith.constant 0 : index
    %swap3A_648 = tpu.vector_load %arg6[%swap3A_647] {strides = array<i32>} : memref<128xi32, #tpu.memory_space<vmem>>, vector<16xi32>,
    %swap3A_649 = vector.shape_cast %swap3A_648 : vector<16xi32> to vector<16xi32>
    %swap3A_650 = vector.shape_cast %add3A_646 : vector<16xi32> to vector<16xi32>
    tpu.vector_store %arg6[%swap3A_647], %swap3A_650 {strides = array<i32>} : memref<128xi32, #tpu.memory_space<vmem>>, vector<16xi32>,
    %get3A_651 = arith.constant 16 : index
    %get3A_652 = tpu.vector_load %arg6[%get3A_651] {strides = array<i32>} : memref<128xi32, #tpu.memory_space<vmem>>, vector<16xi32>,
    %get3A_653 = vector.shape_cast %get3A_652 : vector<16xi32> to vector<16xi32>
    %add3A_654 = vector.broadcast %mul3A_18 : i32 to vector<16xi32>
    %add3A_655 = arith.addi %get3A_653, %add3A_654 : vector<16xi32>
    %swap3A_656 = arith.constant 16 : index
    %swap3A_657 = tpu.vector_load %arg6[%swap3A_656] {strides = array<i32>} : memref<128xi32, #tpu.memory_space<vmem>>, vector<16xi32>,
    %swap3A_658 = vector.shape_cast %swap3A_657 : vector<16xi32> to vector<16xi32>
    %swap3A_659 = vector.shape_cast %add3A_655 : vector<16xi32> to vector<16xi32>
    tpu.vector_store %arg6[%swap3A_656], %swap3A_659 {strides = array<i32>} : memref<128xi32, #tpu.memory_space<vmem>>, vector<16xi32>,
    %get3A_660 = arith.constant 32 : index
    %get3A_661 = tpu.vector_load %arg6[%get3A_660] {strides = array<i32>} : memref<128xi32, #tpu.memory_space<vmem>>, vector<16xi32>,
    %get3A_662 = vector.shape_cast %get3A_661 : vector<16xi32> to vector<16xi32>
    %add3A_663 = vector.broadcast %mul3A_18 : i32 to vector<16xi32>
    %add3A_664 = arith.addi %get3A_662, %add3A_663 : vector<16xi32>
    %swap3A_665 = arith.constant 32 : index
    %swap3A_666 = tpu.vector_load %arg6[%swap3A_665] {strides = array<i32>} : memref<128xi32, #tpu.memory_space<vmem>>, vector<16xi32>,
    %swap3A_667 = vector.shape_cast %swap3A_666 : vector<16xi32> to vector<16xi32>
    %swap3A_668 = vector.shape_cast %add3A_664 : vector<16xi32> to vector<16xi32>
    tpu.vector_store %arg6[%swap3A_665], %swap3A_668 {strides = array<i32>} : memref<128xi32, #tpu.memory_space<vmem>>, vector<16xi32>,
    %get3A_669 = arith.constant 48 : index
    %get3A_670 = tpu.vector_load %arg6[%get3A_669] {strides = array<i32>} : memref<128xi32, #tpu.memory_space<vmem>>, vector<16xi32>,
    %get3A_671 = vector.shape_cast %get3A_670 : vector<16xi32> to vector<16xi32>
    %add3A_672 = vector.broadcast %mul3A_18 : i32 to vector<16xi32>
    %add3A_673 = arith.addi %get3A_671, %add3A_672 : vector<16xi32>
    %swap3A_674 = arith.constant 48 : index
    %swap3A_675 = tpu.vector_load %arg6[%swap3A_674] {strides = array<i32>} : memref<128xi32, #tpu.memory_space<vmem>>, vector<16xi32>,
    %swap3A_676 = vector.shape_cast %swap3A_675 : vector<16xi32> to vector<16xi32>
    %swap3A_677 = vector.shape_cast %add3A_673 : vector<16xi32> to vector<16xi32>
    tpu.vector_store %arg6[%swap3A_674], %swap3A_677 {strides = array<i32>} : memref<128xi32, #tpu.memory_space<vmem>>, vector<16xi32>,
    %get3A_678 = arith.constant 64 : index
    %get3A_679 = tpu.vector_load %arg6[%get3A_678] {strides = array<i32>} : memref<128xi32, #tpu.memory_space<vmem>>, vector<16xi32>,
    %get3A_680 = vector.shape_cast %get3A_679 : vector<16xi32> to vector<16xi32>
    %add3A_681 = vector.broadcast %mul3A_18 : i32 to vector<16xi32>
    %add3A_682 = arith.addi %get3A_680, %add3A_681 : vector<16xi32>
    %swap3A_683 = arith.constant 64 : index
    %swap3A_684 = tpu.vector_load %arg6[%swap3A_683] {strides = array<i32>} : memref<128xi32, #tpu.memory_space<vmem>>, vector<16xi32>,
    %swap3A_685 = vector.shape_cast %swap3A_684 : vector<16xi32> to vector<16xi32>
    %swap3A_686 = vector.shape_cast %add3A_682 : vector<16xi32> to vector<16xi32>
    tpu.vector_store %arg6[%swap3A_683], %swap3A_686 {strides = array<i32>} : memref<128xi32, #tpu.memory_space<vmem>>, vector<16xi32>,
    %get3A_687 = arith.constant 80 : index
    %get3A_688 = tpu.vector_load %arg6[%get3A_687] {strides = array<i32>} : memref<128xi32, #tpu.memory_space<vmem>>, vector<16xi32>,
    %get3A_689 = vector.shape_cast %get3A_688 : vector<16xi32> to vector<16xi32>
    %add3A_690 = vector.broadcast %mul3A_18 : i32 to vector<16xi32>
    %add3A_691 = arith.addi %get3A_689, %add3A_690 : vector<16xi32>
    %swap3A_692 = arith.constant 80 : index
    %swap3A_693 = tpu.vector_load %arg6[%swap3A_692] {strides = array<i32>} : memref<128xi32, #tpu.memory_space<vmem>>, vector<16xi32>,
    %swap3A_694 = vector.shape_cast %swap3A_693 : vector<16xi32> to vector<16xi32>
    %swap3A_695 = vector.shape_cast %add3A_691 : vector<16xi32> to vector<16xi32>
    tpu.vector_store %arg6[%swap3A_692], %swap3A_695 {strides = array<i32>} : memref<128xi32, #tpu.memory_space<vmem>>, vector<16xi32>,
    %get3A_696 = arith.constant 96 : index
    %get3A_697 = tpu.vector_load %arg6[%get3A_696] {strides = array<i32>} : memref<128xi32, #tpu.memory_space<vmem>>, vector<16xi32>,
    %get3A_698 = vector.shape_cast %get3A_697 : vector<16xi32> to vector<16xi32>
    %add3A_699 = vector.broadcast %mul3A_18 : i32 to vector<16xi32>
    %add3A_700 = arith.addi %get3A_698, %add3A_699 : vector<16xi32>
    %swap3A_701 = arith.constant 96 : index
    %swap3A_702 = tpu.vector_load %arg6[%swap3A_701] {strides = array<i32>} : memref<128xi32, #tpu.memory_space<vmem>>, vector<16xi32>,
    %swap3A_703 = vector.shape_cast %swap3A_702 : vector<16xi32> to vector<16xi32>
    %swap3A_704 = vector.shape_cast %add3A_700 : vector<16xi32> to vector<16xi32>
    tpu.vector_store %arg6[%swap3A_701], %swap3A_704 {strides = array<i32>} : memref<128xi32, #tpu.memory_space<vmem>>, vector<16xi32>,
    %get3A_705 = arith.constant 112 : index
    %get3A_706 = tpu.vector_load %arg6[%get3A_705] {strides = array<i32>} : memref<128xi32, #tpu.memory_space<vmem>>, vector<16xi32>,
    %get3A_707 = vector.shape_cast %get3A_706 : vector<16xi32> to vector<16xi32>
    %add3A_708 = vector.broadcast %mul3A_18 : i32 to vector<16xi32>
    %add3A_709 = arith.addi %get3A_707, %add3A_708 : vector<16xi32>
    %swap3A_710 = arith.constant 112 : index
    %swap3A_711 = tpu.vector_load %arg6[%swap3A_710] {strides = array<i32>} : memref<128xi32, #tpu.memory_space<vmem>>, vector<16xi32>,
    %swap3A_712 = vector.shape_cast %swap3A_711 : vector<16xi32> to vector<16xi32>
    %swap3A_713 = vector.shape_cast %add3A_709 : vector<16xi32> to vector<16xi32>
    tpu.vector_store %arg6[%swap3A_710], %swap3A_713 {strides = array<i32>} : memref<128xi32, #tpu.memory_space<vmem>>, vector<16xi32>,
    %dma_start3A_714 = arith.constant 0 : i32
    %dma_start3A_715 = arith.constant 0 : i32
    %dma_start3A_716 = tpu.memref_slice %arg2[%dma_start3A_714, %dma_start3A_715] : memref<16384x128xf32, #tpu.memory_space<hbm>> -> memref<16384x128xf32, #tpu.memory_space<hbm>>
    tpu.enqueue_indirect_dma source(%dma_start3A_716 : memref<16384x128xf32, #tpu.memory_space<hbm>>) target(%arg8 : memref<128x128xf32, #tpu.memory_space<vmem>>) offsets(%arg6 : memref<128xi32, #tpu.memory_space<vmem>>) semaphore(%arg10 : memref<!tpu.dma_semaphore, #tpu.memory_space<semaphore_mem>>)
    %dma_wait3A_717 = arith.constant 0 : i32
    %dma_wait3A_718 = arith.constant 0 : i32
    %dma_wait3A_719 = tpu.memref_slice %arg2[%dma_wait3A_717, %dma_wait3A_718] : memref<16384x128xf32, #tpu.memory_space<hbm>> -> memref<16384x128xf32, #tpu.memory_space<hbm>>
    tpu.wait_indirect_dma semaphore(%arg9 : memref<!tpu.dma_semaphore, #tpu.memory_space<semaphore_mem>>) src(%dma_wait3A_719 : memref<16384x128xf32, #tpu.memory_space<hbm>>) dst(%arg7 : memref<128x128xf32, #tpu.memory_space<vmem>>)
    %mul3A_720 = arith.constant 128 : i32
    %mul3A_721 = arith.muli %add3A, %mul3A_720 : i32
    %add3A_722 = arith.constant 48 : i32
    %add3A_723 = arith.addi %mul3A_721, %add3A_722 : i32
    %mul3A_724 = arith.constant 16 : i32
    %mul3A_725 = arith.muli %add3A_723, %mul3A_724 : i32
    "tpu.region"() ({
      %run_scoped3A = tpu.sem_alloc : memref<!tpu.dma_semaphore, #tpu.memory_space<semaphore_mem>>
      %dma_start3A_1455 = arith.constant 0 : i32
      %dma_start3A_1456 = tpu.memref_slice %arg4[%mul3A_725, %dma_start3A_1455] : memref<65536x128xf32, #tpu.memory_space<hbm>> -> memref<128x128xf32, #tpu.memory_space<hbm>>
      %dma_start3A_1457 = arith.constant 0 : i32
      %dma_start3A_1458 = tpu.memref_slice %arg4[%mul3A_725, %dma_start3A_1457] : memref<65536x128xf32, #tpu.memory_space<hbm>> -> memref<128x128xf32, #tpu.memory_space<hbm>>
      tpu.enqueue_dma source(%arg7 : memref<128x128xf32, #tpu.memory_space<vmem>>) target(%dma_start3A_1458 : memref<128x128xf32, #tpu.memory_space<hbm>>) target_semaphore(%run_scoped3A : memref<!tpu.dma_semaphore, #tpu.memory_space<semaphore_mem>>)
      %dma_wait3A_1459 = arith.constant 0 : i32
      %dma_wait3A_1460 = tpu.memref_slice %arg4[%mul3A_725, %dma_wait3A_1459] : memref<65536x128xf32, #tpu.memory_space<hbm>> -> memref<128x128xf32, #tpu.memory_space<hbm>>
      %dma_wait3A_1461 = arith.constant 0 : i32
      %dma_wait3A_1462 = tpu.memref_slice %arg4[%mul3A_725, %dma_wait3A_1461] : memref<65536x128xf32, #tpu.memory_space<hbm>> -> memref<128x128xf32, #tpu.memory_space<hbm>>
      tpu.wait_dma2 semaphore(%run_scoped3A : memref<!tpu.dma_semaphore, #tpu.memory_space<semaphore_mem>>) src(%arg7 : memref<128x128xf32, #tpu.memory_space<vmem>>) dst(%dma_wait3A_1462 : memref<128x128xf32, #tpu.memory_space<hbm>>)
      tpu.yield
    }) : () -> ()
    %mul3A_726 = arith.constant 128 : i32
    %mul3A_727 = arith.muli %add3A, %mul3A_726 : i32
    %add3A_728 = arith.constant 64 : i32
    %add3A_729 = arith.addi %mul3A_727, %add3A_728 : i32
    %mul3A_730 = arith.constant 16 : i32
    %mul3A_731 = arith.muli %add3A_729, %mul3A_730 : i32
    "tpu.region"() ({
      %run_scoped3A = tpu.sem_alloc : memref<!tpu.dma_semaphore, #tpu.memory_space<semaphore_mem>>
      %dma_start3A_1455 = tpu.memref_slice %arg3[%mul3A_731] : memref<65536xi32, #tpu.memory_space<hbm>> -> memref<128xi32, #tpu.memory_space<hbm>>
      %dma_start3A_1456 = tpu.memref_slice %arg3[%mul3A_731] : memref<65536xi32, #tpu.memory_space<hbm>> -> memref<128xi32, #tpu.memory_space<hbm>>
      tpu.enqueue_dma source(%dma_start3A_1456 : memref<128xi32, #tpu.memory_space<hbm>>) target(%arg5 : memref<128xi32, #tpu.memory_space<vmem>>) target_semaphore(%run_scoped3A : memref<!tpu.dma_semaphore, #tpu.memory_space<semaphore_mem>>)
      %dma_wait3A_1457 = tpu.memref_slice %arg3[%mul3A_731] : memref<65536xi32, #tpu.memory_space<hbm>> -> memref<128xi32, #tpu.memory_space<hbm>>
      %dma_wait3A_1458 = tpu.memref_slice %arg3[%mul3A_731] : memref<65536xi32, #tpu.memory_space<hbm>> -> memref<128xi32, #tpu.memory_space<hbm>>
      tpu.wait_dma2 semaphore(%run_scoped3A : memref<!tpu.dma_semaphore, #tpu.memory_space<semaphore_mem>>) src(%dma_wait3A_1458 : memref<128xi32, #tpu.memory_space<hbm>>) dst(%arg5 : memref<128xi32, #tpu.memory_space<vmem>>)
      tpu.yield
    }) : () -> ()
    %get3A_732 = arith.constant 0 : index
    %get3A_733 = tpu.vector_load %arg5[%get3A_732] {strides = array<i32>} : memref<128xi32, #tpu.memory_space<vmem>>, vector<16xi32>,
    %get3A_734 = vector.shape_cast %get3A_733 : vector<16xi32> to vector<16xi32>
    %add3A_735 = vector.broadcast %mul3A_18 : i32 to vector<16xi32>
    %add3A_736 = arith.addi %get3A_734, %add3A_735 : vector<16xi32>
    %swap3A_737 = arith.constant 0 : index
    %swap3A_738 = tpu.vector_load %arg5[%swap3A_737] {strides = array<i32>} : memref<128xi32, #tpu.memory_space<vmem>>, vector<16xi32>,
    %swap3A_739 = vector.shape_cast %swap3A_738 : vector<16xi32> to vector<16xi32>
    %swap3A_740 = vector.shape_cast %add3A_736 : vector<16xi32> to vector<16xi32>
    tpu.vector_store %arg5[%swap3A_737], %swap3A_740 {strides = array<i32>} : memref<128xi32, #tpu.memory_space<vmem>>, vector<16xi32>,
    %get3A_741 = arith.constant 16 : index
    %get3A_742 = tpu.vector_load %arg5[%get3A_741] {strides = array<i32>} : memref<128xi32, #tpu.memory_space<vmem>>, vector<16xi32>,
    %get3A_743 = vector.shape_cast %get3A_742 : vector<16xi32> to vector<16xi32>
    %add3A_744 = vector.broadcast %mul3A_18 : i32 to vector<16xi32>
    %add3A_745 = arith.addi %get3A_743, %add3A_744 : vector<16xi32>
    %swap3A_746 = arith.constant 16 : index
    %swap3A_747 = tpu.vector_load %arg5[%swap3A_746] {strides = array<i32>} : memref<128xi32, #tpu.memory_space<vmem>>, vector<16xi32>,
    %swap3A_748 = vector.shape_cast %swap3A_747 : vector<16xi32> to vector<16xi32>
    %swap3A_749 = vector.shape_cast %add3A_745 : vector<16xi32> to vector<16xi32>
    tpu.vector_store %arg5[%swap3A_746], %swap3A_749 {strides = array<i32>} : memref<128xi32, #tpu.memory_space<vmem>>, vector<16xi32>,
    %get3A_750 = arith.constant 32 : index
    %get3A_751 = tpu.vector_load %arg5[%get3A_750] {strides = array<i32>} : memref<128xi32, #tpu.memory_space<vmem>>, vector<16xi32>,
    %get3A_752 = vector.shape_cast %get3A_751 : vector<16xi32> to vector<16xi32>
    %add3A_753 = vector.broadcast %mul3A_18 : i32 to vector<16xi32>
    %add3A_754 = arith.addi %get3A_752, %add3A_753 : vector<16xi32>
    %swap3A_755 = arith.constant 32 : index
    %swap3A_756 = tpu.vector_load %arg5[%swap3A_755] {strides = array<i32>} : memref<128xi32, #tpu.memory_space<vmem>>, vector<16xi32>,
    %swap3A_757 = vector.shape_cast %swap3A_756 : vector<16xi32> to vector<16xi32>
    %swap3A_758 = vector.shape_cast %add3A_754 : vector<16xi32> to vector<16xi32>
    tpu.vector_store %arg5[%swap3A_755], %swap3A_758 {strides = array<i32>} : memref<128xi32, #tpu.memory_space<vmem>>, vector<16xi32>,
    %get3A_759 = arith.constant 48 : index
    %get3A_760 = tpu.vector_load %arg5[%get3A_759] {strides = array<i32>} : memref<128xi32, #tpu.memory_space<vmem>>, vector<16xi32>,
    %get3A_761 = vector.shape_cast %get3A_760 : vector<16xi32> to vector<16xi32>
    %add3A_762 = vector.broadcast %mul3A_18 : i32 to vector<16xi32>
    %add3A_763 = arith.addi %get3A_761, %add3A_762 : vector<16xi32>
    %swap3A_764 = arith.constant 48 : index
    %swap3A_765 = tpu.vector_load %arg5[%swap3A_764] {strides = array<i32>} : memref<128xi32, #tpu.memory_space<vmem>>, vector<16xi32>,
    %swap3A_766 = vector.shape_cast %swap3A_765 : vector<16xi32> to vector<16xi32>
    %swap3A_767 = vector.shape_cast %add3A_763 : vector<16xi32> to vector<16xi32>
    tpu.vector_store %arg5[%swap3A_764], %swap3A_767 {strides = array<i32>} : memref<128xi32, #tpu.memory_space<vmem>>, vector<16xi32>,
    %get3A_768 = arith.constant 64 : index
    %get3A_769 = tpu.vector_load %arg5[%get3A_768] {strides = array<i32>} : memref<128xi32, #tpu.memory_space<vmem>>, vector<16xi32>,
    %get3A_770 = vector.shape_cast %get3A_769 : vector<16xi32> to vector<16xi32>
    %add3A_771 = vector.broadcast %mul3A_18 : i32 to vector<16xi32>
    %add3A_772 = arith.addi %get3A_770, %add3A_771 : vector<16xi32>
    %swap3A_773 = arith.constant 64 : index
    %swap3A_774 = tpu.vector_load %arg5[%swap3A_773] {strides = array<i32>} : memref<128xi32, #tpu.memory_space<vmem>>, vector<16xi32>,
    %swap3A_775 = vector.shape_cast %swap3A_774 : vector<16xi32> to vector<16xi32>
    %swap3A_776 = vector.shape_cast %add3A_772 : vector<16xi32> to vector<16xi32>
    tpu.vector_store %arg5[%swap3A_773], %swap3A_776 {strides = array<i32>} : memref<128xi32, #tpu.memory_space<vmem>>, vector<16xi32>,
    %get3A_777 = arith.constant 80 : index
    %get3A_778 = tpu.vector_load %arg5[%get3A_777] {strides = array<i32>} : memref<128xi32, #tpu.memory_space<vmem>>, vector<16xi32>,
    %get3A_779 = vector.shape_cast %get3A_778 : vector<16xi32> to vector<16xi32>
    %add3A_780 = vector.broadcast %mul3A_18 : i32 to vector<16xi32>
    %add3A_781 = arith.addi %get3A_779, %add3A_780 : vector<16xi32>
    %swap3A_782 = arith.constant 80 : index
    %swap3A_783 = tpu.vector_load %arg5[%swap3A_782] {strides = array<i32>} : memref<128xi32, #tpu.memory_space<vmem>>, vector<16xi32>,
    %swap3A_784 = vector.shape_cast %swap3A_783 : vector<16xi32> to vector<16xi32>
    %swap3A_785 = vector.shape_cast %add3A_781 : vector<16xi32> to vector<16xi32>
    tpu.vector_store %arg5[%swap3A_782], %swap3A_785 {strides = array<i32>} : memref<128xi32, #tpu.memory_space<vmem>>, vector<16xi32>,
    %get3A_786 = arith.constant 96 : index
    %get3A_787 = tpu.vector_load %arg5[%get3A_786] {strides = array<i32>} : memref<128xi32, #tpu.memory_space<vmem>>, vector<16xi32>,
    %get3A_788 = vector.shape_cast %get3A_787 : vector<16xi32> to vector<16xi32>
    %add3A_789 = vector.broadcast %mul3A_18 : i32 to vector<16xi32>
    %add3A_790 = arith.addi %get3A_788, %add3A_789 : vector<16xi32>
    %swap3A_791 = arith.constant 96 : index
    %swap3A_792 = tpu.vector_load %arg5[%swap3A_791] {strides = array<i32>} : memref<128xi32, #tpu.memory_space<vmem>>, vector<16xi32>,
    %swap3A_793 = vector.shape_cast %swap3A_792 : vector<16xi32> to vector<16xi32>
    %swap3A_794 = vector.shape_cast %add3A_790 : vector<16xi32> to vector<16xi32>
    tpu.vector_store %arg5[%swap3A_791], %swap3A_794 {strides = array<i32>} : memref<128xi32, #tpu.memory_space<vmem>>, vector<16xi32>,
    %get3A_795 = arith.constant 112 : index
    %get3A_796 = tpu.vector_load %arg5[%get3A_795] {strides = array<i32>} : memref<128xi32, #tpu.memory_space<vmem>>, vector<16xi32>,
    %get3A_797 = vector.shape_cast %get3A_796 : vector<16xi32> to vector<16xi32>
    %add3A_798 = vector.broadcast %mul3A_18 : i32 to vector<16xi32>
    %add3A_799 = arith.addi %get3A_797, %add3A_798 : vector<16xi32>
    %swap3A_800 = arith.constant 112 : index
    %swap3A_801 = tpu.vector_load %arg5[%swap3A_800] {strides = array<i32>} : memref<128xi32, #tpu.memory_space<vmem>>, vector<16xi32>,
    %swap3A_802 = vector.shape_cast %swap3A_801 : vector<16xi32> to vector<16xi32>
    %swap3A_803 = vector.shape_cast %add3A_799 : vector<16xi32> to vector<16xi32>
    tpu.vector_store %arg5[%swap3A_800], %swap3A_803 {strides = array<i32>} : memref<128xi32, #tpu.memory_space<vmem>>, vector<16xi32>,
    %dma_start3A_804 = arith.constant 0 : i32
    %dma_start3A_805 = arith.constant 0 : i32
    %dma_start3A_806 = tpu.memref_slice %arg2[%dma_start3A_804, %dma_start3A_805] : memref<16384x128xf32, #tpu.memory_space<hbm>> -> memref<16384x128xf32, #tpu.memory_space<hbm>>
    tpu.enqueue_indirect_dma source(%dma_start3A_806 : memref<16384x128xf32, #tpu.memory_space<hbm>>) target(%arg7 : memref<128x128xf32, #tpu.memory_space<vmem>>) offsets(%arg5 : memref<128xi32, #tpu.memory_space<vmem>>) semaphore(%arg9 : memref<!tpu.dma_semaphore, #tpu.memory_space<semaphore_mem>>)
    %dma_wait3A_807 = arith.constant 0 : i32
    %dma_wait3A_808 = arith.constant 0 : i32
    %dma_wait3A_809 = tpu.memref_slice %arg2[%dma_wait3A_807, %dma_wait3A_808] : memref<16384x128xf32, #tpu.memory_space<hbm>> -> memref<16384x128xf32, #tpu.memory_space<hbm>>
    tpu.wait_indirect_dma semaphore(%arg10 : memref<!tpu.dma_semaphore, #tpu.memory_space<semaphore_mem>>) src(%dma_wait3A_809 : memref<16384x128xf32, #tpu.memory_space<hbm>>) dst(%arg8 : memref<128x128xf32, #tpu.memory_space<vmem>>)
    %mul3A_810 = arith.constant 128 : i32
    %mul3A_811 = arith.muli %add3A, %mul3A_810 : i32
    %add3A_812 = arith.constant 56 : i32
    %add3A_813 = arith.addi %mul3A_811, %add3A_812 : i32
    %mul3A_814 = arith.constant 16 : i32
    %mul3A_815 = arith.muli %add3A_813, %mul3A_814 : i32
    "tpu.region"() ({
      %run_scoped3A = tpu.sem_alloc : memref<!tpu.dma_semaphore, #tpu.memory_space<semaphore_mem>>
      %dma_start3A_1455 = arith.constant 0 : i32
      %dma_start3A_1456 = tpu.memref_slice %arg4[%mul3A_815, %dma_start3A_1455] : memref<65536x128xf32, #tpu.memory_space<hbm>> -> memref<128x128xf32, #tpu.memory_space<hbm>>
      %dma_start3A_1457 = arith.constant 0 : i32
      %dma_start3A_1458 = tpu.memref_slice %arg4[%mul3A_815, %dma_start3A_1457] : memref<65536x128xf32, #tpu.memory_space<hbm>> -> memref<128x128xf32, #tpu.memory_space<hbm>>
      tpu.enqueue_dma source(%arg8 : memref<128x128xf32, #tpu.memory_space<vmem>>) target(%dma_start3A_1458 : memref<128x128xf32, #tpu.memory_space<hbm>>) target_semaphore(%run_scoped3A : memref<!tpu.dma_semaphore, #tpu.memory_space<semaphore_mem>>)
      %dma_wait3A_1459 = arith.constant 0 : i32
      %dma_wait3A_1460 = tpu.memref_slice %arg4[%mul3A_815, %dma_wait3A_1459] : memref<65536x128xf32, #tpu.memory_space<hbm>> -> memref<128x128xf32, #tpu.memory_space<hbm>>
      %dma_wait3A_1461 = arith.constant 0 : i32
      %dma_wait3A_1462 = tpu.memref_slice %arg4[%mul3A_815, %dma_wait3A_1461] : memref<65536x128xf32, #tpu.memory_space<hbm>> -> memref<128x128xf32, #tpu.memory_space<hbm>>
      tpu.wait_dma2 semaphore(%run_scoped3A : memref<!tpu.dma_semaphore, #tpu.memory_space<semaphore_mem>>) src(%arg8 : memref<128x128xf32, #tpu.memory_space<vmem>>) dst(%dma_wait3A_1462 : memref<128x128xf32, #tpu.memory_space<hbm>>)
      tpu.yield
    }) : () -> ()
    %mul3A_816 = arith.constant 128 : i32
    %mul3A_817 = arith.muli %add3A, %mul3A_816 : i32
    %add3A_818 = arith.constant 72 : i32
    %add3A_819 = arith.addi %mul3A_817, %add3A_818 : i32
    %mul3A_820 = arith.constant 16 : i32
    %mul3A_821 = arith.muli %add3A_819, %mul3A_820 : i32
    "tpu.region"() ({
      %run_scoped3A = tpu.sem_alloc : memref<!tpu.dma_semaphore, #tpu.memory_space<semaphore_mem>>
      %dma_start3A_1455 = tpu.memref_slice %arg3[%mul3A_821] : memref<65536xi32, #tpu.memory_space<hbm>> -> memref<128xi32, #tpu.memory_space<hbm>>
      %dma_start3A_1456 = tpu.memref_slice %arg3[%mul3A_821] : memref<65536xi32, #tpu.memory_space<hbm>> -> memref<128xi32, #tpu.memory_space<hbm>>
      tpu.enqueue_dma source(%dma_start3A_1456 : memref<128xi32, #tpu.memory_space<hbm>>) target(%arg6 : memref<128xi32, #tpu.memory_space<vmem>>) target_semaphore(%run_scoped3A : memref<!tpu.dma_semaphore, #tpu.memory_space<semaphore_mem>>)
      %dma_wait3A_1457 = tpu.memref_slice %arg3[%mul3A_821] : memref<65536xi32, #tpu.memory_space<hbm>> -> memref<128xi32, #tpu.memory_space<hbm>>
      %dma_wait3A_1458 = tpu.memref_slice %arg3[%mul3A_821] : memref<65536xi32, #tpu.memory_space<hbm>> -> memref<128xi32, #tpu.memory_space<hbm>>
      tpu.wait_dma2 semaphore(%run_scoped3A : memref<!tpu.dma_semaphore, #tpu.memory_space<semaphore_mem>>) src(%dma_wait3A_1458 : memref<128xi32, #tpu.memory_space<hbm>>) dst(%arg6 : memref<128xi32, #tpu.memory_space<vmem>>)
      tpu.yield
    }) : () -> ()
    %get3A_822 = arith.constant 0 : index
    %get3A_823 = tpu.vector_load %arg6[%get3A_822] {strides = array<i32>} : memref<128xi32, #tpu.memory_space<vmem>>, vector<16xi32>,
    %get3A_824 = vector.shape_cast %get3A_823 : vector<16xi32> to vector<16xi32>
    %add3A_825 = vector.broadcast %mul3A_18 : i32 to vector<16xi32>
    %add3A_826 = arith.addi %get3A_824, %add3A_825 : vector<16xi32>
    %swap3A_827 = arith.constant 0 : index
    %swap3A_828 = tpu.vector_load %arg6[%swap3A_827] {strides = array<i32>} : memref<128xi32, #tpu.memory_space<vmem>>, vector<16xi32>,
    %swap3A_829 = vector.shape_cast %swap3A_828 : vector<16xi32> to vector<16xi32>
    %swap3A_830 = vector.shape_cast %add3A_826 : vector<16xi32> to vector<16xi32>
    tpu.vector_store %arg6[%swap3A_827], %swap3A_830 {strides = array<i32>} : memref<128xi32, #tpu.memory_space<vmem>>, vector<16xi32>,
    %get3A_831 = arith.constant 16 : index
    %get3A_832 = tpu.vector_load %arg6[%get3A_831] {strides = array<i32>} : memref<128xi32, #tpu.memory_space<vmem>>, vector<16xi32>,
    %get3A_833 = vector.shape_cast %get3A_832 : vector<16xi32> to vector<16xi32>
    %add3A_834 = vector.broadcast %mul3A_18 : i32 to vector<16xi32>
    %add3A_835 = arith.addi %get3A_833, %add3A_834 : vector<16xi32>
    %swap3A_836 = arith.constant 16 : index
    %swap3A_837 = tpu.vector_load %arg6[%swap3A_836] {strides = array<i32>} : memref<128xi32, #tpu.memory_space<vmem>>, vector<16xi32>,
    %swap3A_838 = vector.shape_cast %swap3A_837 : vector<16xi32> to vector<16xi32>
    %swap3A_839 = vector.shape_cast %add3A_835 : vector<16xi32> to vector<16xi32>
    tpu.vector_store %arg6[%swap3A_836], %swap3A_839 {strides = array<i32>} : memref<128xi32, #tpu.memory_space<vmem>>, vector<16xi32>,
    %get3A_840 = arith.constant 32 : index
    %get3A_841 = tpu.vector_load %arg6[%get3A_840] {strides = array<i32>} : memref<128xi32, #tpu.memory_space<vmem>>, vector<16xi32>,
    %get3A_842 = vector.shape_cast %get3A_841 : vector<16xi32> to vector<16xi32>
    %add3A_843 = vector.broadcast %mul3A_18 : i32 to vector<16xi32>
    %add3A_844 = arith.addi %get3A_842, %add3A_843 : vector<16xi32>
    %swap3A_845 = arith.constant 32 : index
    %swap3A_846 = tpu.vector_load %arg6[%swap3A_845] {strides = array<i32>} : memref<128xi32, #tpu.memory_space<vmem>>, vector<16xi32>,
    %swap3A_847 = vector.shape_cast %swap3A_846 : vector<16xi32> to vector<16xi32>
    %swap3A_848 = vector.shape_cast %add3A_844 : vector<16xi32> to vector<16xi32>
    tpu.vector_store %arg6[%swap3A_845], %swap3A_848 {strides = array<i32>} : memref<128xi32, #tpu.memory_space<vmem>>, vector<16xi32>,
    %get3A_849 = arith.constant 48 : index
    %get3A_850 = tpu.vector_load %arg6[%get3A_849] {strides = array<i32>} : memref<128xi32, #tpu.memory_space<vmem>>, vector<16xi32>,
    %get3A_851 = vector.shape_cast %get3A_850 : vector<16xi32> to vector<16xi32>
    %add3A_852 = vector.broadcast %mul3A_18 : i32 to vector<16xi32>
    %add3A_853 = arith.addi %get3A_851, %add3A_852 : vector<16xi32>
    %swap3A_854 = arith.constant 48 : index
    %swap3A_855 = tpu.vector_load %arg6[%swap3A_854] {strides = array<i32>} : memref<128xi32, #tpu.memory_space<vmem>>, vector<16xi32>,
    %swap3A_856 = vector.shape_cast %swap3A_855 : vector<16xi32> to vector<16xi32>
    %swap3A_857 = vector.shape_cast %add3A_853 : vector<16xi32> to vector<16xi32>
    tpu.vector_store %arg6[%swap3A_854], %swap3A_857 {strides = array<i32>} : memref<128xi32, #tpu.memory_space<vmem>>, vector<16xi32>,
    %get3A_858 = arith.constant 64 : index
    %get3A_859 = tpu.vector_load %arg6[%get3A_858] {strides = array<i32>} : memref<128xi32, #tpu.memory_space<vmem>>, vector<16xi32>,
    %get3A_860 = vector.shape_cast %get3A_859 : vector<16xi32> to vector<16xi32>
    %add3A_861 = vector.broadcast %mul3A_18 : i32 to vector<16xi32>
    %add3A_862 = arith.addi %get3A_860, %add3A_861 : vector<16xi32>
    %swap3A_863 = arith.constant 64 : index
    %swap3A_864 = tpu.vector_load %arg6[%swap3A_863] {strides = array<i32>} : memref<128xi32, #tpu.memory_space<vmem>>, vector<16xi32>,
    %swap3A_865 = vector.shape_cast %swap3A_864 : vector<16xi32> to vector<16xi32>
    %swap3A_866 = vector.shape_cast %add3A_862 : vector<16xi32> to vector<16xi32>
    tpu.vector_store %arg6[%swap3A_863], %swap3A_866 {strides = array<i32>} : memref<128xi32, #tpu.memory_space<vmem>>, vector<16xi32>,
    %get3A_867 = arith.constant 80 : index
    %get3A_868 = tpu.vector_load %arg6[%get3A_867] {strides = array<i32>} : memref<128xi32, #tpu.memory_space<vmem>>, vector<16xi32>,
    %get3A_869 = vector.shape_cast %get3A_868 : vector<16xi32> to vector<16xi32>
    %add3A_870 = vector.broadcast %mul3A_18 : i32 to vector<16xi32>
    %add3A_871 = arith.addi %get3A_869, %add3A_870 : vector<16xi32>
    %swap3A_872 = arith.constant 80 : index
    %swap3A_873 = tpu.vector_load %arg6[%swap3A_872] {strides = array<i32>} : memref<128xi32, #tpu.memory_space<vmem>>, vector<16xi32>,
    %swap3A_874 = vector.shape_cast %swap3A_873 : vector<16xi32> to vector<16xi32>
    %swap3A_875 = vector.shape_cast %add3A_871 : vector<16xi32> to vector<16xi32>
    tpu.vector_store %arg6[%swap3A_872], %swap3A_875 {strides = array<i32>} : memref<128xi32, #tpu.memory_space<vmem>>, vector<16xi32>,
    %get3A_876 = arith.constant 96 : index
    %get3A_877 = tpu.vector_load %arg6[%get3A_876] {strides = array<i32>} : memref<128xi32, #tpu.memory_space<vmem>>, vector<16xi32>,
    %get3A_878 = vector.shape_cast %get3A_877 : vector<16xi32> to vector<16xi32>
    %add3A_879 = vector.broadcast %mul3A_18 : i32 to vector<16xi32>
    %add3A_880 = arith.addi %get3A_878, %add3A_879 : vector<16xi32>
    %swap3A_881 = arith.constant 96 : index
    %swap3A_882 = tpu.vector_load %arg6[%swap3A_881] {strides = array<i32>} : memref<128xi32, #tpu.memory_space<vmem>>, vector<16xi32>,
    %swap3A_883 = vector.shape_cast %swap3A_882 : vector<16xi32> to vector<16xi32>
    %swap3A_884 = vector.shape_cast %add3A_880 : vector<16xi32> to vector<16xi32>
    tpu.vector_store %arg6[%swap3A_881], %swap3A_884 {strides = array<i32>} : memref<128xi32, #tpu.memory_space<vmem>>, vector<16xi32>,
    %get3A_885 = arith.constant 112 : index
    %get3A_886 = tpu.vector_load %arg6[%get3A_885] {strides = array<i32>} : memref<128xi32, #tpu.memory_space<vmem>>, vector<16xi32>,
    %get3A_887 = vector.shape_cast %get3A_886 : vector<16xi32> to vector<16xi32>
    %add3A_888 = vector.broadcast %mul3A_18 : i32 to vector<16xi32>
    %add3A_889 = arith.addi %get3A_887, %add3A_888 : vector<16xi32>
    %swap3A_890 = arith.constant 112 : index
    %swap3A_891 = tpu.vector_load %arg6[%swap3A_890] {strides = array<i32>} : memref<128xi32, #tpu.memory_space<vmem>>, vector<16xi32>,
    %swap3A_892 = vector.shape_cast %swap3A_891 : vector<16xi32> to vector<16xi32>
    %swap3A_893 = vector.shape_cast %add3A_889 : vector<16xi32> to vector<16xi32>
    tpu.vector_store %arg6[%swap3A_890], %swap3A_893 {strides = array<i32>} : memref<128xi32, #tpu.memory_space<vmem>>, vector<16xi32>,
    %dma_start3A_894 = arith.constant 0 : i32
    %dma_start3A_895 = arith.constant 0 : i32
    %dma_start3A_896 = tpu.memref_slice %arg2[%dma_start3A_894, %dma_start3A_895] : memref<16384x128xf32, #tpu.memory_space<hbm>> -> memref<16384x128xf32, #tpu.memory_space<hbm>>
    tpu.enqueue_indirect_dma source(%dma_start3A_896 : memref<16384x128xf32, #tpu.memory_space<hbm>>) target(%arg8 : memref<128x128xf32, #tpu.memory_space<vmem>>) offsets(%arg6 : memref<128xi32, #tpu.memory_space<vmem>>) semaphore(%arg10 : memref<!tpu.dma_semaphore, #tpu.memory_space<semaphore_mem>>)
    %dma_wait3A_897 = arith.constant 0 : i32
    %dma_wait3A_898 = arith.constant 0 : i32
    %dma_wait3A_899 = tpu.memref_slice %arg2[%dma_wait3A_897, %dma_wait3A_898] : memref<16384x128xf32, #tpu.memory_space<hbm>> -> memref<16384x128xf32, #tpu.memory_space<hbm>>
    tpu.wait_indirect_dma semaphore(%arg9 : memref<!tpu.dma_semaphore, #tpu.memory_space<semaphore_mem>>) src(%dma_wait3A_899 : memref<16384x128xf32, #tpu.memory_space<hbm>>) dst(%arg7 : memref<128x128xf32, #tpu.memory_space<vmem>>)
    %mul3A_900 = arith.constant 128 : i32
    %mul3A_901 = arith.muli %add3A, %mul3A_900 : i32
    %add3A_902 = arith.constant 64 : i32
    %add3A_903 = arith.addi %mul3A_901, %add3A_902 : i32
    %mul3A_904 = arith.constant 16 : i32
    %mul3A_905 = arith.muli %add3A_903, %mul3A_904 : i32
    "tpu.region"() ({
      %run_scoped3A = tpu.sem_alloc : memref<!tpu.dma_semaphore, #tpu.memory_space<semaphore_mem>>
      %dma_start3A_1455 = arith.constant 0 : i32
      %dma_start3A_1456 = tpu.memref_slice %arg4[%mul3A_905, %dma_start3A_1455] : memref<65536x128xf32, #tpu.memory_space<hbm>> -> memref<128x128xf32, #tpu.memory_space<hbm>>
      %dma_start3A_1457 = arith.constant 0 : i32
      %dma_start3A_1458 = tpu.memref_slice %arg4[%mul3A_905, %dma_start3A_1457] : memref<65536x128xf32, #tpu.memory_space<hbm>> -> memref<128x128xf32, #tpu.memory_space<hbm>>
      tpu.enqueue_dma source(%arg7 : memref<128x128xf32, #tpu.memory_space<vmem>>) target(%dma_start3A_1458 : memref<128x128xf32, #tpu.memory_space<hbm>>) target_semaphore(%run_scoped3A : memref<!tpu.dma_semaphore, #tpu.memory_space<semaphore_mem>>)
      %dma_wait3A_1459 = arith.constant 0 : i32
      %dma_wait3A_1460 = tpu.memref_slice %arg4[%mul3A_905, %dma_wait3A_1459] : memref<65536x128xf32, #tpu.memory_space<hbm>> -> memref<128x128xf32, #tpu.memory_space<hbm>>
      %dma_wait3A_1461 = arith.constant 0 : i32
      %dma_wait3A_1462 = tpu.memref_slice %arg4[%mul3A_905, %dma_wait3A_1461] : memref<65536x128xf32, #tpu.memory_space<hbm>> -> memref<128x128xf32, #tpu.memory_space<hbm>>
      tpu.wait_dma2 semaphore(%run_scoped3A : memref<!tpu.dma_semaphore, #tpu.memory_space<semaphore_mem>>) src(%arg7 : memref<128x128xf32, #tpu.memory_space<vmem>>) dst(%dma_wait3A_1462 : memref<128x128xf32, #tpu.memory_space<hbm>>)
      tpu.yield
    }) : () -> ()
    %mul3A_906 = arith.constant 128 : i32
    %mul3A_907 = arith.muli %add3A, %mul3A_906 : i32
    %add3A_908 = arith.constant 80 : i32
    %add3A_909 = arith.addi %mul3A_907, %add3A_908 : i32
    %mul3A_910 = arith.constant 16 : i32
    %mul3A_911 = arith.muli %add3A_909, %mul3A_910 : i32
    "tpu.region"() ({
      %run_scoped3A = tpu.sem_alloc : memref<!tpu.dma_semaphore, #tpu.memory_space<semaphore_mem>>
      %dma_start3A_1455 = tpu.memref_slice %arg3[%mul3A_911] : memref<65536xi32, #tpu.memory_space<hbm>> -> memref<128xi32, #tpu.memory_space<hbm>>
      %dma_start3A_1456 = tpu.memref_slice %arg3[%mul3A_911] : memref<65536xi32, #tpu.memory_space<hbm>> -> memref<128xi32, #tpu.memory_space<hbm>>
      tpu.enqueue_dma source(%dma_start3A_1456 : memref<128xi32, #tpu.memory_space<hbm>>) target(%arg5 : memref<128xi32, #tpu.memory_space<vmem>>) target_semaphore(%run_scoped3A : memref<!tpu.dma_semaphore, #tpu.memory_space<semaphore_mem>>)
      %dma_wait3A_1457 = tpu.memref_slice %arg3[%mul3A_911] : memref<65536xi32, #tpu.memory_space<hbm>> -> memref<128xi32, #tpu.memory_space<hbm>>
      %dma_wait3A_1458 = tpu.memref_slice %arg3[%mul3A_911] : memref<65536xi32, #tpu.memory_space<hbm>> -> memref<128xi32, #tpu.memory_space<hbm>>
      tpu.wait_dma2 semaphore(%run_scoped3A : memref<!tpu.dma_semaphore, #tpu.memory_space<semaphore_mem>>) src(%dma_wait3A_1458 : memref<128xi32, #tpu.memory_space<hbm>>) dst(%arg5 : memref<128xi32, #tpu.memory_space<vmem>>)
      tpu.yield
    }) : () -> ()
    %get3A_912 = arith.constant 0 : index
    %get3A_913 = tpu.vector_load %arg5[%get3A_912] {strides = array<i32>} : memref<128xi32, #tpu.memory_space<vmem>>, vector<16xi32>,
    %get3A_914 = vector.shape_cast %get3A_913 : vector<16xi32> to vector<16xi32>
    %add3A_915 = vector.broadcast %mul3A_18 : i32 to vector<16xi32>
    %add3A_916 = arith.addi %get3A_914, %add3A_915 : vector<16xi32>
    %swap3A_917 = arith.constant 0 : index
    %swap3A_918 = tpu.vector_load %arg5[%swap3A_917] {strides = array<i32>} : memref<128xi32, #tpu.memory_space<vmem>>, vector<16xi32>,
    %swap3A_919 = vector.shape_cast %swap3A_918 : vector<16xi32> to vector<16xi32>
    %swap3A_920 = vector.shape_cast %add3A_916 : vector<16xi32> to vector<16xi32>
    tpu.vector_store %arg5[%swap3A_917], %swap3A_920 {strides = array<i32>} : memref<128xi32, #tpu.memory_space<vmem>>, vector<16xi32>,
    %get3A_921 = arith.constant 16 : index
    %get3A_922 = tpu.vector_load %arg5[%get3A_921] {strides = array<i32>} : memref<128xi32, #tpu.memory_space<vmem>>, vector<16xi32>,
    %get3A_923 = vector.shape_cast %get3A_922 : vector<16xi32> to vector<16xi32>
    %add3A_924 = vector.broadcast %mul3A_18 : i32 to vector<16xi32>
    %add3A_925 = arith.addi %get3A_923, %add3A_924 : vector<16xi32>
    %swap3A_926 = arith.constant 16 : index
    %swap3A_927 = tpu.vector_load %arg5[%swap3A_926] {strides = array<i32>} : memref<128xi32, #tpu.memory_space<vmem>>, vector<16xi32>,
    %swap3A_928 = vector.shape_cast %swap3A_927 : vector<16xi32> to vector<16xi32>
    %swap3A_929 = vector.shape_cast %add3A_925 : vector<16xi32> to vector<16xi32>
    tpu.vector_store %arg5[%swap3A_926], %swap3A_929 {strides = array<i32>} : memref<128xi32, #tpu.memory_space<vmem>>, vector<16xi32>,
    %get3A_930 = arith.constant 32 : index
    %get3A_931 = tpu.vector_load %arg5[%get3A_930] {strides = array<i32>} : memref<128xi32, #tpu.memory_space<vmem>>, vector<16xi32>,
    %get3A_932 = vector.shape_cast %get3A_931 : vector<16xi32> to vector<16xi32>
    %add3A_933 = vector.broadcast %mul3A_18 : i32 to vector<16xi32>
    %add3A_934 = arith.addi %get3A_932, %add3A_933 : vector<16xi32>
    %swap3A_935 = arith.constant 32 : index
    %swap3A_936 = tpu.vector_load %arg5[%swap3A_935] {strides = array<i32>} : memref<128xi32, #tpu.memory_space<vmem>>, vector<16xi32>,
    %swap3A_937 = vector.shape_cast %swap3A_936 : vector<16xi32> to vector<16xi32>
    %swap3A_938 = vector.shape_cast %add3A_934 : vector<16xi32> to vector<16xi32>
    tpu.vector_store %arg5[%swap3A_935], %swap3A_938 {strides = array<i32>} : memref<128xi32, #tpu.memory_space<vmem>>, vector<16xi32>,
    %get3A_939 = arith.constant 48 : index
    %get3A_940 = tpu.vector_load %arg5[%get3A_939] {strides = array<i32>} : memref<128xi32, #tpu.memory_space<vmem>>, vector<16xi32>,
    %get3A_941 = vector.shape_cast %get3A_940 : vector<16xi32> to vector<16xi32>
    %add3A_942 = vector.broadcast %mul3A_18 : i32 to vector<16xi32>
    %add3A_943 = arith.addi %get3A_941, %add3A_942 : vector<16xi32>
    %swap3A_944 = arith.constant 48 : index
    %swap3A_945 = tpu.vector_load %arg5[%swap3A_944] {strides = array<i32>} : memref<128xi32, #tpu.memory_space<vmem>>, vector<16xi32>,
    %swap3A_946 = vector.shape_cast %swap3A_945 : vector<16xi32> to vector<16xi32>
    %swap3A_947 = vector.shape_cast %add3A_943 : vector<16xi32> to vector<16xi32>
    tpu.vector_store %arg5[%swap3A_944], %swap3A_947 {strides = array<i32>} : memref<128xi32, #tpu.memory_space<vmem>>, vector<16xi32>,
    %get3A_948 = arith.constant 64 : index
    %get3A_949 = tpu.vector_load %arg5[%get3A_948] {strides = array<i32>} : memref<128xi32, #tpu.memory_space<vmem>>, vector<16xi32>,
    %get3A_950 = vector.shape_cast %get3A_949 : vector<16xi32> to vector<16xi32>
    %add3A_951 = vector.broadcast %mul3A_18 : i32 to vector<16xi32>
    %add3A_952 = arith.addi %get3A_950, %add3A_951 : vector<16xi32>
    %swap3A_953 = arith.constant 64 : index
    %swap3A_954 = tpu.vector_load %arg5[%swap3A_953] {strides = array<i32>} : memref<128xi32, #tpu.memory_space<vmem>>, vector<16xi32>,
    %swap3A_955 = vector.shape_cast %swap3A_954 : vector<16xi32> to vector<16xi32>
    %swap3A_956 = vector.shape_cast %add3A_952 : vector<16xi32> to vector<16xi32>
    tpu.vector_store %arg5[%swap3A_953], %swap3A_956 {strides = array<i32>} : memref<128xi32, #tpu.memory_space<vmem>>, vector<16xi32>,
    %get3A_957 = arith.constant 80 : index
    %get3A_958 = tpu.vector_load %arg5[%get3A_957] {strides = array<i32>} : memref<128xi32, #tpu.memory_space<vmem>>, vector<16xi32>,
    %get3A_959 = vector.shape_cast %get3A_958 : vector<16xi32> to vector<16xi32>
    %add3A_960 = vector.broadcast %mul3A_18 : i32 to vector<16xi32>
    %add3A_961 = arith.addi %get3A_959, %add3A_960 : vector<16xi32>
    %swap3A_962 = arith.constant 80 : index
    %swap3A_963 = tpu.vector_load %arg5[%swap3A_962] {strides = array<i32>} : memref<128xi32, #tpu.memory_space<vmem>>, vector<16xi32>,
    %swap3A_964 = vector.shape_cast %swap3A_963 : vector<16xi32> to vector<16xi32>
    %swap3A_965 = vector.shape_cast %add3A_961 : vector<16xi32> to vector<16xi32>
    tpu.vector_store %arg5[%swap3A_962], %swap3A_965 {strides = array<i32>} : memref<128xi32, #tpu.memory_space<vmem>>, vector<16xi32>,
    %get3A_966 = arith.constant 96 : index
    %get3A_967 = tpu.vector_load %arg5[%get3A_966] {strides = array<i32>} : memref<128xi32, #tpu.memory_space<vmem>>, vector<16xi32>,
    %get3A_968 = vector.shape_cast %get3A_967 : vector<16xi32> to vector<16xi32>
    %add3A_969 = vector.broadcast %mul3A_18 : i32 to vector<16xi32>
    %add3A_970 = arith.addi %get3A_968, %add3A_969 : vector<16xi32>
    %swap3A_971 = arith.constant 96 : index
    %swap3A_972 = tpu.vector_load %arg5[%swap3A_971] {strides = array<i32>} : memref<128xi32, #tpu.memory_space<vmem>>, vector<16xi32>,
    %swap3A_973 = vector.shape_cast %swap3A_972 : vector<16xi32> to vector<16xi32>
    %swap3A_974 = vector.shape_cast %add3A_970 : vector<16xi32> to vector<16xi32>
    tpu.vector_store %arg5[%swap3A_971], %swap3A_974 {strides = array<i32>} : memref<128xi32, #tpu.memory_space<vmem>>, vector<16xi32>,
    %get3A_975 = arith.constant 112 : index
    %get3A_976 = tpu.vector_load %arg5[%get3A_975] {strides = array<i32>} : memref<128xi32, #tpu.memory_space<vmem>>, vector<16xi32>,
    %get3A_977 = vector.shape_cast %get3A_976 : vector<16xi32> to vector<16xi32>
    %add3A_978 = vector.broadcast %mul3A_18 : i32 to vector<16xi32>
    %add3A_979 = arith.addi %get3A_977, %add3A_978 : vector<16xi32>
    %swap3A_980 = arith.constant 112 : index
    %swap3A_981 = tpu.vector_load %arg5[%swap3A_980] {strides = array<i32>} : memref<128xi32, #tpu.memory_space<vmem>>, vector<16xi32>,
    %swap3A_982 = vector.shape_cast %swap3A_981 : vector<16xi32> to vector<16xi32>
    %swap3A_983 = vector.shape_cast %add3A_979 : vector<16xi32> to vector<16xi32>
    tpu.vector_store %arg5[%swap3A_980], %swap3A_983 {strides = array<i32>} : memref<128xi32, #tpu.memory_space<vmem>>, vector<16xi32>,
    %dma_start3A_984 = arith.constant 0 : i32
    %dma_start3A_985 = arith.constant 0 : i32
    %dma_start3A_986 = tpu.memref_slice %arg2[%dma_start3A_984, %dma_start3A_985] : memref<16384x128xf32, #tpu.memory_space<hbm>> -> memref<16384x128xf32, #tpu.memory_space<hbm>>
    tpu.enqueue_indirect_dma source(%dma_start3A_986 : memref<16384x128xf32, #tpu.memory_space<hbm>>) target(%arg7 : memref<128x128xf32, #tpu.memory_space<vmem>>) offsets(%arg5 : memref<128xi32, #tpu.memory_space<vmem>>) semaphore(%arg9 : memref<!tpu.dma_semaphore, #tpu.memory_space<semaphore_mem>>)
    %dma_wait3A_987 = arith.constant 0 : i32
    %dma_wait3A_988 = arith.constant 0 : i32
    %dma_wait3A_989 = tpu.memref_slice %arg2[%dma_wait3A_987, %dma_wait3A_988] : memref<16384x128xf32, #tpu.memory_space<hbm>> -> memref<16384x128xf32, #tpu.memory_space<hbm>>
    tpu.wait_indirect_dma semaphore(%arg10 : memref<!tpu.dma_semaphore, #tpu.memory_space<semaphore_mem>>) src(%dma_wait3A_989 : memref<16384x128xf32, #tpu.memory_space<hbm>>) dst(%arg8 : memref<128x128xf32, #tpu.memory_space<vmem>>)
    %mul3A_990 = arith.constant 128 : i32
    %mul3A_991 = arith.muli %add3A, %mul3A_990 : i32
    %add3A_992 = arith.constant 72 : i32
    %add3A_993 = arith.addi %mul3A_991, %add3A_992 : i32
    %mul3A_994 = arith.constant 16 : i32
    %mul3A_995 = arith.muli %add3A_993, %mul3A_994 : i32
    "tpu.region"() ({
      %run_scoped3A = tpu.sem_alloc : memref<!tpu.dma_semaphore, #tpu.memory_space<semaphore_mem>>
      %dma_start3A_1455 = arith.constant 0 : i32
      %dma_start3A_1456 = tpu.memref_slice %arg4[%mul3A_995, %dma_start3A_1455] : memref<65536x128xf32, #tpu.memory_space<hbm>> -> memref<128x128xf32, #tpu.memory_space<hbm>>
      %dma_start3A_1457 = arith.constant 0 : i32
      %dma_start3A_1458 = tpu.memref_slice %arg4[%mul3A_995, %dma_start3A_1457] : memref<65536x128xf32, #tpu.memory_space<hbm>> -> memref<128x128xf32, #tpu.memory_space<hbm>>
      tpu.enqueue_dma source(%arg8 : memref<128x128xf32, #tpu.memory_space<vmem>>) target(%dma_start3A_1458 : memref<128x128xf32, #tpu.memory_space<hbm>>) target_semaphore(%run_scoped3A : memref<!tpu.dma_semaphore, #tpu.memory_space<semaphore_mem>>)
      %dma_wait3A_1459 = arith.constant 0 : i32
      %dma_wait3A_1460 = tpu.memref_slice %arg4[%mul3A_995, %dma_wait3A_1459] : memref<65536x128xf32, #tpu.memory_space<hbm>> -> memref<128x128xf32, #tpu.memory_space<hbm>>
      %dma_wait3A_1461 = arith.constant 0 : i32
      %dma_wait3A_1462 = tpu.memref_slice %arg4[%mul3A_995, %dma_wait3A_1461] : memref<65536x128xf32, #tpu.memory_space<hbm>> -> memref<128x128xf32, #tpu.memory_space<hbm>>
      tpu.wait_dma2 semaphore(%run_scoped3A : memref<!tpu.dma_semaphore, #tpu.memory_space<semaphore_mem>>) src(%arg8 : memref<128x128xf32, #tpu.memory_space<vmem>>) dst(%dma_wait3A_1462 : memref<128x128xf32, #tpu.memory_space<hbm>>)
      tpu.yield
    }) : () -> ()
    %mul3A_996 = arith.constant 128 : i32
    %mul3A_997 = arith.muli %add3A, %mul3A_996 : i32
    %add3A_998 = arith.constant 88 : i32
    %add3A_999 = arith.addi %mul3A_997, %add3A_998 : i32
    %mul3A_1000 = arith.constant 16 : i32
    %mul3A_1001 = arith.muli %add3A_999, %mul3A_1000 : i32
    "tpu.region"() ({
      %run_scoped3A = tpu.sem_alloc : memref<!tpu.dma_semaphore, #tpu.memory_space<semaphore_mem>>
      %dma_start3A_1455 = tpu.memref_slice %arg3[%mul3A_1001] : memref<65536xi32, #tpu.memory_space<hbm>> -> memref<128xi32, #tpu.memory_space<hbm>>
      %dma_start3A_1456 = tpu.memref_slice %arg3[%mul3A_1001] : memref<65536xi32, #tpu.memory_space<hbm>> -> memref<128xi32, #tpu.memory_space<hbm>>
      tpu.enqueue_dma source(%dma_start3A_1456 : memref<128xi32, #tpu.memory_space<hbm>>) target(%arg6 : memref<128xi32, #tpu.memory_space<vmem>>) target_semaphore(%run_scoped3A : memref<!tpu.dma_semaphore, #tpu.memory_space<semaphore_mem>>)
      %dma_wait3A_1457 = tpu.memref_slice %arg3[%mul3A_1001] : memref<65536xi32, #tpu.memory_space<hbm>> -> memref<128xi32, #tpu.memory_space<hbm>>
      %dma_wait3A_1458 = tpu.memref_slice %arg3[%mul3A_1001] : memref<65536xi32, #tpu.memory_space<hbm>> -> memref<128xi32, #tpu.memory_space<hbm>>
      tpu.wait_dma2 semaphore(%run_scoped3A : memref<!tpu.dma_semaphore, #tpu.memory_space<semaphore_mem>>) src(%dma_wait3A_1458 : memref<128xi32, #tpu.memory_space<hbm>>) dst(%arg6 : memref<128xi32, #tpu.memory_space<vmem>>)
      tpu.yield
    }) : () -> ()
    %get3A_1002 = arith.constant 0 : index
    %get3A_1003 = tpu.vector_load %arg6[%get3A_1002] {strides = array<i32>} : memref<128xi32, #tpu.memory_space<vmem>>, vector<16xi32>,
    %get3A_1004 = vector.shape_cast %get3A_1003 : vector<16xi32> to vector<16xi32>
    %add3A_1005 = vector.broadcast %mul3A_18 : i32 to vector<16xi32>
    %add3A_1006 = arith.addi %get3A_1004, %add3A_1005 : vector<16xi32>
    %swap3A_1007 = arith.constant 0 : index
    %swap3A_1008 = tpu.vector_load %arg6[%swap3A_1007] {strides = array<i32>} : memref<128xi32, #tpu.memory_space<vmem>>, vector<16xi32>,
    %swap3A_1009 = vector.shape_cast %swap3A_1008 : vector<16xi32> to vector<16xi32>
    %swap3A_1010 = vector.shape_cast %add3A_1006 : vector<16xi32> to vector<16xi32>
    tpu.vector_store %arg6[%swap3A_1007], %swap3A_1010 {strides = array<i32>} : memref<128xi32, #tpu.memory_space<vmem>>, vector<16xi32>,
    %get3A_1011 = arith.constant 16 : index
    %get3A_1012 = tpu.vector_load %arg6[%get3A_1011] {strides = array<i32>} : memref<128xi32, #tpu.memory_space<vmem>>, vector<16xi32>,
    %get3A_1013 = vector.shape_cast %get3A_1012 : vector<16xi32> to vector<16xi32>
    %add3A_1014 = vector.broadcast %mul3A_18 : i32 to vector<16xi32>
    %add3A_1015 = arith.addi %get3A_1013, %add3A_1014 : vector<16xi32>
    %swap3A_1016 = arith.constant 16 : index
    %swap3A_1017 = tpu.vector_load %arg6[%swap3A_1016] {strides = array<i32>} : memref<128xi32, #tpu.memory_space<vmem>>, vector<16xi32>,
    %swap3A_1018 = vector.shape_cast %swap3A_1017 : vector<16xi32> to vector<16xi32>
    %swap3A_1019 = vector.shape_cast %add3A_1015 : vector<16xi32> to vector<16xi32>
    tpu.vector_store %arg6[%swap3A_1016], %swap3A_1019 {strides = array<i32>} : memref<128xi32, #tpu.memory_space<vmem>>, vector<16xi32>,
    %get3A_1020 = arith.constant 32 : index
    %get3A_1021 = tpu.vector_load %arg6[%get3A_1020] {strides = array<i32>} : memref<128xi32, #tpu.memory_space<vmem>>, vector<16xi32>,
    %get3A_1022 = vector.shape_cast %get3A_1021 : vector<16xi32> to vector<16xi32>
    %add3A_1023 = vector.broadcast %mul3A_18 : i32 to vector<16xi32>
    %add3A_1024 = arith.addi %get3A_1022, %add3A_1023 : vector<16xi32>
    %swap3A_1025 = arith.constant 32 : index
    %swap3A_1026 = tpu.vector_load %arg6[%swap3A_1025] {strides = array<i32>} : memref<128xi32, #tpu.memory_space<vmem>>, vector<16xi32>,
    %swap3A_1027 = vector.shape_cast %swap3A_1026 : vector<16xi32> to vector<16xi32>
    %swap3A_1028 = vector.shape_cast %add3A_1024 : vector<16xi32> to vector<16xi32>
    tpu.vector_store %arg6[%swap3A_1025], %swap3A_1028 {strides = array<i32>} : memref<128xi32, #tpu.memory_space<vmem>>, vector<16xi32>,
    %get3A_1029 = arith.constant 48 : index
    %get3A_1030 = tpu.vector_load %arg6[%get3A_1029] {strides = array<i32>} : memref<128xi32, #tpu.memory_space<vmem>>, vector<16xi32>,
    %get3A_1031 = vector.shape_cast %get3A_1030 : vector<16xi32> to vector<16xi32>
    %add3A_1032 = vector.broadcast %mul3A_18 : i32 to vector<16xi32>
    %add3A_1033 = arith.addi %get3A_1031, %add3A_1032 : vector<16xi32>
    %swap3A_1034 = arith.constant 48 : index
    %swap3A_1035 = tpu.vector_load %arg6[%swap3A_1034] {strides = array<i32>} : memref<128xi32, #tpu.memory_space<vmem>>, vector<16xi32>,
    %swap3A_1036 = vector.shape_cast %swap3A_1035 : vector<16xi32> to vector<16xi32>
    %swap3A_1037 = vector.shape_cast %add3A_1033 : vector<16xi32> to vector<16xi32>
    tpu.vector_store %arg6[%swap3A_1034], %swap3A_1037 {strides = array<i32>} : memref<128xi32, #tpu.memory_space<vmem>>, vector<16xi32>,
    %get3A_1038 = arith.constant 64 : index
    %get3A_1039 = tpu.vector_load %arg6[%get3A_1038] {strides = array<i32>} : memref<128xi32, #tpu.memory_space<vmem>>, vector<16xi32>,
    %get3A_1040 = vector.shape_cast %get3A_1039 : vector<16xi32> to vector<16xi32>
    %add3A_1041 = vector.broadcast %mul3A_18 : i32 to vector<16xi32>
    %add3A_1042 = arith.addi %get3A_1040, %add3A_1041 : vector<16xi32>
    %swap3A_1043 = arith.constant 64 : index
    %swap3A_1044 = tpu.vector_load %arg6[%swap3A_1043] {strides = array<i32>} : memref<128xi32, #tpu.memory_space<vmem>>, vector<16xi32>,
    %swap3A_1045 = vector.shape_cast %swap3A_1044 : vector<16xi32> to vector<16xi32>
    %swap3A_1046 = vector.shape_cast %add3A_1042 : vector<16xi32> to vector<16xi32>
    tpu.vector_store %arg6[%swap3A_1043], %swap3A_1046 {strides = array<i32>} : memref<128xi32, #tpu.memory_space<vmem>>, vector<16xi32>,
    %get3A_1047 = arith.constant 80 : index
    %get3A_1048 = tpu.vector_load %arg6[%get3A_1047] {strides = array<i32>} : memref<128xi32, #tpu.memory_space<vmem>>, vector<16xi32>,
    %get3A_1049 = vector.shape_cast %get3A_1048 : vector<16xi32> to vector<16xi32>
    %add3A_1050 = vector.broadcast %mul3A_18 : i32 to vector<16xi32>
    %add3A_1051 = arith.addi %get3A_1049, %add3A_1050 : vector<16xi32>
    %swap3A_1052 = arith.constant 80 : index
    %swap3A_1053 = tpu.vector_load %arg6[%swap3A_1052] {strides = array<i32>} : memref<128xi32, #tpu.memory_space<vmem>>, vector<16xi32>,
    %swap3A_1054 = vector.shape_cast %swap3A_1053 : vector<16xi32> to vector<16xi32>
    %swap3A_1055 = vector.shape_cast %add3A_1051 : vector<16xi32> to vector<16xi32>
    tpu.vector_store %arg6[%swap3A_1052], %swap3A_1055 {strides = array<i32>} : memref<128xi32, #tpu.memory_space<vmem>>, vector<16xi32>,
    %get3A_1056 = arith.constant 96 : index
    %get3A_1057 = tpu.vector_load %arg6[%get3A_1056] {strides = array<i32>} : memref<128xi32, #tpu.memory_space<vmem>>, vector<16xi32>,
    %get3A_1058 = vector.shape_cast %get3A_1057 : vector<16xi32> to vector<16xi32>
    %add3A_1059 = vector.broadcast %mul3A_18 : i32 to vector<16xi32>
    %add3A_1060 = arith.addi %get3A_1058, %add3A_1059 : vector<16xi32>
    %swap3A_1061 = arith.constant 96 : index
    %swap3A_1062 = tpu.vector_load %arg6[%swap3A_1061] {strides = array<i32>} : memref<128xi32, #tpu.memory_space<vmem>>, vector<16xi32>,
    %swap3A_1063 = vector.shape_cast %swap3A_1062 : vector<16xi32> to vector<16xi32>
    %swap3A_1064 = vector.shape_cast %add3A_1060 : vector<16xi32> to vector<16xi32>
    tpu.vector_store %arg6[%swap3A_1061], %swap3A_1064 {strides = array<i32>} : memref<128xi32, #tpu.memory_space<vmem>>, vector<16xi32>,
    %get3A_1065 = arith.constant 112 : index
    %get3A_1066 = tpu.vector_load %arg6[%get3A_1065] {strides = array<i32>} : memref<128xi32, #tpu.memory_space<vmem>>, vector<16xi32>,
    %get3A_1067 = vector.shape_cast %get3A_1066 : vector<16xi32> to vector<16xi32>
    %add3A_1068 = vector.broadcast %mul3A_18 : i32 to vector<16xi32>
    %add3A_1069 = arith.addi %get3A_1067, %add3A_1068 : vector<16xi32>
    %swap3A_1070 = arith.constant 112 : index
    %swap3A_1071 = tpu.vector_load %arg6[%swap3A_1070] {strides = array<i32>} : memref<128xi32, #tpu.memory_space<vmem>>, vector<16xi32>,
    %swap3A_1072 = vector.shape_cast %swap3A_1071 : vector<16xi32> to vector<16xi32>
    %swap3A_1073 = vector.shape_cast %add3A_1069 : vector<16xi32> to vector<16xi32>
    tpu.vector_store %arg6[%swap3A_1070], %swap3A_1073 {strides = array<i32>} : memref<128xi32, #tpu.memory_space<vmem>>, vector<16xi32>,
    %dma_start3A_1074 = arith.constant 0 : i32
    %dma_start3A_1075 = arith.constant 0 : i32
    %dma_start3A_1076 = tpu.memref_slice %arg2[%dma_start3A_1074, %dma_start3A_1075] : memref<16384x128xf32, #tpu.memory_space<hbm>> -> memref<16384x128xf32, #tpu.memory_space<hbm>>
    tpu.enqueue_indirect_dma source(%dma_start3A_1076 : memref<16384x128xf32, #tpu.memory_space<hbm>>) target(%arg8 : memref<128x128xf32, #tpu.memory_space<vmem>>) offsets(%arg6 : memref<128xi32, #tpu.memory_space<vmem>>) semaphore(%arg10 : memref<!tpu.dma_semaphore, #tpu.memory_space<semaphore_mem>>)
    %dma_wait3A_1077 = arith.constant 0 : i32
    %dma_wait3A_1078 = arith.constant 0 : i32
    %dma_wait3A_1079 = tpu.memref_slice %arg2[%dma_wait3A_1077, %dma_wait3A_1078] : memref<16384x128xf32, #tpu.memory_space<hbm>> -> memref<16384x128xf32, #tpu.memory_space<hbm>>
    tpu.wait_indirect_dma semaphore(%arg9 : memref<!tpu.dma_semaphore, #tpu.memory_space<semaphore_mem>>) src(%dma_wait3A_1079 : memref<16384x128xf32, #tpu.memory_space<hbm>>) dst(%arg7 : memref<128x128xf32, #tpu.memory_space<vmem>>)
    %mul3A_1080 = arith.constant 128 : i32
    %mul3A_1081 = arith.muli %add3A, %mul3A_1080 : i32
    %add3A_1082 = arith.constant 80 : i32
    %add3A_1083 = arith.addi %mul3A_1081, %add3A_1082 : i32
    %mul3A_1084 = arith.constant 16 : i32
    %mul3A_1085 = arith.muli %add3A_1083, %mul3A_1084 : i32
    "tpu.region"() ({
      %run_scoped3A = tpu.sem_alloc : memref<!tpu.dma_semaphore, #tpu.memory_space<semaphore_mem>>
      %dma_start3A_1455 = arith.constant 0 : i32
      %dma_start3A_1456 = tpu.memref_slice %arg4[%mul3A_1085, %dma_start3A_1455] : memref<65536x128xf32, #tpu.memory_space<hbm>> -> memref<128x128xf32, #tpu.memory_space<hbm>>
      %dma_start3A_1457 = arith.constant 0 : i32
      %dma_start3A_1458 = tpu.memref_slice %arg4[%mul3A_1085, %dma_start3A_1457] : memref<65536x128xf32, #tpu.memory_space<hbm>> -> memref<128x128xf32, #tpu.memory_space<hbm>>
      tpu.enqueue_dma source(%arg7 : memref<128x128xf32, #tpu.memory_space<vmem>>) target(%dma_start3A_1458 : memref<128x128xf32, #tpu.memory_space<hbm>>) target_semaphore(%run_scoped3A : memref<!tpu.dma_semaphore, #tpu.memory_space<semaphore_mem>>)
      %dma_wait3A_1459 = arith.constant 0 : i32
      %dma_wait3A_1460 = tpu.memref_slice %arg4[%mul3A_1085, %dma_wait3A_1459] : memref<65536x128xf32, #tpu.memory_space<hbm>> -> memref<128x128xf32, #tpu.memory_space<hbm>>
      %dma_wait3A_1461 = arith.constant 0 : i32
      %dma_wait3A_1462 = tpu.memref_slice %arg4[%mul3A_1085, %dma_wait3A_1461] : memref<65536x128xf32, #tpu.memory_space<hbm>> -> memref<128x128xf32, #tpu.memory_space<hbm>>
      tpu.wait_dma2 semaphore(%run_scoped3A : memref<!tpu.dma_semaphore, #tpu.memory_space<semaphore_mem>>) src(%arg7 : memref<128x128xf32, #tpu.memory_space<vmem>>) dst(%dma_wait3A_1462 : memref<128x128xf32, #tpu.memory_space<hbm>>)
      tpu.yield
    }) : () -> ()
    %mul3A_1086 = arith.constant 128 : i32
    %mul3A_1087 = arith.muli %add3A, %mul3A_1086 : i32
    %add3A_1088 = arith.constant 96 : i32
    %add3A_1089 = arith.addi %mul3A_1087, %add3A_1088 : i32
    %mul3A_1090 = arith.constant 16 : i32
    %mul3A_1091 = arith.muli %add3A_1089, %mul3A_1090 : i32
    "tpu.region"() ({
      %run_scoped3A = tpu.sem_alloc : memref<!tpu.dma_semaphore, #tpu.memory_space<semaphore_mem>>
      %dma_start3A_1455 = tpu.memref_slice %arg3[%mul3A_1091] : memref<65536xi32, #tpu.memory_space<hbm>> -> memref<128xi32, #tpu.memory_space<hbm>>
      %dma_start3A_1456 = tpu.memref_slice %arg3[%mul3A_1091] : memref<65536xi32, #tpu.memory_space<hbm>> -> memref<128xi32, #tpu.memory_space<hbm>>
      tpu.enqueue_dma source(%dma_start3A_1456 : memref<128xi32, #tpu.memory_space<hbm>>) target(%arg5 : memref<128xi32, #tpu.memory_space<vmem>>) target_semaphore(%run_scoped3A : memref<!tpu.dma_semaphore, #tpu.memory_space<semaphore_mem>>)
      %dma_wait3A_1457 = tpu.memref_slice %arg3[%mul3A_1091] : memref<65536xi32, #tpu.memory_space<hbm>> -> memref<128xi32, #tpu.memory_space<hbm>>
      %dma_wait3A_1458 = tpu.memref_slice %arg3[%mul3A_1091] : memref<65536xi32, #tpu.memory_space<hbm>> -> memref<128xi32, #tpu.memory_space<hbm>>
      tpu.wait_dma2 semaphore(%run_scoped3A : memref<!tpu.dma_semaphore, #tpu.memory_space<semaphore_mem>>) src(%dma_wait3A_1458 : memref<128xi32, #tpu.memory_space<hbm>>) dst(%arg5 : memref<128xi32, #tpu.memory_space<vmem>>)
      tpu.yield
    }) : () -> ()
    %get3A_1092 = arith.constant 0 : index
    %get3A_1093 = tpu.vector_load %arg5[%get3A_1092] {strides = array<i32>} : memref<128xi32, #tpu.memory_space<vmem>>, vector<16xi32>,
    %get3A_1094 = vector.shape_cast %get3A_1093 : vector<16xi32> to vector<16xi32>
    %add3A_1095 = vector.broadcast %mul3A_18 : i32 to vector<16xi32>
    %add3A_1096 = arith.addi %get3A_1094, %add3A_1095 : vector<16xi32>
    %swap3A_1097 = arith.constant 0 : index
    %swap3A_1098 = tpu.vector_load %arg5[%swap3A_1097] {strides = array<i32>} : memref<128xi32, #tpu.memory_space<vmem>>, vector<16xi32>,
    %swap3A_1099 = vector.shape_cast %swap3A_1098 : vector<16xi32> to vector<16xi32>
    %swap3A_1100 = vector.shape_cast %add3A_1096 : vector<16xi32> to vector<16xi32>
    tpu.vector_store %arg5[%swap3A_1097], %swap3A_1100 {strides = array<i32>} : memref<128xi32, #tpu.memory_space<vmem>>, vector<16xi32>,
    %get3A_1101 = arith.constant 16 : index
    %get3A_1102 = tpu.vector_load %arg5[%get3A_1101] {strides = array<i32>} : memref<128xi32, #tpu.memory_space<vmem>>, vector<16xi32>,
    %get3A_1103 = vector.shape_cast %get3A_1102 : vector<16xi32> to vector<16xi32>
    %add3A_1104 = vector.broadcast %mul3A_18 : i32 to vector<16xi32>
    %add3A_1105 = arith.addi %get3A_1103, %add3A_1104 : vector<16xi32>
    %swap3A_1106 = arith.constant 16 : index
    %swap3A_1107 = tpu.vector_load %arg5[%swap3A_1106] {strides = array<i32>} : memref<128xi32, #tpu.memory_space<vmem>>, vector<16xi32>,
    %swap3A_1108 = vector.shape_cast %swap3A_1107 : vector<16xi32> to vector<16xi32>
    %swap3A_1109 = vector.shape_cast %add3A_1105 : vector<16xi32> to vector<16xi32>
    tpu.vector_store %arg5[%swap3A_1106], %swap3A_1109 {strides = array<i32>} : memref<128xi32, #tpu.memory_space<vmem>>, vector<16xi32>,
    %get3A_1110 = arith.constant 32 : index
    %get3A_1111 = tpu.vector_load %arg5[%get3A_1110] {strides = array<i32>} : memref<128xi32, #tpu.memory_space<vmem>>, vector<16xi32>,
    %get3A_1112 = vector.shape_cast %get3A_1111 : vector<16xi32> to vector<16xi32>
    %add3A_1113 = vector.broadcast %mul3A_18 : i32 to vector<16xi32>
    %add3A_1114 = arith.addi %get3A_1112, %add3A_1113 : vector<16xi32>
    %swap3A_1115 = arith.constant 32 : index
    %swap3A_1116 = tpu.vector_load %arg5[%swap3A_1115] {strides = array<i32>} : memref<128xi32, #tpu.memory_space<vmem>>, vector<16xi32>,
    %swap3A_1117 = vector.shape_cast %swap3A_1116 : vector<16xi32> to vector<16xi32>
    %swap3A_1118 = vector.shape_cast %add3A_1114 : vector<16xi32> to vector<16xi32>
    tpu.vector_store %arg5[%swap3A_1115], %swap3A_1118 {strides = array<i32>} : memref<128xi32, #tpu.memory_space<vmem>>, vector<16xi32>,
    %get3A_1119 = arith.constant 48 : index
    %get3A_1120 = tpu.vector_load %arg5[%get3A_1119] {strides = array<i32>} : memref<128xi32, #tpu.memory_space<vmem>>, vector<16xi32>,
    %get3A_1121 = vector.shape_cast %get3A_1120 : vector<16xi32> to vector<16xi32>
    %add3A_1122 = vector.broadcast %mul3A_18 : i32 to vector<16xi32>
    %add3A_1123 = arith.addi %get3A_1121, %add3A_1122 : vector<16xi32>
    %swap3A_1124 = arith.constant 48 : index
    %swap3A_1125 = tpu.vector_load %arg5[%swap3A_1124] {strides = array<i32>} : memref<128xi32, #tpu.memory_space<vmem>>, vector<16xi32>,
    %swap3A_1126 = vector.shape_cast %swap3A_1125 : vector<16xi32> to vector<16xi32>
    %swap3A_1127 = vector.shape_cast %add3A_1123 : vector<16xi32> to vector<16xi32>
    tpu.vector_store %arg5[%swap3A_1124], %swap3A_1127 {strides = array<i32>} : memref<128xi32, #tpu.memory_space<vmem>>, vector<16xi32>,
    %get3A_1128 = arith.constant 64 : index
    %get3A_1129 = tpu.vector_load %arg5[%get3A_1128] {strides = array<i32>} : memref<128xi32, #tpu.memory_space<vmem>>, vector<16xi32>,
    %get3A_1130 = vector.shape_cast %get3A_1129 : vector<16xi32> to vector<16xi32>
    %add3A_1131 = vector.broadcast %mul3A_18 : i32 to vector<16xi32>
    %add3A_1132 = arith.addi %get3A_1130, %add3A_1131 : vector<16xi32>
    %swap3A_1133 = arith.constant 64 : index
    %swap3A_1134 = tpu.vector_load %arg5[%swap3A_1133] {strides = array<i32>} : memref<128xi32, #tpu.memory_space<vmem>>, vector<16xi32>,
    %swap3A_1135 = vector.shape_cast %swap3A_1134 : vector<16xi32> to vector<16xi32>
    %swap3A_1136 = vector.shape_cast %add3A_1132 : vector<16xi32> to vector<16xi32>
    tpu.vector_store %arg5[%swap3A_1133], %swap3A_1136 {strides = array<i32>} : memref<128xi32, #tpu.memory_space<vmem>>, vector<16xi32>,
    %get3A_1137 = arith.constant 80 : index
    %get3A_1138 = tpu.vector_load %arg5[%get3A_1137] {strides = array<i32>} : memref<128xi32, #tpu.memory_space<vmem>>, vector<16xi32>,
    %get3A_1139 = vector.shape_cast %get3A_1138 : vector<16xi32> to vector<16xi32>
    %add3A_1140 = vector.broadcast %mul3A_18 : i32 to vector<16xi32>
    %add3A_1141 = arith.addi %get3A_1139, %add3A_1140 : vector<16xi32>
    %swap3A_1142 = arith.constant 80 : index
    %swap3A_1143 = tpu.vector_load %arg5[%swap3A_1142] {strides = array<i32>} : memref<128xi32, #tpu.memory_space<vmem>>, vector<16xi32>,
    %swap3A_1144 = vector.shape_cast %swap3A_1143 : vector<16xi32> to vector<16xi32>
    %swap3A_1145 = vector.shape_cast %add3A_1141 : vector<16xi32> to vector<16xi32>
    tpu.vector_store %arg5[%swap3A_1142], %swap3A_1145 {strides = array<i32>} : memref<128xi32, #tpu.memory_space<vmem>>, vector<16xi32>,
    %get3A_1146 = arith.constant 96 : index
    %get3A_1147 = tpu.vector_load %arg5[%get3A_1146] {strides = array<i32>} : memref<128xi32, #tpu.memory_space<vmem>>, vector<16xi32>,
    %get3A_1148 = vector.shape_cast %get3A_1147 : vector<16xi32> to vector<16xi32>
    %add3A_1149 = vector.broadcast %mul3A_18 : i32 to vector<16xi32>
    %add3A_1150 = arith.addi %get3A_1148, %add3A_1149 : vector<16xi32>
    %swap3A_1151 = arith.constant 96 : index
    %swap3A_1152 = tpu.vector_load %arg5[%swap3A_1151] {strides = array<i32>} : memref<128xi32, #tpu.memory_space<vmem>>, vector<16xi32>,
    %swap3A_1153 = vector.shape_cast %swap3A_1152 : vector<16xi32> to vector<16xi32>
    %swap3A_1154 = vector.shape_cast %add3A_1150 : vector<16xi32> to vector<16xi32>
    tpu.vector_store %arg5[%swap3A_1151], %swap3A_1154 {strides = array<i32>} : memref<128xi32, #tpu.memory_space<vmem>>, vector<16xi32>,
    %get3A_1155 = arith.constant 112 : index
    %get3A_1156 = tpu.vector_load %arg5[%get3A_1155] {strides = array<i32>} : memref<128xi32, #tpu.memory_space<vmem>>, vector<16xi32>,
    %get3A_1157 = vector.shape_cast %get3A_1156 : vector<16xi32> to vector<16xi32>
    %add3A_1158 = vector.broadcast %mul3A_18 : i32 to vector<16xi32>
    %add3A_1159 = arith.addi %get3A_1157, %add3A_1158 : vector<16xi32>
    %swap3A_1160 = arith.constant 112 : index
    %swap3A_1161 = tpu.vector_load %arg5[%swap3A_1160] {strides = array<i32>} : memref<128xi32, #tpu.memory_space<vmem>>, vector<16xi32>,
    %swap3A_1162 = vector.shape_cast %swap3A_1161 : vector<16xi32> to vector<16xi32>
    %swap3A_1163 = vector.shape_cast %add3A_1159 : vector<16xi32> to vector<16xi32>
    tpu.vector_store %arg5[%swap3A_1160], %swap3A_1163 {strides = array<i32>} : memref<128xi32, #tpu.memory_space<vmem>>, vector<16xi32>,
    %dma_start3A_1164 = arith.constant 0 : i32
    %dma_start3A_1165 = arith.constant 0 : i32
    %dma_start3A_1166 = tpu.memref_slice %arg2[%dma_start3A_1164, %dma_start3A_1165] : memref<16384x128xf32, #tpu.memory_space<hbm>> -> memref<16384x128xf32, #tpu.memory_space<hbm>>
    tpu.enqueue_indirect_dma source(%dma_start3A_1166 : memref<16384x128xf32, #tpu.memory_space<hbm>>) target(%arg7 : memref<128x128xf32, #tpu.memory_space<vmem>>) offsets(%arg5 : memref<128xi32, #tpu.memory_space<vmem>>) semaphore(%arg9 : memref<!tpu.dma_semaphore, #tpu.memory_space<semaphore_mem>>)
    %dma_wait3A_1167 = arith.constant 0 : i32
    %dma_wait3A_1168 = arith.constant 0 : i32
    %dma_wait3A_1169 = tpu.memref_slice %arg2[%dma_wait3A_1167, %dma_wait3A_1168] : memref<16384x128xf32, #tpu.memory_space<hbm>> -> memref<16384x128xf32, #tpu.memory_space<hbm>>
    tpu.wait_indirect_dma semaphore(%arg10 : memref<!tpu.dma_semaphore, #tpu.memory_space<semaphore_mem>>) src(%dma_wait3A_1169 : memref<16384x128xf32, #tpu.memory_space<hbm>>) dst(%arg8 : memref<128x128xf32, #tpu.memory_space<vmem>>)
    %mul3A_1170 = arith.constant 128 : i32
    %mul3A_1171 = arith.muli %add3A, %mul3A_1170 : i32
    %add3A_1172 = arith.constant 88 : i32
    %add3A_1173 = arith.addi %mul3A_1171, %add3A_1172 : i32
    %mul3A_1174 = arith.constant 16 : i32
    %mul3A_1175 = arith.muli %add3A_1173, %mul3A_1174 : i32
    "tpu.region"() ({
      %run_scoped3A = tpu.sem_alloc : memref<!tpu.dma_semaphore, #tpu.memory_space<semaphore_mem>>
      %dma_start3A_1455 = arith.constant 0 : i32
      %dma_start3A_1456 = tpu.memref_slice %arg4[%mul3A_1175, %dma_start3A_1455] : memref<65536x128xf32, #tpu.memory_space<hbm>> -> memref<128x128xf32, #tpu.memory_space<hbm>>
      %dma_start3A_1457 = arith.constant 0 : i32
      %dma_start3A_1458 = tpu.memref_slice %arg4[%mul3A_1175, %dma_start3A_1457] : memref<65536x128xf32, #tpu.memory_space<hbm>> -> memref<128x128xf32, #tpu.memory_space<hbm>>
      tpu.enqueue_dma source(%arg8 : memref<128x128xf32, #tpu.memory_space<vmem>>) target(%dma_start3A_1458 : memref<128x128xf32, #tpu.memory_space<hbm>>) target_semaphore(%run_scoped3A : memref<!tpu.dma_semaphore, #tpu.memory_space<semaphore_mem>>)
      %dma_wait3A_1459 = arith.constant 0 : i32
      %dma_wait3A_1460 = tpu.memref_slice %arg4[%mul3A_1175, %dma_wait3A_1459] : memref<65536x128xf32, #tpu.memory_space<hbm>> -> memref<128x128xf32, #tpu.memory_space<hbm>>
      %dma_wait3A_1461 = arith.constant 0 : i32
      %dma_wait3A_1462 = tpu.memref_slice %arg4[%mul3A_1175, %dma_wait3A_1461] : memref<65536x128xf32, #tpu.memory_space<hbm>> -> memref<128x128xf32, #tpu.memory_space<hbm>>
      tpu.wait_dma2 semaphore(%run_scoped3A : memref<!tpu.dma_semaphore, #tpu.memory_space<semaphore_mem>>) src(%arg8 : memref<128x128xf32, #tpu.memory_space<vmem>>) dst(%dma_wait3A_1462 : memref<128x128xf32, #tpu.memory_space<hbm>>)
      tpu.yield
    }) : () -> ()
    %mul3A_1176 = arith.constant 128 : i32
    %mul3A_1177 = arith.muli %add3A, %mul3A_1176 : i32
    %add3A_1178 = arith.constant 104 : i32
    %add3A_1179 = arith.addi %mul3A_1177, %add3A_1178 : i32
    %mul3A_1180 = arith.constant 16 : i32
    %mul3A_1181 = arith.muli %add3A_1179, %mul3A_1180 : i32
    "tpu.region"() ({
      %run_scoped3A = tpu.sem_alloc : memref<!tpu.dma_semaphore, #tpu.memory_space<semaphore_mem>>
      %dma_start3A_1455 = tpu.memref_slice %arg3[%mul3A_1181] : memref<65536xi32, #tpu.memory_space<hbm>> -> memref<128xi32, #tpu.memory_space<hbm>>
      %dma_start3A_1456 = tpu.memref_slice %arg3[%mul3A_1181] : memref<65536xi32, #tpu.memory_space<hbm>> -> memref<128xi32, #tpu.memory_space<hbm>>
      tpu.enqueue_dma source(%dma_start3A_1456 : memref<128xi32, #tpu.memory_space<hbm>>) target(%arg6 : memref<128xi32, #tpu.memory_space<vmem>>) target_semaphore(%run_scoped3A : memref<!tpu.dma_semaphore, #tpu.memory_space<semaphore_mem>>)
      %dma_wait3A_1457 = tpu.memref_slice %arg3[%mul3A_1181] : memref<65536xi32, #tpu.memory_space<hbm>> -> memref<128xi32, #tpu.memory_space<hbm>>
      %dma_wait3A_1458 = tpu.memref_slice %arg3[%mul3A_1181] : memref<65536xi32, #tpu.memory_space<hbm>> -> memref<128xi32, #tpu.memory_space<hbm>>
      tpu.wait_dma2 semaphore(%run_scoped3A : memref<!tpu.dma_semaphore, #tpu.memory_space<semaphore_mem>>) src(%dma_wait3A_1458 : memref<128xi32, #tpu.memory_space<hbm>>) dst(%arg6 : memref<128xi32, #tpu.memory_space<vmem>>)
      tpu.yield
    }) : () -> ()
    %get3A_1182 = arith.constant 0 : index
    %get3A_1183 = tpu.vector_load %arg6[%get3A_1182] {strides = array<i32>} : memref<128xi32, #tpu.memory_space<vmem>>, vector<16xi32>,
    %get3A_1184 = vector.shape_cast %get3A_1183 : vector<16xi32> to vector<16xi32>
    %add3A_1185 = vector.broadcast %mul3A_18 : i32 to vector<16xi32>
    %add3A_1186 = arith.addi %get3A_1184, %add3A_1185 : vector<16xi32>
    %swap3A_1187 = arith.constant 0 : index
    %swap3A_1188 = tpu.vector_load %arg6[%swap3A_1187] {strides = array<i32>} : memref<128xi32, #tpu.memory_space<vmem>>, vector<16xi32>,
    %swap3A_1189 = vector.shape_cast %swap3A_1188 : vector<16xi32> to vector<16xi32>
    %swap3A_1190 = vector.shape_cast %add3A_1186 : vector<16xi32> to vector<16xi32>
    tpu.vector_store %arg6[%swap3A_1187], %swap3A_1190 {strides = array<i32>} : memref<128xi32, #tpu.memory_space<vmem>>, vector<16xi32>,
    %get3A_1191 = arith.constant 16 : index
    %get3A_1192 = tpu.vector_load %arg6[%get3A_1191] {strides = array<i32>} : memref<128xi32, #tpu.memory_space<vmem>>, vector<16xi32>,
    %get3A_1193 = vector.shape_cast %get3A_1192 : vector<16xi32> to vector<16xi32>
    %add3A_1194 = vector.broadcast %mul3A_18 : i32 to vector<16xi32>
    %add3A_1195 = arith.addi %get3A_1193, %add3A_1194 : vector<16xi32>
    %swap3A_1196 = arith.constant 16 : index
    %swap3A_1197 = tpu.vector_load %arg6[%swap3A_1196] {strides = array<i32>} : memref<128xi32, #tpu.memory_space<vmem>>, vector<16xi32>,
    %swap3A_1198 = vector.shape_cast %swap3A_1197 : vector<16xi32> to vector<16xi32>
    %swap3A_1199 = vector.shape_cast %add3A_1195 : vector<16xi32> to vector<16xi32>
    tpu.vector_store %arg6[%swap3A_1196], %swap3A_1199 {strides = array<i32>} : memref<128xi32, #tpu.memory_space<vmem>>, vector<16xi32>,
    %get3A_1200 = arith.constant 32 : index
    %get3A_1201 = tpu.vector_load %arg6[%get3A_1200] {strides = array<i32>} : memref<128xi32, #tpu.memory_space<vmem>>, vector<16xi32>,
    %get3A_1202 = vector.shape_cast %get3A_1201 : vector<16xi32> to vector<16xi32>
    %add3A_1203 = vector.broadcast %mul3A_18 : i32 to vector<16xi32>
    %add3A_1204 = arith.addi %get3A_1202, %add3A_1203 : vector<16xi32>
    %swap3A_1205 = arith.constant 32 : index
    %swap3A_1206 = tpu.vector_load %arg6[%swap3A_1205] {strides = array<i32>} : memref<128xi32, #tpu.memory_space<vmem>>, vector<16xi32>,
    %swap3A_1207 = vector.shape_cast %swap3A_1206 : vector<16xi32> to vector<16xi32>
    %swap3A_1208 = vector.shape_cast %add3A_1204 : vector<16xi32> to vector<16xi32>
    tpu.vector_store %arg6[%swap3A_1205], %swap3A_1208 {strides = array<i32>} : memref<128xi32, #tpu.memory_space<vmem>>, vector<16xi32>,
    %get3A_1209 = arith.constant 48 : index
    %get3A_1210 = tpu.vector_load %arg6[%get3A_1209] {strides = array<i32>} : memref<128xi32, #tpu.memory_space<vmem>>, vector<16xi32>,
    %get3A_1211 = vector.shape_cast %get3A_1210 : vector<16xi32> to vector<16xi32>
    %add3A_1212 = vector.broadcast %mul3A_18 : i32 to vector<16xi32>
    %add3A_1213 = arith.addi %get3A_1211, %add3A_1212 : vector<16xi32>
    %swap3A_1214 = arith.constant 48 : index
    %swap3A_1215 = tpu.vector_load %arg6[%swap3A_1214] {strides = array<i32>} : memref<128xi32, #tpu.memory_space<vmem>>, vector<16xi32>,
    %swap3A_1216 = vector.shape_cast %swap3A_1215 : vector<16xi32> to vector<16xi32>
    %swap3A_1217 = vector.shape_cast %add3A_1213 : vector<16xi32> to vector<16xi32>
    tpu.vector_store %arg6[%swap3A_1214], %swap3A_1217 {strides = array<i32>} : memref<128xi32, #tpu.memory_space<vmem>>, vector<16xi32>,
    %get3A_1218 = arith.constant 64 : index
    %get3A_1219 = tpu.vector_load %arg6[%get3A_1218] {strides = array<i32>} : memref<128xi32, #tpu.memory_space<vmem>>, vector<16xi32>,
    %get3A_1220 = vector.shape_cast %get3A_1219 : vector<16xi32> to vector<16xi32>
    %add3A_1221 = vector.broadcast %mul3A_18 : i32 to vector<16xi32>
    %add3A_1222 = arith.addi %get3A_1220, %add3A_1221 : vector<16xi32>
    %swap3A_1223 = arith.constant 64 : index
    %swap3A_1224 = tpu.vector_load %arg6[%swap3A_1223] {strides = array<i32>} : memref<128xi32, #tpu.memory_space<vmem>>, vector<16xi32>,
    %swap3A_1225 = vector.shape_cast %swap3A_1224 : vector<16xi32> to vector<16xi32>
    %swap3A_1226 = vector.shape_cast %add3A_1222 : vector<16xi32> to vector<16xi32>
    tpu.vector_store %arg6[%swap3A_1223], %swap3A_1226 {strides = array<i32>} : memref<128xi32, #tpu.memory_space<vmem>>, vector<16xi32>,
    %get3A_1227 = arith.constant 80 : index
    %get3A_1228 = tpu.vector_load %arg6[%get3A_1227] {strides = array<i32>} : memref<128xi32, #tpu.memory_space<vmem>>, vector<16xi32>,
    %get3A_1229 = vector.shape_cast %get3A_1228 : vector<16xi32> to vector<16xi32>
    %add3A_1230 = vector.broadcast %mul3A_18 : i32 to vector<16xi32>
    %add3A_1231 = arith.addi %get3A_1229, %add3A_1230 : vector<16xi32>
    %swap3A_1232 = arith.constant 80 : index
    %swap3A_1233 = tpu.vector_load %arg6[%swap3A_1232] {strides = array<i32>} : memref<128xi32, #tpu.memory_space<vmem>>, vector<16xi32>,
    %swap3A_1234 = vector.shape_cast %swap3A_1233 : vector<16xi32> to vector<16xi32>
    %swap3A_1235 = vector.shape_cast %add3A_1231 : vector<16xi32> to vector<16xi32>
    tpu.vector_store %arg6[%swap3A_1232], %swap3A_1235 {strides = array<i32>} : memref<128xi32, #tpu.memory_space<vmem>>, vector<16xi32>,
    %get3A_1236 = arith.constant 96 : index
    %get3A_1237 = tpu.vector_load %arg6[%get3A_1236] {strides = array<i32>} : memref<128xi32, #tpu.memory_space<vmem>>, vector<16xi32>,
    %get3A_1238 = vector.shape_cast %get3A_1237 : vector<16xi32> to vector<16xi32>
    %add3A_1239 = vector.broadcast %mul3A_18 : i32 to vector<16xi32>
    %add3A_1240 = arith.addi %get3A_1238, %add3A_1239 : vector<16xi32>
    %swap3A_1241 = arith.constant 96 : index
    %swap3A_1242 = tpu.vector_load %arg6[%swap3A_1241] {strides = array<i32>} : memref<128xi32, #tpu.memory_space<vmem>>, vector<16xi32>,
    %swap3A_1243 = vector.shape_cast %swap3A_1242 : vector<16xi32> to vector<16xi32>
    %swap3A_1244 = vector.shape_cast %add3A_1240 : vector<16xi32> to vector<16xi32>
    tpu.vector_store %arg6[%swap3A_1241], %swap3A_1244 {strides = array<i32>} : memref<128xi32, #tpu.memory_space<vmem>>, vector<16xi32>,
    %get3A_1245 = arith.constant 112 : index
    %get3A_1246 = tpu.vector_load %arg6[%get3A_1245] {strides = array<i32>} : memref<128xi32, #tpu.memory_space<vmem>>, vector<16xi32>,
    %get3A_1247 = vector.shape_cast %get3A_1246 : vector<16xi32> to vector<16xi32>
    %add3A_1248 = vector.broadcast %mul3A_18 : i32 to vector<16xi32>
    %add3A_1249 = arith.addi %get3A_1247, %add3A_1248 : vector<16xi32>
    %swap3A_1250 = arith.constant 112 : index
    %swap3A_1251 = tpu.vector_load %arg6[%swap3A_1250] {strides = array<i32>} : memref<128xi32, #tpu.memory_space<vmem>>, vector<16xi32>,
    %swap3A_1252 = vector.shape_cast %swap3A_1251 : vector<16xi32> to vector<16xi32>
    %swap3A_1253 = vector.shape_cast %add3A_1249 : vector<16xi32> to vector<16xi32>
    tpu.vector_store %arg6[%swap3A_1250], %swap3A_1253 {strides = array<i32>} : memref<128xi32, #tpu.memory_space<vmem>>, vector<16xi32>,
    %dma_start3A_1254 = arith.constant 0 : i32
    %dma_start3A_1255 = arith.constant 0 : i32
    %dma_start3A_1256 = tpu.memref_slice %arg2[%dma_start3A_1254, %dma_start3A_1255] : memref<16384x128xf32, #tpu.memory_space<hbm>> -> memref<16384x128xf32, #tpu.memory_space<hbm>>
    tpu.enqueue_indirect_dma source(%dma_start3A_1256 : memref<16384x128xf32, #tpu.memory_space<hbm>>) target(%arg8 : memref<128x128xf32, #tpu.memory_space<vmem>>) offsets(%arg6 : memref<128xi32, #tpu.memory_space<vmem>>) semaphore(%arg10 : memref<!tpu.dma_semaphore, #tpu.memory_space<semaphore_mem>>)
    %dma_wait3A_1257 = arith.constant 0 : i32
    %dma_wait3A_1258 = arith.constant 0 : i32
    %dma_wait3A_1259 = tpu.memref_slice %arg2[%dma_wait3A_1257, %dma_wait3A_1258] : memref<16384x128xf32, #tpu.memory_space<hbm>> -> memref<16384x128xf32, #tpu.memory_space<hbm>>
    tpu.wait_indirect_dma semaphore(%arg9 : memref<!tpu.dma_semaphore, #tpu.memory_space<semaphore_mem>>) src(%dma_wait3A_1259 : memref<16384x128xf32, #tpu.memory_space<hbm>>) dst(%arg7 : memref<128x128xf32, #tpu.memory_space<vmem>>)
    %mul3A_1260 = arith.constant 128 : i32
    %mul3A_1261 = arith.muli %add3A, %mul3A_1260 : i32
    %add3A_1262 = arith.constant 96 : i32
    %add3A_1263 = arith.addi %mul3A_1261, %add3A_1262 : i32
    %mul3A_1264 = arith.constant 16 : i32
    %mul3A_1265 = arith.muli %add3A_1263, %mul3A_1264 : i32
    "tpu.region"() ({
      %run_scoped3A = tpu.sem_alloc : memref<!tpu.dma_semaphore, #tpu.memory_space<semaphore_mem>>
      %dma_start3A_1455 = arith.constant 0 : i32
      %dma_start3A_1456 = tpu.memref_slice %arg4[%mul3A_1265, %dma_start3A_1455] : memref<65536x128xf32, #tpu.memory_space<hbm>> -> memref<128x128xf32, #tpu.memory_space<hbm>>
      %dma_start3A_1457 = arith.constant 0 : i32
      %dma_start3A_1458 = tpu.memref_slice %arg4[%mul3A_1265, %dma_start3A_1457] : memref<65536x128xf32, #tpu.memory_space<hbm>> -> memref<128x128xf32, #tpu.memory_space<hbm>>
      tpu.enqueue_dma source(%arg7 : memref<128x128xf32, #tpu.memory_space<vmem>>) target(%dma_start3A_1458 : memref<128x128xf32, #tpu.memory_space<hbm>>) target_semaphore(%run_scoped3A : memref<!tpu.dma_semaphore, #tpu.memory_space<semaphore_mem>>)
      %dma_wait3A_1459 = arith.constant 0 : i32
      %dma_wait3A_1460 = tpu.memref_slice %arg4[%mul3A_1265, %dma_wait3A_1459] : memref<65536x128xf32, #tpu.memory_space<hbm>> -> memref<128x128xf32, #tpu.memory_space<hbm>>
      %dma_wait3A_1461 = arith.constant 0 : i32
      %dma_wait3A_1462 = tpu.memref_slice %arg4[%mul3A_1265, %dma_wait3A_1461] : memref<65536x128xf32, #tpu.memory_space<hbm>> -> memref<128x128xf32, #tpu.memory_space<hbm>>
      tpu.wait_dma2 semaphore(%run_scoped3A : memref<!tpu.dma_semaphore, #tpu.memory_space<semaphore_mem>>) src(%arg7 : memref<128x128xf32, #tpu.memory_space<vmem>>) dst(%dma_wait3A_1462 : memref<128x128xf32, #tpu.memory_space<hbm>>)
      tpu.yield
    }) : () -> ()
    %mul3A_1266 = arith.constant 128 : i32
    %mul3A_1267 = arith.muli %add3A, %mul3A_1266 : i32
    %add3A_1268 = arith.constant 112 : i32
    %add3A_1269 = arith.addi %mul3A_1267, %add3A_1268 : i32
    %mul3A_1270 = arith.constant 16 : i32
    %mul3A_1271 = arith.muli %add3A_1269, %mul3A_1270 : i32
    "tpu.region"() ({
      %run_scoped3A = tpu.sem_alloc : memref<!tpu.dma_semaphore, #tpu.memory_space<semaphore_mem>>
      %dma_start3A_1455 = tpu.memref_slice %arg3[%mul3A_1271] : memref<65536xi32, #tpu.memory_space<hbm>> -> memref<128xi32, #tpu.memory_space<hbm>>
      %dma_start3A_1456 = tpu.memref_slice %arg3[%mul3A_1271] : memref<65536xi32, #tpu.memory_space<hbm>> -> memref<128xi32, #tpu.memory_space<hbm>>
      tpu.enqueue_dma source(%dma_start3A_1456 : memref<128xi32, #tpu.memory_space<hbm>>) target(%arg5 : memref<128xi32, #tpu.memory_space<vmem>>) target_semaphore(%run_scoped3A : memref<!tpu.dma_semaphore, #tpu.memory_space<semaphore_mem>>)
      %dma_wait3A_1457 = tpu.memref_slice %arg3[%mul3A_1271] : memref<65536xi32, #tpu.memory_space<hbm>> -> memref<128xi32, #tpu.memory_space<hbm>>
      %dma_wait3A_1458 = tpu.memref_slice %arg3[%mul3A_1271] : memref<65536xi32, #tpu.memory_space<hbm>> -> memref<128xi32, #tpu.memory_space<hbm>>
      tpu.wait_dma2 semaphore(%run_scoped3A : memref<!tpu.dma_semaphore, #tpu.memory_space<semaphore_mem>>) src(%dma_wait3A_1458 : memref<128xi32, #tpu.memory_space<hbm>>) dst(%arg5 : memref<128xi32, #tpu.memory_space<vmem>>)
      tpu.yield
    }) : () -> ()
    %get3A_1272 = arith.constant 0 : index
    %get3A_1273 = tpu.vector_load %arg5[%get3A_1272] {strides = array<i32>} : memref<128xi32, #tpu.memory_space<vmem>>, vector<16xi32>,
    %get3A_1274 = vector.shape_cast %get3A_1273 : vector<16xi32> to vector<16xi32>
    %add3A_1275 = vector.broadcast %mul3A_18 : i32 to vector<16xi32>
    %add3A_1276 = arith.addi %get3A_1274, %add3A_1275 : vector<16xi32>
    %swap3A_1277 = arith.constant 0 : index
    %swap3A_1278 = tpu.vector_load %arg5[%swap3A_1277] {strides = array<i32>} : memref<128xi32, #tpu.memory_space<vmem>>, vector<16xi32>,
    %swap3A_1279 = vector.shape_cast %swap3A_1278 : vector<16xi32> to vector<16xi32>
    %swap3A_1280 = vector.shape_cast %add3A_1276 : vector<16xi32> to vector<16xi32>
    tpu.vector_store %arg5[%swap3A_1277], %swap3A_1280 {strides = array<i32>} : memref<128xi32, #tpu.memory_space<vmem>>, vector<16xi32>,
    %get3A_1281 = arith.constant 16 : index
    %get3A_1282 = tpu.vector_load %arg5[%get3A_1281] {strides = array<i32>} : memref<128xi32, #tpu.memory_space<vmem>>, vector<16xi32>,
    %get3A_1283 = vector.shape_cast %get3A_1282 : vector<16xi32> to vector<16xi32>
    %add3A_1284 = vector.broadcast %mul3A_18 : i32 to vector<16xi32>
    %add3A_1285 = arith.addi %get3A_1283, %add3A_1284 : vector<16xi32>
    %swap3A_1286 = arith.constant 16 : index
    %swap3A_1287 = tpu.vector_load %arg5[%swap3A_1286] {strides = array<i32>} : memref<128xi32, #tpu.memory_space<vmem>>, vector<16xi32>,
    %swap3A_1288 = vector.shape_cast %swap3A_1287 : vector<16xi32> to vector<16xi32>
    %swap3A_1289 = vector.shape_cast %add3A_1285 : vector<16xi32> to vector<16xi32>
    tpu.vector_store %arg5[%swap3A_1286], %swap3A_1289 {strides = array<i32>} : memref<128xi32, #tpu.memory_space<vmem>>, vector<16xi32>,
    %get3A_1290 = arith.constant 32 : index
    %get3A_1291 = tpu.vector_load %arg5[%get3A_1290] {strides = array<i32>} : memref<128xi32, #tpu.memory_space<vmem>>, vector<16xi32>,
    %get3A_1292 = vector.shape_cast %get3A_1291 : vector<16xi32> to vector<16xi32>
    %add3A_1293 = vector.broadcast %mul3A_18 : i32 to vector<16xi32>
    %add3A_1294 = arith.addi %get3A_1292, %add3A_1293 : vector<16xi32>
    %swap3A_1295 = arith.constant 32 : index
    %swap3A_1296 = tpu.vector_load %arg5[%swap3A_1295] {strides = array<i32>} : memref<128xi32, #tpu.memory_space<vmem>>, vector<16xi32>,
    %swap3A_1297 = vector.shape_cast %swap3A_1296 : vector<16xi32> to vector<16xi32>
    %swap3A_1298 = vector.shape_cast %add3A_1294 : vector<16xi32> to vector<16xi32>
    tpu.vector_store %arg5[%swap3A_1295], %swap3A_1298 {strides = array<i32>} : memref<128xi32, #tpu.memory_space<vmem>>, vector<16xi32>,
    %get3A_1299 = arith.constant 48 : index
    %get3A_1300 = tpu.vector_load %arg5[%get3A_1299] {strides = array<i32>} : memref<128xi32, #tpu.memory_space<vmem>>, vector<16xi32>,
    %get3A_1301 = vector.shape_cast %get3A_1300 : vector<16xi32> to vector<16xi32>
    %add3A_1302 = vector.broadcast %mul3A_18 : i32 to vector<16xi32>
    %add3A_1303 = arith.addi %get3A_1301, %add3A_1302 : vector<16xi32>
    %swap3A_1304 = arith.constant 48 : index
    %swap3A_1305 = tpu.vector_load %arg5[%swap3A_1304] {strides = array<i32>} : memref<128xi32, #tpu.memory_space<vmem>>, vector<16xi32>,
    %swap3A_1306 = vector.shape_cast %swap3A_1305 : vector<16xi32> to vector<16xi32>
    %swap3A_1307 = vector.shape_cast %add3A_1303 : vector<16xi32> to vector<16xi32>
    tpu.vector_store %arg5[%swap3A_1304], %swap3A_1307 {strides = array<i32>} : memref<128xi32, #tpu.memory_space<vmem>>, vector<16xi32>,
    %get3A_1308 = arith.constant 64 : index
    %get3A_1309 = tpu.vector_load %arg5[%get3A_1308] {strides = array<i32>} : memref<128xi32, #tpu.memory_space<vmem>>, vector<16xi32>,
    %get3A_1310 = vector.shape_cast %get3A_1309 : vector<16xi32> to vector<16xi32>
    %add3A_1311 = vector.broadcast %mul3A_18 : i32 to vector<16xi32>
    %add3A_1312 = arith.addi %get3A_1310, %add3A_1311 : vector<16xi32>
    %swap3A_1313 = arith.constant 64 : index
    %swap3A_1314 = tpu.vector_load %arg5[%swap3A_1313] {strides = array<i32>} : memref<128xi32, #tpu.memory_space<vmem>>, vector<16xi32>,
    %swap3A_1315 = vector.shape_cast %swap3A_1314 : vector<16xi32> to vector<16xi32>
    %swap3A_1316 = vector.shape_cast %add3A_1312 : vector<16xi32> to vector<16xi32>
    tpu.vector_store %arg5[%swap3A_1313], %swap3A_1316 {strides = array<i32>} : memref<128xi32, #tpu.memory_space<vmem>>, vector<16xi32>,
    %get3A_1317 = arith.constant 80 : index
    %get3A_1318 = tpu.vector_load %arg5[%get3A_1317] {strides = array<i32>} : memref<128xi32, #tpu.memory_space<vmem>>, vector<16xi32>,
    %get3A_1319 = vector.shape_cast %get3A_1318 : vector<16xi32> to vector<16xi32>
    %add3A_1320 = vector.broadcast %mul3A_18 : i32 to vector<16xi32>
    %add3A_1321 = arith.addi %get3A_1319, %add3A_1320 : vector<16xi32>
    %swap3A_1322 = arith.constant 80 : index
    %swap3A_1323 = tpu.vector_load %arg5[%swap3A_1322] {strides = array<i32>} : memref<128xi32, #tpu.memory_space<vmem>>, vector<16xi32>,
    %swap3A_1324 = vector.shape_cast %swap3A_1323 : vector<16xi32> to vector<16xi32>
    %swap3A_1325 = vector.shape_cast %add3A_1321 : vector<16xi32> to vector<16xi32>
    tpu.vector_store %arg5[%swap3A_1322], %swap3A_1325 {strides = array<i32>} : memref<128xi32, #tpu.memory_space<vmem>>, vector<16xi32>,
    %get3A_1326 = arith.constant 96 : index
    %get3A_1327 = tpu.vector_load %arg5[%get3A_1326] {strides = array<i32>} : memref<128xi32, #tpu.memory_space<vmem>>, vector<16xi32>,
    %get3A_1328 = vector.shape_cast %get3A_1327 : vector<16xi32> to vector<16xi32>
    %add3A_1329 = vector.broadcast %mul3A_18 : i32 to vector<16xi32>
    %add3A_1330 = arith.addi %get3A_1328, %add3A_1329 : vector<16xi32>
    %swap3A_1331 = arith.constant 96 : index
    %swap3A_1332 = tpu.vector_load %arg5[%swap3A_1331] {strides = array<i32>} : memref<128xi32, #tpu.memory_space<vmem>>, vector<16xi32>,
    %swap3A_1333 = vector.shape_cast %swap3A_1332 : vector<16xi32> to vector<16xi32>
    %swap3A_1334 = vector.shape_cast %add3A_1330 : vector<16xi32> to vector<16xi32>
    tpu.vector_store %arg5[%swap3A_1331], %swap3A_1334 {strides = array<i32>} : memref<128xi32, #tpu.memory_space<vmem>>, vector<16xi32>,
    %get3A_1335 = arith.constant 112 : index
    %get3A_1336 = tpu.vector_load %arg5[%get3A_1335] {strides = array<i32>} : memref<128xi32, #tpu.memory_space<vmem>>, vector<16xi32>,
    %get3A_1337 = vector.shape_cast %get3A_1336 : vector<16xi32> to vector<16xi32>
    %add3A_1338 = vector.broadcast %mul3A_18 : i32 to vector<16xi32>
    %add3A_1339 = arith.addi %get3A_1337, %add3A_1338 : vector<16xi32>
    %swap3A_1340 = arith.constant 112 : index
    %swap3A_1341 = tpu.vector_load %arg5[%swap3A_1340] {strides = array<i32>} : memref<128xi32, #tpu.memory_space<vmem>>, vector<16xi32>,
    %swap3A_1342 = vector.shape_cast %swap3A_1341 : vector<16xi32> to vector<16xi32>
    %swap3A_1343 = vector.shape_cast %add3A_1339 : vector<16xi32> to vector<16xi32>
    tpu.vector_store %arg5[%swap3A_1340], %swap3A_1343 {strides = array<i32>} : memref<128xi32, #tpu.memory_space<vmem>>, vector<16xi32>,
    %dma_start3A_1344 = arith.constant 0 : i32
    %dma_start3A_1345 = arith.constant 0 : i32
    %dma_start3A_1346 = tpu.memref_slice %arg2[%dma_start3A_1344, %dma_start3A_1345] : memref<16384x128xf32, #tpu.memory_space<hbm>> -> memref<16384x128xf32, #tpu.memory_space<hbm>>
    tpu.enqueue_indirect_dma source(%dma_start3A_1346 : memref<16384x128xf32, #tpu.memory_space<hbm>>) target(%arg7 : memref<128x128xf32, #tpu.memory_space<vmem>>) offsets(%arg5 : memref<128xi32, #tpu.memory_space<vmem>>) semaphore(%arg9 : memref<!tpu.dma_semaphore, #tpu.memory_space<semaphore_mem>>)
    %dma_wait3A_1347 = arith.constant 0 : i32
    %dma_wait3A_1348 = arith.constant 0 : i32
    %dma_wait3A_1349 = tpu.memref_slice %arg2[%dma_wait3A_1347, %dma_wait3A_1348] : memref<16384x128xf32, #tpu.memory_space<hbm>> -> memref<16384x128xf32, #tpu.memory_space<hbm>>
    tpu.wait_indirect_dma semaphore(%arg10 : memref<!tpu.dma_semaphore, #tpu.memory_space<semaphore_mem>>) src(%dma_wait3A_1349 : memref<16384x128xf32, #tpu.memory_space<hbm>>) dst(%arg8 : memref<128x128xf32, #tpu.memory_space<vmem>>)
    %mul3A_1350 = arith.constant 128 : i32
    %mul3A_1351 = arith.muli %add3A, %mul3A_1350 : i32
    %add3A_1352 = arith.constant 104 : i32
    %add3A_1353 = arith.addi %mul3A_1351, %add3A_1352 : i32
    %mul3A_1354 = arith.constant 16 : i32
    %mul3A_1355 = arith.muli %add3A_1353, %mul3A_1354 : i32
    "tpu.region"() ({
      %run_scoped3A = tpu.sem_alloc : memref<!tpu.dma_semaphore, #tpu.memory_space<semaphore_mem>>
      %dma_start3A_1455 = arith.constant 0 : i32
      %dma_start3A_1456 = tpu.memref_slice %arg4[%mul3A_1355, %dma_start3A_1455] : memref<65536x128xf32, #tpu.memory_space<hbm>> -> memref<128x128xf32, #tpu.memory_space<hbm>>
      %dma_start3A_1457 = arith.constant 0 : i32
      %dma_start3A_1458 = tpu.memref_slice %arg4[%mul3A_1355, %dma_start3A_1457] : memref<65536x128xf32, #tpu.memory_space<hbm>> -> memref<128x128xf32, #tpu.memory_space<hbm>>
      tpu.enqueue_dma source(%arg8 : memref<128x128xf32, #tpu.memory_space<vmem>>) target(%dma_start3A_1458 : memref<128x128xf32, #tpu.memory_space<hbm>>) target_semaphore(%run_scoped3A : memref<!tpu.dma_semaphore, #tpu.memory_space<semaphore_mem>>)
      %dma_wait3A_1459 = arith.constant 0 : i32
      %dma_wait3A_1460 = tpu.memref_slice %arg4[%mul3A_1355, %dma_wait3A_1459] : memref<65536x128xf32, #tpu.memory_space<hbm>> -> memref<128x128xf32, #tpu.memory_space<hbm>>
      %dma_wait3A_1461 = arith.constant 0 : i32
      %dma_wait3A_1462 = tpu.memref_slice %arg4[%mul3A_1355, %dma_wait3A_1461] : memref<65536x128xf32, #tpu.memory_space<hbm>> -> memref<128x128xf32, #tpu.memory_space<hbm>>
      tpu.wait_dma2 semaphore(%run_scoped3A : memref<!tpu.dma_semaphore, #tpu.memory_space<semaphore_mem>>) src(%arg8 : memref<128x128xf32, #tpu.memory_space<vmem>>) dst(%dma_wait3A_1462 : memref<128x128xf32, #tpu.memory_space<hbm>>)
      tpu.yield
    }) : () -> ()
    %mul3A_1356 = arith.constant 128 : i32
    %mul3A_1357 = arith.muli %add3A, %mul3A_1356 : i32
    %add3A_1358 = arith.constant 120 : i32
    %add3A_1359 = arith.addi %mul3A_1357, %add3A_1358 : i32
    %mul3A_1360 = arith.constant 16 : i32
    %mul3A_1361 = arith.muli %add3A_1359, %mul3A_1360 : i32
    "tpu.region"() ({
      %run_scoped3A = tpu.sem_alloc : memref<!tpu.dma_semaphore, #tpu.memory_space<semaphore_mem>>
      %dma_start3A_1455 = tpu.memref_slice %arg3[%mul3A_1361] : memref<65536xi32, #tpu.memory_space<hbm>> -> memref<128xi32, #tpu.memory_space<hbm>>
      %dma_start3A_1456 = tpu.memref_slice %arg3[%mul3A_1361] : memref<65536xi32, #tpu.memory_space<hbm>> -> memref<128xi32, #tpu.memory_space<hbm>>
      tpu.enqueue_dma source(%dma_start3A_1456 : memref<128xi32, #tpu.memory_space<hbm>>) target(%arg6 : memref<128xi32, #tpu.memory_space<vmem>>) target_semaphore(%run_scoped3A : memref<!tpu.dma_semaphore, #tpu.memory_space<semaphore_mem>>)
      %dma_wait3A_1457 = tpu.memref_slice %arg3[%mul3A_1361] : memref<65536xi32, #tpu.memory_space<hbm>> -> memref<128xi32, #tpu.memory_space<hbm>>
      %dma_wait3A_1458 = tpu.memref_slice %arg3[%mul3A_1361] : memref<65536xi32, #tpu.memory_space<hbm>> -> memref<128xi32, #tpu.memory_space<hbm>>
      tpu.wait_dma2 semaphore(%run_scoped3A : memref<!tpu.dma_semaphore, #tpu.memory_space<semaphore_mem>>) src(%dma_wait3A_1458 : memref<128xi32, #tpu.memory_space<hbm>>) dst(%arg6 : memref<128xi32, #tpu.memory_space<vmem>>)
      tpu.yield
    }) : () -> ()
    %get3A_1362 = arith.constant 0 : index
    %get3A_1363 = tpu.vector_load %arg6[%get3A_1362] {strides = array<i32>} : memref<128xi32, #tpu.memory_space<vmem>>, vector<16xi32>,
    %get3A_1364 = vector.shape_cast %get3A_1363 : vector<16xi32> to vector<16xi32>
    %add3A_1365 = vector.broadcast %mul3A_18 : i32 to vector<16xi32>
    %add3A_1366 = arith.addi %get3A_1364, %add3A_1365 : vector<16xi32>
    %swap3A_1367 = arith.constant 0 : index
    %swap3A_1368 = tpu.vector_load %arg6[%swap3A_1367] {strides = array<i32>} : memref<128xi32, #tpu.memory_space<vmem>>, vector<16xi32>,
    %swap3A_1369 = vector.shape_cast %swap3A_1368 : vector<16xi32> to vector<16xi32>
    %swap3A_1370 = vector.shape_cast %add3A_1366 : vector<16xi32> to vector<16xi32>
    tpu.vector_store %arg6[%swap3A_1367], %swap3A_1370 {strides = array<i32>} : memref<128xi32, #tpu.memory_space<vmem>>, vector<16xi32>,
    %get3A_1371 = arith.constant 16 : index
    %get3A_1372 = tpu.vector_load %arg6[%get3A_1371] {strides = array<i32>} : memref<128xi32, #tpu.memory_space<vmem>>, vector<16xi32>,
    %get3A_1373 = vector.shape_cast %get3A_1372 : vector<16xi32> to vector<16xi32>
    %add3A_1374 = vector.broadcast %mul3A_18 : i32 to vector<16xi32>
    %add3A_1375 = arith.addi %get3A_1373, %add3A_1374 : vector<16xi32>
    %swap3A_1376 = arith.constant 16 : index
    %swap3A_1377 = tpu.vector_load %arg6[%swap3A_1376] {strides = array<i32>} : memref<128xi32, #tpu.memory_space<vmem>>, vector<16xi32>,
    %swap3A_1378 = vector.shape_cast %swap3A_1377 : vector<16xi32> to vector<16xi32>
    %swap3A_1379 = vector.shape_cast %add3A_1375 : vector<16xi32> to vector<16xi32>
    tpu.vector_store %arg6[%swap3A_1376], %swap3A_1379 {strides = array<i32>} : memref<128xi32, #tpu.memory_space<vmem>>, vector<16xi32>,
    %get3A_1380 = arith.constant 32 : index
    %get3A_1381 = tpu.vector_load %arg6[%get3A_1380] {strides = array<i32>} : memref<128xi32, #tpu.memory_space<vmem>>, vector<16xi32>,
    %get3A_1382 = vector.shape_cast %get3A_1381 : vector<16xi32> to vector<16xi32>
    %add3A_1383 = vector.broadcast %mul3A_18 : i32 to vector<16xi32>
    %add3A_1384 = arith.addi %get3A_1382, %add3A_1383 : vector<16xi32>
    %swap3A_1385 = arith.constant 32 : index
    %swap3A_1386 = tpu.vector_load %arg6[%swap3A_1385] {strides = array<i32>} : memref<128xi32, #tpu.memory_space<vmem>>, vector<16xi32>,
    %swap3A_1387 = vector.shape_cast %swap3A_1386 : vector<16xi32> to vector<16xi32>
    %swap3A_1388 = vector.shape_cast %add3A_1384 : vector<16xi32> to vector<16xi32>
    tpu.vector_store %arg6[%swap3A_1385], %swap3A_1388 {strides = array<i32>} : memref<128xi32, #tpu.memory_space<vmem>>, vector<16xi32>,
    %get3A_1389 = arith.constant 48 : index
    %get3A_1390 = tpu.vector_load %arg6[%get3A_1389] {strides = array<i32>} : memref<128xi32, #tpu.memory_space<vmem>>, vector<16xi32>,
    %get3A_1391 = vector.shape_cast %get3A_1390 : vector<16xi32> to vector<16xi32>
    %add3A_1392 = vector.broadcast %mul3A_18 : i32 to vector<16xi32>
    %add3A_1393 = arith.addi %get3A_1391, %add3A_1392 : vector<16xi32>
    %swap3A_1394 = arith.constant 48 : index
    %swap3A_1395 = tpu.vector_load %arg6[%swap3A_1394] {strides = array<i32>} : memref<128xi32, #tpu.memory_space<vmem>>, vector<16xi32>,
    %swap3A_1396 = vector.shape_cast %swap3A_1395 : vector<16xi32> to vector<16xi32>
    %swap3A_1397 = vector.shape_cast %add3A_1393 : vector<16xi32> to vector<16xi32>
    tpu.vector_store %arg6[%swap3A_1394], %swap3A_1397 {strides = array<i32>} : memref<128xi32, #tpu.memory_space<vmem>>, vector<16xi32>,
    %get3A_1398 = arith.constant 64 : index
    %get3A_1399 = tpu.vector_load %arg6[%get3A_1398] {strides = array<i32>} : memref<128xi32, #tpu.memory_space<vmem>>, vector<16xi32>,
    %get3A_1400 = vector.shape_cast %get3A_1399 : vector<16xi32> to vector<16xi32>
    %add3A_1401 = vector.broadcast %mul3A_18 : i32 to vector<16xi32>
    %add3A_1402 = arith.addi %get3A_1400, %add3A_1401 : vector<16xi32>
    %swap3A_1403 = arith.constant 64 : index
    %swap3A_1404 = tpu.vector_load %arg6[%swap3A_1403] {strides = array<i32>} : memref<128xi32, #tpu.memory_space<vmem>>, vector<16xi32>,
    %swap3A_1405 = vector.shape_cast %swap3A_1404 : vector<16xi32> to vector<16xi32>
    %swap3A_1406 = vector.shape_cast %add3A_1402 : vector<16xi32> to vector<16xi32>
    tpu.vector_store %arg6[%swap3A_1403], %swap3A_1406 {strides = array<i32>} : memref<128xi32, #tpu.memory_space<vmem>>, vector<16xi32>,
    %get3A_1407 = arith.constant 80 : index
    %get3A_1408 = tpu.vector_load %arg6[%get3A_1407] {strides = array<i32>} : memref<128xi32, #tpu.memory_space<vmem>>, vector<16xi32>,
    %get3A_1409 = vector.shape_cast %get3A_1408 : vector<16xi32> to vector<16xi32>
    %add3A_1410 = vector.broadcast %mul3A_18 : i32 to vector<16xi32>
    %add3A_1411 = arith.addi %get3A_1409, %add3A_1410 : vector<16xi32>
    %swap3A_1412 = arith.constant 80 : index
    %swap3A_1413 = tpu.vector_load %arg6[%swap3A_1412] {strides = array<i32>} : memref<128xi32, #tpu.memory_space<vmem>>, vector<16xi32>,
    %swap3A_1414 = vector.shape_cast %swap3A_1413 : vector<16xi32> to vector<16xi32>
    %swap3A_1415 = vector.shape_cast %add3A_1411 : vector<16xi32> to vector<16xi32>
    tpu.vector_store %arg6[%swap3A_1412], %swap3A_1415 {strides = array<i32>} : memref<128xi32, #tpu.memory_space<vmem>>, vector<16xi32>,
    %get3A_1416 = arith.constant 96 : index
    %get3A_1417 = tpu.vector_load %arg6[%get3A_1416] {strides = array<i32>} : memref<128xi32, #tpu.memory_space<vmem>>, vector<16xi32>,
    %get3A_1418 = vector.shape_cast %get3A_1417 : vector<16xi32> to vector<16xi32>
    %add3A_1419 = vector.broadcast %mul3A_18 : i32 to vector<16xi32>
    %add3A_1420 = arith.addi %get3A_1418, %add3A_1419 : vector<16xi32>
    %swap3A_1421 = arith.constant 96 : index
    %swap3A_1422 = tpu.vector_load %arg6[%swap3A_1421] {strides = array<i32>} : memref<128xi32, #tpu.memory_space<vmem>>, vector<16xi32>,
    %swap3A_1423 = vector.shape_cast %swap3A_1422 : vector<16xi32> to vector<16xi32>
    %swap3A_1424 = vector.shape_cast %add3A_1420 : vector<16xi32> to vector<16xi32>
    tpu.vector_store %arg6[%swap3A_1421], %swap3A_1424 {strides = array<i32>} : memref<128xi32, #tpu.memory_space<vmem>>, vector<16xi32>,
    %get3A_1425 = arith.constant 112 : index
    %get3A_1426 = tpu.vector_load %arg6[%get3A_1425] {strides = array<i32>} : memref<128xi32, #tpu.memory_space<vmem>>, vector<16xi32>,
    %get3A_1427 = vector.shape_cast %get3A_1426 : vector<16xi32> to vector<16xi32>
    %add3A_1428 = vector.broadcast %mul3A_18 : i32 to vector<16xi32>
    %add3A_1429 = arith.addi %get3A_1427, %add3A_1428 : vector<16xi32>
    %swap3A_1430 = arith.constant 112 : index
    %swap3A_1431 = tpu.vector_load %arg6[%swap3A_1430] {strides = array<i32>} : memref<128xi32, #tpu.memory_space<vmem>>, vector<16xi32>,
    %swap3A_1432 = vector.shape_cast %swap3A_1431 : vector<16xi32> to vector<16xi32>
    %swap3A_1433 = vector.shape_cast %add3A_1429 : vector<16xi32> to vector<16xi32>
    tpu.vector_store %arg6[%swap3A_1430], %swap3A_1433 {strides = array<i32>} : memref<128xi32, #tpu.memory_space<vmem>>, vector<16xi32>,
    %dma_start3A_1434 = arith.constant 0 : i32
    %dma_start3A_1435 = arith.constant 0 : i32
    %dma_start3A_1436 = tpu.memref_slice %arg2[%dma_start3A_1434, %dma_start3A_1435] : memref<16384x128xf32, #tpu.memory_space<hbm>> -> memref<16384x128xf32, #tpu.memory_space<hbm>>
    tpu.enqueue_indirect_dma source(%dma_start3A_1436 : memref<16384x128xf32, #tpu.memory_space<hbm>>) target(%arg8 : memref<128x128xf32, #tpu.memory_space<vmem>>) offsets(%arg6 : memref<128xi32, #tpu.memory_space<vmem>>) semaphore(%arg10 : memref<!tpu.dma_semaphore, #tpu.memory_space<semaphore_mem>>)
    %dma_wait3A_1437 = arith.constant 0 : i32
    %dma_wait3A_1438 = arith.constant 0 : i32
    %dma_wait3A_1439 = tpu.memref_slice %arg2[%dma_wait3A_1437, %dma_wait3A_1438] : memref<16384x128xf32, #tpu.memory_space<hbm>> -> memref<16384x128xf32, #tpu.memory_space<hbm>>
    tpu.wait_indirect_dma semaphore(%arg9 : memref<!tpu.dma_semaphore, #tpu.memory_space<semaphore_mem>>) src(%dma_wait3A_1439 : memref<16384x128xf32, #tpu.memory_space<hbm>>) dst(%arg7 : memref<128x128xf32, #tpu.memory_space<vmem>>)
    %mul3A_1440 = arith.constant 128 : i32
    %mul3A_1441 = arith.muli %add3A, %mul3A_1440 : i32
    %add3A_1442 = arith.constant 112 : i32
    %add3A_1443 = arith.addi %mul3A_1441, %add3A_1442 : i32
    %mul3A_1444 = arith.constant 16 : i32
    %mul3A_1445 = arith.muli %add3A_1443, %mul3A_1444 : i32
    "tpu.region"() ({
      %run_scoped3A = tpu.sem_alloc : memref<!tpu.dma_semaphore, #tpu.memory_space<semaphore_mem>>
      %dma_start3A_1455 = arith.constant 0 : i32
      %dma_start3A_1456 = tpu.memref_slice %arg4[%mul3A_1445, %dma_start3A_1455] : memref<65536x128xf32, #tpu.memory_space<hbm>> -> memref<128x128xf32, #tpu.memory_space<hbm>>
      %dma_start3A_1457 = arith.constant 0 : i32
      %dma_start3A_1458 = tpu.memref_slice %arg4[%mul3A_1445, %dma_start3A_1457] : memref<65536x128xf32, #tpu.memory_space<hbm>> -> memref<128x128xf32, #tpu.memory_space<hbm>>
      tpu.enqueue_dma source(%arg7 : memref<128x128xf32, #tpu.memory_space<vmem>>) target(%dma_start3A_1458 : memref<128x128xf32, #tpu.memory_space<hbm>>) target_semaphore(%run_scoped3A : memref<!tpu.dma_semaphore, #tpu.memory_space<semaphore_mem>>)
      %dma_wait3A_1459 = arith.constant 0 : i32
      %dma_wait3A_1460 = tpu.memref_slice %arg4[%mul3A_1445, %dma_wait3A_1459] : memref<65536x128xf32, #tpu.memory_space<hbm>> -> memref<128x128xf32, #tpu.memory_space<hbm>>
      %dma_wait3A_1461 = arith.constant 0 : i32
      %dma_wait3A_1462 = tpu.memref_slice %arg4[%mul3A_1445, %dma_wait3A_1461] : memref<65536x128xf32, #tpu.memory_space<hbm>> -> memref<128x128xf32, #tpu.memory_space<hbm>>
      tpu.wait_dma2 semaphore(%run_scoped3A : memref<!tpu.dma_semaphore, #tpu.memory_space<semaphore_mem>>) src(%arg7 : memref<128x128xf32, #tpu.memory_space<vmem>>) dst(%dma_wait3A_1462 : memref<128x128xf32, #tpu.memory_space<hbm>>)
      tpu.yield
    }) : () -> ()
    %dma_wait3A_1446 = arith.constant 0 : i32
    %dma_wait3A_1447 = arith.constant 0 : i32
    %dma_wait3A_1448 = tpu.memref_slice %arg2[%dma_wait3A_1446, %dma_wait3A_1447] : memref<16384x128xf32, #tpu.memory_space<hbm>> -> memref<16384x128xf32, #tpu.memory_space<hbm>>
    tpu.wait_indirect_dma semaphore(%arg10 : memref<!tpu.dma_semaphore, #tpu.memory_space<semaphore_mem>>) src(%dma_wait3A_1448 : memref<16384x128xf32, #tpu.memory_space<hbm>>) dst(%arg8 : memref<128x128xf32, #tpu.memory_space<vmem>>)
    %mul3A_1449 = arith.constant 128 : i32
    %mul3A_1450 = arith.muli %add3A, %mul3A_1449 : i32
    %add3A_1451 = arith.constant 120 : i32
    %add3A_1452 = arith.addi %mul3A_1450, %add3A_1451 : i32
    %mul3A_1453 = arith.constant 16 : i32
    %mul3A_1454 = arith.muli %add3A_1452, %mul3A_1453 : i32
    "tpu.region"() ({
      %run_scoped3A = tpu.sem_alloc : memref<!tpu.dma_semaphore, #tpu.memory_space<semaphore_mem>>
      %dma_start3A_1455 = arith.constant 0 : i32
      %dma_start3A_1456 = tpu.memref_slice %arg4[%mul3A_1454, %dma_start3A_1455] : memref<65536x128xf32, #tpu.memory_space<hbm>> -> memref<128x128xf32, #tpu.memory_space<hbm>>
      %dma_start3A_1457 = arith.constant 0 : i32
      %dma_start3A_1458 = tpu.memref_slice %arg4[%mul3A_1454, %dma_start3A_1457] : memref<65536x128xf32, #tpu.memory_space<hbm>> -> memref<128x128xf32, #tpu.memory_space<hbm>>
      tpu.enqueue_dma source(%arg8 : memref<128x128xf32, #tpu.memory_space<vmem>>) target(%dma_start3A_1458 : memref<128x128xf32, #tpu.memory_space<hbm>>) target_semaphore(%run_scoped3A : memref<!tpu.dma_semaphore, #tpu.memory_space<semaphore_mem>>)
      %dma_wait3A_1459 = arith.constant 0 : i32
      %dma_wait3A_1460 = tpu.memref_slice %arg4[%mul3A_1454, %dma_wait3A_1459] : memref<65536x128xf32, #tpu.memory_space<hbm>> -> memref<128x128xf32, #tpu.memory_space<hbm>>
      %dma_wait3A_1461 = arith.constant 0 : i32
      %dma_wait3A_1462 = tpu.memref_slice %arg4[%mul3A_1454, %dma_wait3A_1461] : memref<65536x128xf32, #tpu.memory_space<hbm>> -> memref<128x128xf32, #tpu.memory_space<hbm>>
      tpu.wait_dma2 semaphore(%run_scoped3A : memref<!tpu.dma_semaphore, #tpu.memory_space<semaphore_mem>>) src(%arg8 : memref<128x128xf32, #tpu.memory_space<vmem>>) dst(%dma_wait3A_1462 : memref<128x128xf32, #tpu.memory_space<hbm>>)
      tpu.yield
    }) : () -> ()
    return
  }
}

module attributes {stable_mosaic.version = 14 : i64} {
  func.func @_dist_body(%arg0: i32, %arg1: memref<4096x128xf32, #tpu.memory_space<vmem>>, %arg2: memref<256x64xf32, #tpu.memory_space<vmem>>, %arg3: memref<256x16xf32, #tpu.memory_space<vmem>>) attributes {dimension_semantics = [#tpu.dimension_semantics<arbitrary>], iteration_bounds = array<i64: 16>, scalar_prefetch = 0 : i64, scratch_operands = 0 : i64, tpu.core_type = #tpu.core_type<tc>, window_params = [{transform_indices = @transform_0, window_bounds = array<i64: 4096, 128>}, {transform_indices = @transform_1, window_bounds = array<i64: 256, 64>}, {transform_indices = @transform_2, window_bounds = array<i64: 256, 16>}]} {
    %get3A = arith.constant 0 : index
    %get3A_0 = arith.constant 0 : index
    %get3A_1 = vector.load %arg1[%get3A, %get3A_0] : memref<4096x128xf32, #tpu.memory_space<vmem>>, vector<4096x128xf32>
    %slice3A = vector.extract_strided_slice %get3A_1 {offsets = [0, 64], sizes = [4096, 64], strides = [1, 1]} : vector<4096x128xf32> to vector<4096x64xf32>
    %get3A_2 = arith.constant 0 : index
    %get3A_3 = arith.constant 0 : index
    %get3A_4 = vector.load %arg2[%get3A_2, %get3A_3] : memref<256x64xf32, #tpu.memory_space<vmem>>, vector<256x64xf32>
    %dot_general3A = arith.constant dense<0.000000e+00> : vector<256x4096xf32>
    %dot_general3A_5 = tpu.matmul %get3A_4, %slice3A, %dot_general3A {dimension_numbers = #tpu.dot_dimension_numbers<[1], [1], [0], [0], [0, 0, 1, 0], [], []>, transpose_lhs_hint = false} : vector<256x64xf32>, vector<4096x64xf32>, vector<256x4096xf32> -> vector<256x4096xf32>
    %reshape3A = vector.shape_cast %dot_general3A_5 : vector<256x4096xf32> to vector<256x256x16xf32>
    %iota3A = tpu.iota {dimensions = array<i32: 0>} : vector<256x256x1xi32>
    %iota3A_6 = tpu.iota {dimensions = array<i32: 1>} : vector<256x256x1xi32>
    %eq3A = arith.cmpi eq, %iota3A, %iota3A_6 : vector<256x256x1xi32>
    %jit3A = arith.constant 0.000000e+00 : f32
    %broadcast_in_dim3A = vector.shape_cast %eq3A : vector<256x256x1xi1> to vector<256x256x1xi1>
    %broadcast_in_dim3A_7 = vector.broadcast %broadcast_in_dim3A : vector<256x256x1xi1> to vector<256x256x16xi1>
    %broadcast_in_dim3A_8 = vector.broadcast %jit3A : f32 to vector<256x256x16xf32>
    %select_n3A = arith.select %broadcast_in_dim3A_7, %reshape3A, %broadcast_in_dim3A_8 : vector<256x256x16xi1>, vector<256x256x16xf32>
    %reduce_sum3A = arith.constant dense<0.000000e+00> : vector<256x16xf32>
    %reduce_sum3A_9 = vector.multi_reduction <add>, %select_n3A, %reduce_sum3A [1] : vector<256x256x16xf32> to vector<256x16xf32>
    %mul3A = arith.mulf %slice3A, %slice3A : vector<4096x64xf32>
    %slice3A_10 = vector.extract_strided_slice %mul3A {offsets = [0, 0], sizes = [4096, 8], strides = [1, 1]} : vector<4096x64xf32> to vector<4096x8xf32>
    %slice3A_11 = vector.extract_strided_slice %mul3A {offsets = [0, 8], sizes = [4096, 8], strides = [1, 1]} : vector<4096x64xf32> to vector<4096x8xf32>
    %add3A = arith.addf %slice3A_10, %slice3A_11 : vector<4096x8xf32>
    %slice3A_12 = vector.extract_strided_slice %mul3A {offsets = [0, 16], sizes = [4096, 8], strides = [1, 1]} : vector<4096x64xf32> to vector<4096x8xf32>
    %add3A_13 = arith.addf %add3A, %slice3A_12 : vector<4096x8xf32>
    %slice3A_14 = vector.extract_strided_slice %mul3A {offsets = [0, 24], sizes = [4096, 8], strides = [1, 1]} : vector<4096x64xf32> to vector<4096x8xf32>
    %add3A_15 = arith.addf %add3A_13, %slice3A_14 : vector<4096x8xf32>
    %slice3A_16 = vector.extract_strided_slice %mul3A {offsets = [0, 32], sizes = [4096, 8], strides = [1, 1]} : vector<4096x64xf32> to vector<4096x8xf32>
    %add3A_17 = arith.addf %add3A_15, %slice3A_16 : vector<4096x8xf32>
    %slice3A_18 = vector.extract_strided_slice %mul3A {offsets = [0, 40], sizes = [4096, 8], strides = [1, 1]} : vector<4096x64xf32> to vector<4096x8xf32>
    %add3A_19 = arith.addf %add3A_17, %slice3A_18 : vector<4096x8xf32>
    %slice3A_20 = vector.extract_strided_slice %mul3A {offsets = [0, 48], sizes = [4096, 8], strides = [1, 1]} : vector<4096x64xf32> to vector<4096x8xf32>
    %add3A_21 = arith.addf %add3A_19, %slice3A_20 : vector<4096x8xf32>
    %slice3A_22 = vector.extract_strided_slice %mul3A {offsets = [0, 56], sizes = [4096, 8], strides = [1, 1]} : vector<4096x64xf32> to vector<4096x8xf32>
    %add3A_23 = arith.addf %add3A_21, %slice3A_22 : vector<4096x8xf32>
    %slice3A_24 = vector.extract_strided_slice %add3A_23 {offsets = [0, 0], sizes = [4096, 4], strides = [1, 1]} : vector<4096x8xf32> to vector<4096x4xf32>
    %slice3A_25 = vector.extract_strided_slice %add3A_23 {offsets = [0, 4], sizes = [4096, 4], strides = [1, 1]} : vector<4096x8xf32> to vector<4096x4xf32>
    %add3A_26 = arith.addf %slice3A_24, %slice3A_25 : vector<4096x4xf32>
    %slice3A_27 = vector.extract_strided_slice %add3A_26 {offsets = [0, 0], sizes = [4096, 2], strides = [1, 1]} : vector<4096x4xf32> to vector<4096x2xf32>
    %slice3A_28 = vector.extract_strided_slice %add3A_26 {offsets = [0, 2], sizes = [4096, 2], strides = [1, 1]} : vector<4096x4xf32> to vector<4096x2xf32>
    %add3A_29 = arith.addf %slice3A_27, %slice3A_28 : vector<4096x2xf32>
    %slice3A_30 = vector.extract_strided_slice %add3A_29 {offsets = [0, 0], sizes = [4096, 1], strides = [1, 1]} : vector<4096x2xf32> to vector<4096x1xf32>
    %slice3A_31 = vector.extract_strided_slice %add3A_29 {offsets = [0, 1], sizes = [4096, 1], strides = [1, 1]} : vector<4096x2xf32> to vector<4096x1xf32>
    %add3A_32 = arith.addf %slice3A_30, %slice3A_31 : vector<4096x1xf32>
    %reshape3A_33 = vector.shape_cast %add3A_32 : vector<4096x1xf32> to vector<256x16xf32>
    %mul3A_34 = arith.mulf %get3A_4, %get3A_4 : vector<256x64xf32>
    %slice3A_35 = vector.extract_strided_slice %mul3A_34 {offsets = [0, 0], sizes = [256, 8], strides = [1, 1]} : vector<256x64xf32> to vector<256x8xf32>
    %slice3A_36 = vector.extract_strided_slice %mul3A_34 {offsets = [0, 8], sizes = [256, 8], strides = [1, 1]} : vector<256x64xf32> to vector<256x8xf32>
    %add3A_37 = arith.addf %slice3A_35, %slice3A_36 : vector<256x8xf32>
    %slice3A_38 = vector.extract_strided_slice %mul3A_34 {offsets = [0, 16], sizes = [256, 8], strides = [1, 1]} : vector<256x64xf32> to vector<256x8xf32>
    %add3A_39 = arith.addf %add3A_37, %slice3A_38 : vector<256x8xf32>
    %slice3A_40 = vector.extract_strided_slice %mul3A_34 {offsets = [0, 24], sizes = [256, 8], strides = [1, 1]} : vector<256x64xf32> to vector<256x8xf32>
    %add3A_41 = arith.addf %add3A_39, %slice3A_40 : vector<256x8xf32>
    %slice3A_42 = vector.extract_strided_slice %mul3A_34 {offsets = [0, 32], sizes = [256, 8], strides = [1, 1]} : vector<256x64xf32> to vector<256x8xf32>
    %add3A_43 = arith.addf %add3A_41, %slice3A_42 : vector<256x8xf32>
    %slice3A_44 = vector.extract_strided_slice %mul3A_34 {offsets = [0, 40], sizes = [256, 8], strides = [1, 1]} : vector<256x64xf32> to vector<256x8xf32>
    %add3A_45 = arith.addf %add3A_43, %slice3A_44 : vector<256x8xf32>
    %slice3A_46 = vector.extract_strided_slice %mul3A_34 {offsets = [0, 48], sizes = [256, 8], strides = [1, 1]} : vector<256x64xf32> to vector<256x8xf32>
    %add3A_47 = arith.addf %add3A_45, %slice3A_46 : vector<256x8xf32>
    %slice3A_48 = vector.extract_strided_slice %mul3A_34 {offsets = [0, 56], sizes = [256, 8], strides = [1, 1]} : vector<256x64xf32> to vector<256x8xf32>
    %add3A_49 = arith.addf %add3A_47, %slice3A_48 : vector<256x8xf32>
    %slice3A_50 = vector.extract_strided_slice %add3A_49 {offsets = [0, 0], sizes = [256, 4], strides = [1, 1]} : vector<256x8xf32> to vector<256x4xf32>
    %slice3A_51 = vector.extract_strided_slice %add3A_49 {offsets = [0, 4], sizes = [256, 4], strides = [1, 1]} : vector<256x8xf32> to vector<256x4xf32>
    %add3A_52 = arith.addf %slice3A_50, %slice3A_51 : vector<256x4xf32>
    %slice3A_53 = vector.extract_strided_slice %add3A_52 {offsets = [0, 0], sizes = [256, 2], strides = [1, 1]} : vector<256x4xf32> to vector<256x2xf32>
    %slice3A_54 = vector.extract_strided_slice %add3A_52 {offsets = [0, 2], sizes = [256, 2], strides = [1, 1]} : vector<256x4xf32> to vector<256x2xf32>
    %add3A_55 = arith.addf %slice3A_53, %slice3A_54 : vector<256x2xf32>
    %slice3A_56 = vector.extract_strided_slice %add3A_55 {offsets = [0, 0], sizes = [256, 1], strides = [1, 1]} : vector<256x2xf32> to vector<256x1xf32>
    %slice3A_57 = vector.extract_strided_slice %add3A_55 {offsets = [0, 1], sizes = [256, 1], strides = [1, 1]} : vector<256x2xf32> to vector<256x1xf32>
    %add3A_58 = arith.addf %slice3A_56, %slice3A_57 : vector<256x1xf32>
    %mul3A_59 = arith.constant -2.000000e+00 : f32
    %mul3A_60 = vector.broadcast %mul3A_59 : f32 to vector<256x16xf32>
    %mul3A_61 = arith.mulf %mul3A_60, %reduce_sum3A_9 : vector<256x16xf32>
    %add3A_62 = arith.addf %mul3A_61, %reshape3A_33 : vector<256x16xf32>
    %add3A_63 = vector.broadcast %add3A_58 : vector<256x1xf32> to vector<256x16xf32>
    %add3A_64 = arith.addf %add3A_62, %add3A_63 : vector<256x16xf32>
    %neg3A = arith.constant 0.000000e+00 : f32
    %neg3A_65 = vector.broadcast %neg3A : f32 to vector<256x16xf32>
    %neg3A_66 = arith.subf %neg3A_65, %add3A_64 : vector<256x16xf32>
    %swap3A = arith.constant 0 : index
    %swap3A_67 = arith.constant 0 : index
    %swap3A_68 = vector.load %arg3[%swap3A, %swap3A_67] : memref<256x16xf32, #tpu.memory_space<vmem>>, vector<256x16xf32>
    tpu.vector_store %arg3[%swap3A, %swap3A_67], %neg3A_66 {strides = array<i32>} : memref<256x16xf32, #tpu.memory_space<vmem>>, vector<256x16xf32>,
    return
  }
  func.func @transform_0(%arg0: i32) -> (i32, i32) {
    %c0_i32 = arith.constant 0 : i32
    %c0_i32_0 = arith.constant 0 : i32
    return %arg0, %c0_i32 : i32, i32
  }
  func.func @transform_1(%arg0: i32) -> (i32, i32) {
    %c0_i32 = arith.constant 0 : i32
    %c0_i32_0 = arith.constant 0 : i32
    return %arg0, %c0_i32 : i32, i32
  }
  func.func @transform_2(%arg0: i32) -> (i32, i32) {
    %c0_i32 = arith.constant 0 : i32
    %c0_i32_0 = arith.constant 0 : i32
    return %arg0, %c0_i32 : i32, i32
  }
}

module attributes {stable_mosaic.version = 14 : i64} {
  func.func @_agg_body(%arg0: i32, %arg1: memref<8192x128xf32, #tpu.memory_space<vmem>>, %arg2: memref<512x16xf32, #tpu.memory_space<vmem>>, %arg3: memref<512x16xf32, #tpu.memory_space<vmem>>, %arg4: memref<512x16xf32, #tpu.memory_space<vmem>>, %arg5: memref<512x16xf32, #tpu.memory_space<vmem>>, %arg6: memref<512x64xf32, #tpu.memory_space<vmem>>, %arg7: memref<512x64xf32, #tpu.memory_space<vmem>>, %arg8: memref<512x64xf32, #tpu.memory_space<vmem>>, %arg9: memref<512x64xf32, #tpu.memory_space<vmem>>) attributes {dimension_semantics = [#tpu.dimension_semantics<arbitrary>], iteration_bounds = array<i64: 8>, scalar_prefetch = 0 : i64, scratch_operands = 0 : i64, tpu.core_type = #tpu.core_type<tc>, window_params = [{transform_indices = @transform_0, window_bounds = array<i64: 8192, 128>}, {transform_indices = @transform_1, window_bounds = array<i64: 512, 16>}, {transform_indices = @transform_2, window_bounds = array<i64: 512, 16>}, {transform_indices = @transform_3, window_bounds = array<i64: 512, 16>}, {transform_indices = @transform_4, window_bounds = array<i64: 512, 16>}, {transform_indices = @transform_5, window_bounds = array<i64: 512, 64>}, {transform_indices = @transform_6, window_bounds = array<i64: 512, 64>}, {transform_indices = @transform_7, window_bounds = array<i64: 512, 64>}, {transform_indices = @transform_8, window_bounds = array<i64: 512, 64>}]} {
    %get3A = arith.constant 0 : index
    %get3A_0 = arith.constant 0 : index
    %get3A_1 = vector.load %arg1[%get3A, %get3A_0] : memref<8192x128xf32, #tpu.memory_space<vmem>>, vector<8192x128xf32>
    %reshape3A = vector.shape_cast %get3A_1 : vector<8192x128xf32> to vector<512x16x128xf32>
    %slice3A = vector.extract_strided_slice %reshape3A {offsets = [0, 0, 0], sizes = [512, 16, 64], strides = [1, 1, 1]} : vector<512x16x128xf32> to vector<512x16x64xf32>
    %get3A_2 = arith.constant 0 : index
    %get3A_3 = arith.constant 0 : index
    %get3A_4 = vector.load %arg2[%get3A_2, %get3A_3] : memref<512x16xf32, #tpu.memory_space<vmem>>, vector<512x16xf32>
    %broadcast_in_dim3A = vector.shape_cast %get3A_4 : vector<512x16xf32> to vector<512x16x1xf32>
    %mul3A = vector.broadcast %broadcast_in_dim3A : vector<512x16x1xf32> to vector<512x16x64xf32>
    %mul3A_5 = arith.mulf %mul3A, %slice3A : vector<512x16x64xf32>
    %reduce_sum3A = arith.constant dense<0.000000e+00> : vector<512x64xf32>
    %reduce_sum3A_6 = vector.multi_reduction <add>, %mul3A_5, %reduce_sum3A [1] : vector<512x16x64xf32> to vector<512x64xf32>
    %swap3A = arith.constant 0 : index
    %swap3A_7 = arith.constant 0 : index
    %swap3A_8 = vector.load %arg6[%swap3A, %swap3A_7] : memref<512x64xf32, #tpu.memory_space<vmem>>, vector<512x64xf32>
    tpu.vector_store %arg6[%swap3A, %swap3A_7], %reduce_sum3A_6 {strides = array<i32>} : memref<512x64xf32, #tpu.memory_space<vmem>>, vector<512x64xf32>,
    %get3A_9 = arith.constant 0 : index
    %get3A_10 = arith.constant 0 : index
    %get3A_11 = vector.load %arg3[%get3A_9, %get3A_10] : memref<512x16xf32, #tpu.memory_space<vmem>>, vector<512x16xf32>
    %broadcast_in_dim3A_12 = vector.shape_cast %get3A_11 : vector<512x16xf32> to vector<512x16x1xf32>
    %mul3A_13 = vector.broadcast %broadcast_in_dim3A_12 : vector<512x16x1xf32> to vector<512x16x64xf32>
    %mul3A_14 = arith.mulf %mul3A_13, %slice3A : vector<512x16x64xf32>
    %reduce_sum3A_15 = arith.constant dense<0.000000e+00> : vector<512x64xf32>
    %reduce_sum3A_16 = vector.multi_reduction <add>, %mul3A_14, %reduce_sum3A_15 [1] : vector<512x16x64xf32> to vector<512x64xf32>
    %swap3A_17 = arith.constant 0 : index
    %swap3A_18 = arith.constant 0 : index
    %swap3A_19 = vector.load %arg7[%swap3A_17, %swap3A_18] : memref<512x64xf32, #tpu.memory_space<vmem>>, vector<512x64xf32>
    tpu.vector_store %arg7[%swap3A_17, %swap3A_18], %reduce_sum3A_16 {strides = array<i32>} : memref<512x64xf32, #tpu.memory_space<vmem>>, vector<512x64xf32>,
    %get3A_20 = arith.constant 0 : index
    %get3A_21 = arith.constant 0 : index
    %get3A_22 = vector.load %arg4[%get3A_20, %get3A_21] : memref<512x16xf32, #tpu.memory_space<vmem>>, vector<512x16xf32>
    %broadcast_in_dim3A_23 = vector.shape_cast %get3A_22 : vector<512x16xf32> to vector<512x16x1xf32>
    %mul3A_24 = vector.broadcast %broadcast_in_dim3A_23 : vector<512x16x1xf32> to vector<512x16x64xf32>
    %mul3A_25 = arith.mulf %mul3A_24, %slice3A : vector<512x16x64xf32>
    %reduce_sum3A_26 = arith.constant dense<0.000000e+00> : vector<512x64xf32>
    %reduce_sum3A_27 = vector.multi_reduction <add>, %mul3A_25, %reduce_sum3A_26 [1] : vector<512x16x64xf32> to vector<512x64xf32>
    %swap3A_28 = arith.constant 0 : index
    %swap3A_29 = arith.constant 0 : index
    %swap3A_30 = vector.load %arg8[%swap3A_28, %swap3A_29] : memref<512x64xf32, #tpu.memory_space<vmem>>, vector<512x64xf32>
    tpu.vector_store %arg8[%swap3A_28, %swap3A_29], %reduce_sum3A_27 {strides = array<i32>} : memref<512x64xf32, #tpu.memory_space<vmem>>, vector<512x64xf32>,
    %get3A_31 = arith.constant 0 : index
    %get3A_32 = arith.constant 0 : index
    %get3A_33 = vector.load %arg5[%get3A_31, %get3A_32] : memref<512x16xf32, #tpu.memory_space<vmem>>, vector<512x16xf32>
    %broadcast_in_dim3A_34 = vector.shape_cast %get3A_33 : vector<512x16xf32> to vector<512x16x1xf32>
    %mul3A_35 = vector.broadcast %broadcast_in_dim3A_34 : vector<512x16x1xf32> to vector<512x16x64xf32>
    %mul3A_36 = arith.mulf %mul3A_35, %slice3A : vector<512x16x64xf32>
    %reduce_sum3A_37 = arith.constant dense<0.000000e+00> : vector<512x64xf32>
    %reduce_sum3A_38 = vector.multi_reduction <add>, %mul3A_36, %reduce_sum3A_37 [1] : vector<512x16x64xf32> to vector<512x64xf32>
    %swap3A_39 = arith.constant 0 : index
    %swap3A_40 = arith.constant 0 : index
    %swap3A_41 = vector.load %arg9[%swap3A_39, %swap3A_40] : memref<512x64xf32, #tpu.memory_space<vmem>>, vector<512x64xf32>
    tpu.vector_store %arg9[%swap3A_39, %swap3A_40], %reduce_sum3A_38 {strides = array<i32>} : memref<512x64xf32, #tpu.memory_space<vmem>>, vector<512x64xf32>,
    return
  }
  func.func @transform_0(%arg0: i32) -> (i32, i32) {
    %c0_i32 = arith.constant 0 : i32
    %c0_i32_0 = arith.constant 0 : i32
    return %arg0, %c0_i32 : i32, i32
  }
  func.func @transform_1(%arg0: i32) -> (i32, i32) {
    %c0_i32 = arith.constant 0 : i32
    %c0_i32_0 = arith.constant 0 : i32
    return %arg0, %c0_i32 : i32, i32
  }
  func.func @transform_2(%arg0: i32) -> (i32, i32) {
    %c0_i32 = arith.constant 0 : i32
    %c0_i32_0 = arith.constant 0 : i32
    return %arg0, %c0_i32 : i32, i32
  }
  func.func @transform_3(%arg0: i32) -> (i32, i32) {
    %c0_i32 = arith.constant 0 : i32
    %c0_i32_0 = arith.constant 0 : i32
    return %arg0, %c0_i32 : i32, i32
  }
  func.func @transform_4(%arg0: i32) -> (i32, i32) {
    %c0_i32 = arith.constant 0 : i32
    %c0_i32_0 = arith.constant 0 : i32
    return %arg0, %c0_i32 : i32, i32
  }
  func.func @transform_5(%arg0: i32) -> (i32, i32) {
    %c0_i32 = arith.constant 0 : i32
    %c0_i32_0 = arith.constant 0 : i32
    return %arg0, %c0_i32 : i32, i32
  }
  func.func @transform_6(%arg0: i32) -> (i32, i32) {
    %c0_i32 = arith.constant 0 : i32
    %c0_i32_0 = arith.constant 0 : i32
    return %arg0, %c0_i32 : i32, i32
  }
  func.func @transform_7(%arg0: i32) -> (i32, i32) {
    %c0_i32 = arith.constant 0 : i32
    %c0_i32_0 = arith.constant 0 : i32
    return %arg0, %c0_i32 : i32, i32
  }
  func.func @transform_8(%arg0: i32) -> (i32, i32) {
    %c0_i32 = arith.constant 0 : i32
    %c0_i32_0 = arith.constant 0 : i32
    return %arg0, %c0_i32 : i32, i32
  }
}

</mosaic_0001>

<sc_bundles>
// kernel: kernel.5.cloned.1.call-start
scs
__scs_entry_jumppad:
0x0: {  	(pc) =	sbr.rel $0x88, $3  }
0x1: {  	(tag) =	ssettag $0x0;
	lr =	simm.s32 $0x1  }
0x2: {  	[smem:$0x3F9C] =	sst lr;
	_ =	strace $0xD0000000  }
0x3: {  	_ = 	snop  }
0x4: {  	_ = 	snop  }
0x5: {  	_ = 	snop  }
0x6: {  	_ = 	snop  }
0x7: {  	_ = 	snop  }
__scs_overlays_trampoline_lowered:
0x8: {  	[smem:$0x3FAB] =	sst s0  }
0x9: {  	[smem:$0x3FAC] =	sst s1  }
0xa: {  	[smem:$0x3FAD] =	sst s2  }
0xb: {  	[smem:$0x3FAE] =	sst s3  }
0xc: {  	[smem:$0x3FAF] =	sst s4  }
0xd: {  	[smem:$0x3FB0] =	sst s5  }
0xe: {  	[smem:$0x3FB1] =	sst s6  }
0xf: {  	[smem:$0x3FB2] =	sst s7  }
0x10: {  	[smem:$0x3FB3] =	sst s8  }
0x11: {  	[smem:$0x3FB4] =	sst s9;
	s0 =	simm.s32 @!p0 $0x0  }
0x12: {  	s1 =	sld [smem:$0x3F9A];
	s0 =	simm.s32 @p0 $0x1  }
0x13: {  	[smem:$0x3FB5] =	sst s0;
	s0 =	simm.s32 @!p1 $0x0  }
0x14: {  	s2 =	sld [smem:$0x3F99];
	s0 =	simm.s32 @p1 $0x1  }
0x15: {  	[smem:$0x3FB6] =	sst s0;
	s0 =	simm.s32 @!p2 $0x0  }
0x16: {  	s3 =	sld [smem:$0x3FDB];
	s0 =	simm.s32 @p2 $0x1  }
0x17: {  	s4 =	simm.s32 $0x1BF5;
	[smem:$0x3FB8] =	sst s0  }
0x18: {  	s0 =	sld [smem:$0x3F9B];
	_ =	swait.ge [sflag:s4], $0x0  }
0x19: {  	s7 =	sld [smem:$0x3F9C]  }
0x1a: {  	s8 =	sadd.s32 $0xFFFFE003, lr  }
0x1b: {  	s9 =	sadd.s32 $0xFFFFFEF7, lr;
	s5 =	simm.s32 $0xFFFFFFFF;
	p2 =	slt.u32 s8, $0xFFFFF086  }
0x1c: {  	p1 =	slt.u32 s9, $0xF7A;
	s5 =	simm.s32 @!p2 $0x0  }
0x1d: {  	s5 =	simm.s32 @p1 $0x1;
	p0 =	seq.s32 s7, s2  }
0x1e: {  	s7 =	smul.u32 @!p0 $0xF7A, s2;
	p2 =	seq.s32 @!p0 s5, $0x0  }
0x1f: {  	s9 =	smul.u32 $0xF7A, s1;
	s8 =	simm.s32 @!p0 $0x1BF5;
	p2 =	por !p2, p0  }
0x20: {  	[sflag:s8] =	ssyncset.s32 @!p0 $0xFFFFF086;
	s6 =	sadd.s32 @!p0 s3, s7;
	s7 =	simm.s32 @!p0 $0x108  }
0x21: {  	s3 =	sadd.s32 s3, s9;
	s6 =	sadd.s32 @!p0 $0x88, s6;
	s7 =	simm.s32 @p2 $0x1082  }
0x22: {  	[simem:s7], [sflag:s8] =	dma.local @!p0 [hbm:s6], $0xF7A  }
0x23: {  	s9 =	sor.u32 $0xD0000000, s2;
	s6 =	simm.s32 $0x108;
	_ =	swait.ge @!p0 [sflag:s8], $0x0  }
0x24: {  	s3 =	sadd.s32 $0x88, s3;
	s6 =	simm.s32 @!p1 $0x1082;
	[sflag:s4] =	ssyncset.s32 $0xFFFFF086  }
0x25: {  	[simem:s6], [sflag:s4] =	dma.local [hbm:s3], $0xF7A  }
0x26: {  	[smem:$0x3F9C] =	sst s1;
	(tag) =	ssettag s2;
	_ =	strace s9  }
0x27: {  	s1 =	sld [smem:$0x3FAC]  }
0x28: {  	s2 =	sld [smem:$0x3FAD]  }
0x29: {  	s4 =	sld [smem:$0x3FAF]  }
0x2a: {  	p0 =	seq.s32 s5, $0x0;
	s5 =	sld [smem:$0x3FB0]  }
0x2b: {  	s6 =	sld [smem:$0x3FB1]  }
0x2c: {  	s7 =	sld [smem:$0x3FB2]  }
0x2d: {  	s3 =	simm.s32 $0x108;
	s8 =	sld [smem:$0x3FB3]  }
0x2e: {  	s3 =	simm.s32 @!p0 $0x1082;
	s9 =	sld [smem:$0x3FB4]  }
0x2f: {  	lr =	sadd.s32 s0, s3;
	s0 =	sld [smem:$0x3FAB]  }
0x30: {  	s3 =	sld [smem:$0x3FAE]  }
0x31: {  	[smem:$0x3FB7] =	sst s10  }
0x32: {  	s10 =	sld [smem:$0x3FB5];
	_ =	sdelay $0x3  }
0x33: {  	p0 =	seq.s32 s10, $0x1;
	s10 =	sld [smem:$0x3FB7];
	_ =	sdelay $0x3  }
0x34: {  	[smem:$0x3FB7] =	sst s10  }
0x35: {  	s10 =	sld [smem:$0x3FB6];
	_ =	sdelay $0x3  }
0x36: {  	p1 =	seq.s32 s10, $0x1;
	s10 =	sld [smem:$0x3FB7];
	_ =	sdelay $0x3  }
0x37: {  	[smem:$0x3FB7] =	sst s10  }
0x38: {  	s10 =	sld [smem:$0x3FB8]  }
0x39: {  	_ = 	snop;
	(pc) =	sbr.ind lr, $3  }
0x3a: {  	_ = 	snop  }
0x3b: {  	_ = 	snop  }
0x3c: {  	p2 =	seq.s32 s10, $0x1;
	s10 =	sld [smem:$0x3FB7]  }
0x3d: {  	_ =	shalt  }
0x3e: {  	_ =	shalt  }
0x3f: {  	_ =	shalt  }
0x40: {  	_ =	shalt  }
0x41: {  	_ =	shalt  }
0x42: {  	_ =	shalt  }
0x43: {  	_ =	shalt  }
0x44: {  	_ =	shalt  }
0x45: {  	_ =	shalt  }
0x46: {  	_ =	shalt  }
0x47: {  	_ =	shalt  }
0x48: {  	_ =	shalt  }
0x49: {  	_ =	shalt  }
0x4a: {  	_ =	shalt  }
0x4b: {  	_ =	shalt  }
0x4c: {  	_ =	shalt  }
0x4d: {  	_ =	shalt  }
0x4e: {  	_ =	shalt  }
0x4f: {  	_ =	shalt  }
0x50: {  	_ =	shalt  }
0x51: {  	_ =	shalt  }
0x52: {  	_ =	shalt  }
0x53: {  	_ =	shalt  }
0x54: {  	_ =	shalt  }
0x55: {  	_ =	shalt  }
0x56: {  	_ =	shalt  }
0x57: {  	_ =	shalt  }
0x58: {  	_ =	shalt  }
0x59: {  	_ =	shalt  }
0x5a: {  	_ =	shalt  }
0x5b: {  	_ =	shalt  }
0x5c: {  	_ =	shalt  }
0x5d: {  	_ =	shalt  }
0x5e: {  	_ =	shalt  }
0x5f: {  	_ =	shalt  }
0x60: {  	_ =	shalt  }
0x61: {  	_ =	shalt  }
0x62: {  	_ =	shalt  }
0x63: {  	_ =	shalt  }
0x64: {  	_ =	shalt  }
0x65: {  	_ =	shalt  }
0x66: {  	_ =	shalt  }
0x67: {  	_ =	shalt  }
0x68: {  	_ =	shalt  }
0x69: {  	_ =	shalt  }
0x6a: {  	_ =	shalt  }
0x6b: {  	_ =	shalt  }
0x6c: {  	_ =	shalt  }
0x6d: {  	_ =	shalt  }
0x6e: {  	_ =	shalt  }
0x6f: {  	_ =	shalt  }
0x70: {  	_ =	shalt  }
0x71: {  	_ =	shalt  }
0x72: {  	_ =	shalt  }
0x73: {  	_ =	shalt  }
0x74: {  	_ =	shalt  }
0x75: {  	_ =	shalt  }
0x76: {  	_ =	shalt  }
0x77: {  	_ =	shalt  }
0x78: {  	_ =	shalt  }
0x79: {  	_ =	shalt  }
0x7a: {  	_ =	shalt  }
0x7b: {  	_ =	shalt  }
0x7c: {  	_ =	shalt  }
0x7d: {  	_ =	shalt  }
0x7e: {  	_ =	shalt  }
0x7f: {  	_ =	shalt  }
0x80: {  	_ =	shalt  }
0x81: {  	_ =	shalt  }
0x82: {  	_ =	shalt  }
0x83: {  	_ =	shalt  }
0x84: {  	_ =	shalt  }
0x85: {  	_ =	shalt  }
0x86: {  	_ =	shalt  }
0x87: {  	_ =	shalt  }
.Lfunc_end0:
.L_simem_size_0:
called_computation_lowered:
.L_overlay_start_0:
0x88: {  	s2 =	sld [smem:$0x3FD9]  }
0x89: {  	s3 =	sld [smem:$0x3FFE];
	_ =	sdelay $0x1  }
0x8a: {  	s1 =	srdreg.scid  }
0x8b: {  	s0 =	sand.u32 $0x1, s1  }
0x8c: {  	s17 =	sshll.u32 s0, $0xA;
	s2 =	sadd.s32 s3, s2  }
0x8d: {  	s2 =	sadd.s32 s2, s17  }
0x8e: {  	[smem:$0x3FC3] =	sst s2  }
0x8f: {  	_ = 	snop  }
0x90: {  	s2 =	sld [smem:$0x3FD0];
	(tm) =	ssettm $0x1  }
0x91: {  	s18 =	sld [smem:$0x3FFB];
	_ =	sdelay $0x3  }
0x92: {  	_ =	strace s18  }
0x93: {  	s3 =	sld [smem:$0x3FFC];
	_ =	sdelay $0x3  }
0x94: {  	_ =	strace s3  }
0x95: {  	s3 =	sld [smem:$0x3FFD];
	_ =	sdelay $0x3  }
0x96: {  	_ =	strace s3  }
0x97: {  	_ =	strace $0x8FFFFFFF  }
0x98: {  	s19 =	sld [smem:$0x3FDB];
	_ =	sdelay $0x1  }
0x99: {  	s4 =	simm.s32 $_scs_section_size  }
0x9a: {  	s5 =	simm.s32 $_size__tile_overlayer_lowered;
	s6 =	simm.s32 $_tile_overlayer_lowered  }
0x9b: {  	s22 =	simm.s32 $0x1BFF;
	s21 =	sshll.u32 s6, $0x1;
	s3 =	sadd.s32 s4, s19  }
0x9c: {  	s7 =	simm.s32 $0x0;
	s20 =	sshll.u32 s5, $0x1;
	s5 =	sadd.s32 s21, s3  }
0x9d: {  	[timem:s7], [sflag:s22] =	dma.local [hbm:s5], s20  }
0x9e: {  	_ =	swait.ge [sflag:s22], s20  }
0x9f: {  	s4 =	ssub.s32 $0x0, s20;
	[sflag:s22] =	ssyncset.done $0x0  }
0xa0: {  	[sflag:s22] =	ssyncadd.s32 s4;
	_ =	sdelay $0x1  }
0xa1: {  	s23 =	simm.s32 $0x1B8B  }
0xa2: {  	_ =	swait.ge [sflag:s23], $0x1  }
0xa3: {  	[sflag:s23] =	ssyncset.done $0x0  }
0xa4: {  	s25 =	simm.s32 $0x1B8E;
	s24 =	sld [smem:$0x3FFE];
	[sflag:s23] =	ssyncadd.s32 $0xFFFFFFFF  }
0xa5: {  	s26 =	simm.s32 $execute0_lowered;
	[smem:$0x3FD2] =	sst s25  }
0xa6: {  	s5 =	sshll.u32 s26, $0x1;
	_ =	strace $0x80000046;
	[dreg:$0x1] =	wrdreg $0xFFFFFFFF  }
0xa7: {  	s28 =	simm.s32 $_size_execute0_lowered;
	s3 =	sadd.s32 s3, s5;
	[dreg:$0x0] =	wrdreg $0x0  }
0xa8: {  	s5 =	sshll.u32 s28, $0x1;
	[dreg:$0x2] =	wrdreg s3  }
0xa9: {  	[dreg:$0x3] =	wrdreg s5  }
0xaa: {  	[dreg:$0x4] =	wrdreg $0xC0  }
0xab: {  	_ =	task [dreg:s7], $0x5FFFF  }
0xac: {  	[dreg:$0x1] =	wrdreg $0xFFFFFFFF  }
0xad: {  	[dreg:$0x0] =	wrdreg $0x60  }
0xae: {  	[dreg:$0x2] =	wrdreg s24  }
0xaf: {  	[dreg:$0x3] =	wrdreg s2  }
0xb0: {  	[dreg:$0x4] =	wrdreg $0x9  }
0xb1: {  	_ =	task.clear_ibuf [dreg:s7], $0x5FFFF;
	_ =	strace $0x90000046  }
0xb2: {  	s29 =	simm.s32 $0x9;
	_ =	strace $0x80000048  }
0xb3: {  	_ =	swait.ge [sflag:s29], $0x1  }
0xb4: {  	[sflag:s29] =	ssyncadd.s32 $0xFFFFFFFF  }
0xb5: {  	_ =	strace $0x90000048  }
0xb6: {  	_ =	sfence  }
0xb7: {  	s30 =	sld [smem:$0x0];
	_ =	sdelay $0x2  }
0xb8: {  	s31 =	sshll.u32 s1, $0xD;
	s1 =	sshrl.u32 s1, $0x2  }
0xb9: {  	s3 =	sand.u32 $0x4000, s31;
	s1 =	sadd.s32 s1, s30  }
0xba: {  	s0 =	sor.u32 s3, s0;
	s1 =	sshll.u32 s1, $0x11  }
0xbb: {  	s0 =	sor.u32 s1, s0  }
0xbc: {  	s0 =	sadd.s32 $0x8F2B, s0  }
0xbd: {  	[sflag:s0] =	ssyncadd.remote.s32 $0x1  }
0xbe: {  	_ =	sfence.sel $0xFFFF  }
0xbf: {  	[dreg:$0x0] =	wrdreg $0xFFFFFFFF;
	(pc) =	sbr.abs _section_cstart, $3  }
0xc0: {  	[dreg:$0x1] =	wrdreg $0xFFFFFFFF  }
0xc1: {  	_ =	task.clear_ibuf [dreg:s7], $0x2FFFF;
	_ =	strace $0x9FFFFFFF  }
0xc2: {  	(tm) =	ssettm $0x7FFFFFFF  }
0xc3: {  	_ =	shalt  }
tec
execute0_lowered:
.L_overlay_start_1:
0x0: {  	(tag) =	ssettag $0x1  }
0x1: {  	s2 =	rddreg [dreg:$0x0]  }
0x2: {  	s13 =	rddreg [dreg:$0x1];
	s0 =	srdreg.scid  }
0x3: {  	s1 =	stileid.u32;
	s3 =	simm.s32 $0x0;
	s28 =	simm.s32 $0x80  }
0x4: {  	s29 =	simm.s32 $0x100;
	s30 =	simm.s32 $0x4100;
	s31 =	simm.s32 $0x1  }
0x5: {  	s4 =	sand.u32 $0x1, s0;
	s19 =	sshll.u32 s1, $0x1;
	[smem:$0x7FF] =	sst s3  }
0x6: {  	s0 =	sadd.s32 $0x40000, s2;
	s1 =	sshll.u32 s1, $0xA;
	s5 =	sor.u32 s4, s19  }
0x7: {  	_ =	strace $0x80000047;
	s4 =	ssub.s32 $0x2, s4;
	s1 =	sand.u32 $0x3000, s1  }
0x8: {  	s6 =	sshll.u32 s5, $0x8;
	s11 =	sshll.u32 s5, $0xB;
	s5 =	sshll.u32 s5, $0xF  }
0x9: {  	s26 =	sshrl.u32 s4, $0x1;
	s6 =	sadd.s32 s13, s6;
	s7 =	sor.u32 $0x80, s11  }
0xa: {  	s8 =	sor.u32 $0x100, s11;
	s5 =	sadd.s32 s0, s5;
	s25 =	sor.u32 $0x180, s11  }
0xb: {  	s9 =	sor.u32 $0x200, s11;
	[dreg:$0x3] =	wrdreg s6;
	s20 =	sshrl.u32 s7, $0x3  }
0xc: {  	s21 =	sshrl.u32 s8, $0x3;
	[dreg:$0x5] =	wrdreg s5;
	s23 =	sshll.u32 s7, $0x4  }
0xd: {  	s10 =	sshrl.u32 s25, $0x3;
	s8 =	sshll.u32 s8, $0x4;
	s6 =	sadd.s32 s13, s20  }
0xe: {  	s14 =	sshrl.u32 s9, $0x3;
	s22 =	sadd.s32 s13, s21;
	[dreg:$0x4] =	wrdreg s6  }
0xf: {  	s18 =	sshll.u32 s9, $0x4;
	s24 =	sadd.s32 s0, s23;
	[dreg:$0x6] =	wrdreg s22  }
0x10: {  	s5 =	sadd.s32 s13, s10;
	s12 =	sadd.s32 s0, s8;
	[dreg:$0x7] =	wrdreg s24  }
0x11: {  	s15 =	sadd.s32 s13, s14;
	s14 =	sor.u32 $0x280, s11;
	[dreg:$0x8] =	wrdreg s5  }
0x12: {  	s19 =	sadd.s32 s0, s18;
	s18 =	sor.u32 $0x480, s11;
	[dreg:$0x9] =	wrdreg s12  }
0x13: {  	s6 =	sshll.u32 s25, $0x4;
	[dreg:$0xa] =	wrdreg s15;
	s25 =	ssub.s32 s4, s26  }
0x14: {  	s17 =	sshrl.u32 s14, $0x3;
	s15 =	sor.u32 $0x300, s11;
	[dreg:$0xd] =	wrdreg s19  }
0x15: {  	s23 =	sshrl.u32 s18, $0x3;
	s19 =	sor.u32 $0x500, s11;
	s14 =	sshll.u32 s14, $0x4  }
0x16: {  	s18 =	sshll.u32 s18, $0x4;
	s16 =	sadd.s32 s0, s6;
	s4 =	sadd.s32 s13, s17  }
0x17: {  	s20 =	sshrl.u32 s15, $0x3;
	s17 =	sor.u32 $0x400, s11;
	s7 =	sadd.s32 s13, s23  }
0x18: {  	s24 =	sshrl.u32 s19, $0x3;
	s23 =	sor.u32 $0x700, s11;
	s14 =	sadd.s32 s0, s14  }
0x19: {  	s15 =	sshll.u32 s15, $0x4;
	s19 =	sshll.u32 s19, $0x4;
	[dreg:$0xb] =	wrdreg s16  }
0x1a: {  	s18 =	sadd.s32 s0, s18;
	s25 =	smax.u32 s25, $0x1;
	[dreg:$0xc] =	wrdreg s4  }
0x1b: {  	s4 =	sadd.s32 s13, s20;
	s16 =	sor.u32 $0x380, s11;
	s22 =	sshrl.u32 s17, $0x3  }
0x1c: {  	s20 =	sor.u32 $0x580, s11;
	s8 =	sadd.s32 s13, s24;
	s24 =	sor.u32 $0x780, s11  }
0x1d: {  	s15 =	sadd.s32 s0, s15;
	s17 =	sshll.u32 s17, $0x4;
	s19 =	sadd.s32 s0, s19  }
0x1e: {  	s21 =	sshrl.u32 s16, $0x3;
	s6 =	sadd.s32 s13, s22;
	s26 =	sshrl.u32 s20, $0x3  }
0x1f: {  	s22 =	sor.u32 $0x680, s11;
	s16 =	sshll.u32 s16, $0x4;
	s17 =	sadd.s32 s0, s17  }
0x20: {  	s20 =	sshll.u32 s20, $0x4;
	s5 =	sadd.s32 s13, s21;
	s21 =	sor.u32 $0x600, s11  }
0x21: {  	s9 =	sadd.s32 s13, s26;
	s12 =	sshrl.u32 s22, $0x3;
	s26 =	sshrl.u32 s24, $0x3  }
0x22: {  	s16 =	sadd.s32 s0, s16;
	s20 =	sadd.s32 s0, s20;
	s22 =	sshll.u32 s22, $0x4  }
0x23: {  	s24 =	sshll.u32 s24, $0x4;
	s10 =	sshrl.u32 s21, $0x3;
	s11 =	sadd.s32 s13, s12  }
0x24: {  	s12 =	sshrl.u32 s23, $0x3;
	s21 =	sshll.u32 s21, $0x4;
	s22 =	sadd.s32 s0, s22  }
0x25: {  	s23 =	sshll.u32 s23, $0x4;
	s24 =	sadd.s32 s0, s24;
	s10 =	sadd.s32 s13, s10  }
0x26: {  	s12 =	sadd.s32 s13, s12;
	s13 =	sadd.s32 s13, s26;
	s21 =	sadd.s32 s0, s21  }
0x27: {  	v0 =	vmov s1;
	s23 =	sadd.s32 s0, s23;
	s26 =	simm.s32 $0x3;
	s0 =	simm.s32 $0x2  }
.LBB2_1:
0x28: {  	s1 =	rddreg [dreg:$0x3]  }
0x29: {  	[tilespmem:s3], [sflag:$0x3] =	stream.linear.gather [hbm4b:s1+s3], $0x80, $0x38;
	[tilespmem:$0x8100] =	vst v63  }
0x2a: {  	_ =	swait.ge [sflag:s26], $0x80  }
0x2b: {  	[sflag:s26] =	ssyncset.done $0x0  }
0x2c: {  	[sflag:s26] =	ssyncadd.s32 $0xFFFFFF80  }
0x2d: {  	v1 =	vld [tilespmem:$0x0]  }
0x2e: {  	v2 =	vld [tilespmem:$0x10]  }
0x2f: {  	v3 =	vld [tilespmem:$0x20]  }
0x30: {  	v4 =	vld [tilespmem:$0x30]  }
0x31: {  	v5 =	vld [tilespmem:$0x40]  }
0x32: {  	v6 =	vld [tilespmem:$0x50];
	v1 =	vadd.s32 v0, v1  }
0x33: {  	[tilespmem:$0x0] =	vst v1;
	v1 =	vadd.s32 v0, v2;
	v2 =	vld [tilespmem:$0x60]  }
0x34: {  	[tilespmem:$0x10] =	vst v1;
	v1 =	vadd.s32 v0, v3;
	v3 =	vld [tilespmem:$0x70]  }
0x35: {  	[tilespmem:$0x20] =	vst v1;
	v1 =	vadd.s32 v0, v4  }
0x36: {  	[tilespmem:$0x30] =	vst v1;
	v1 =	vadd.s32 v0, v5  }
0x37: {  	[tilespmem:$0x40] =	vst v1;
	v1 =	vadd.s32 v0, v6  }
0x38: {  	[tilespmem:$0x50] =	vst v1;
	v1 =	vadd.s32 v0, v2  }
0x39: {  	[tilespmem:$0x60] =	vst v1;
	v1 =	vadd.s32 v0, v3  }
0x3a: {  	[tilespmem:$0x70] =	vst v1  }
0x3b: {  	[tilespmem:s29], [sflag:$0x1] =	stream.indirect.gather [hbm4b:s2+s28], $0x80, s3, s28, $0xb8;
	[tilespmem:$0x8100] =	vst v63  }
0x3c: {  	s1 =	rddreg [dreg:$0x4]  }
0x3d: {  	[tilespmem:s28], [sflag:$0x3] =	stream.linear.gather [hbm4b:s1+s3], $0x80, $0x38;
	[tilespmem:$0x8100] =	vst v63  }
0x3e: {  	_ =	swait.ge [sflag:s26], $0x80  }
0x3f: {  	[sflag:s26] =	ssyncset.done $0x0  }
0x40: {  	[sflag:s26] =	ssyncadd.s32 $0xFFFFFF80  }
0x41: {  	v1 =	vld [tilespmem:$0x80]  }
0x42: {  	v2 =	vld [tilespmem:$0x90]  }
0x43: {  	v3 =	vld [tilespmem:$0xA0]  }
0x44: {  	v19 =	vld [tilespmem:$0xB0]  }
0x45: {  	v20 =	vld [tilespmem:$0xC0]  }
0x46: {  	v21 =	vld [tilespmem:$0xD0];
	v1 =	vadd.s32 v0, v1  }
0x47: {  	[tilespmem:$0x80] =	vst v1;
	v1 =	vadd.s32 v0, v2;
	v2 =	vld [tilespmem:$0xE0]  }
0x48: {  	[tilespmem:$0x90] =	vst v1;
	v1 =	vadd.s32 v0, v3;
	v3 =	vld [tilespmem:$0xF0]  }
0x49: {  	[tilespmem:$0xA0] =	vst v1;
	v1 =	vadd.s32 v0, v19  }
0x4a: {  	[tilespmem:$0xB0] =	vst v1;
	v1 =	vadd.s32 v0, v20  }
0x4b: {  	[tilespmem:$0xC0] =	vst v1;
	v1 =	vadd.s32 v0, v21  }
0x4c: {  	[tilespmem:$0xD0] =	vst v1;
	v1 =	vadd.s32 v0, v2  }
0x4d: {  	[tilespmem:$0xE0] =	vst v1;
	v1 =	vadd.s32 v0, v3  }
0x4e: {  	[tilespmem:$0xF0] =	vst v1  }
0x4f: {  	[tilespmem:s30], [sflag:$0x2] =	stream.indirect.gather [hbm4b:s2+s28], $0x80, s28, s28, $0xb8;
	[tilespmem:$0x8100] =	vst v63  }
0x50: {  	_ =	swait.ge [sflag:s31], $0x4000  }
0x51: {  	[sflag:s31] =	ssyncset.done $0x0  }
0x52: {  	s1 =	rddreg [dreg:$0x5];
	[sflag:s31] =	ssyncadd.s32 $0xFFFFC000  }
0x53: {  	[hbm4b:s1+s3] =	stream.linear.scatter [tilespmem:s29], [sflag:$0x3], $0x4000, $0x38;
	[tilespmem:$0x8100] =	vst v63  }
0x54: {  	_ =	swait.ge [sflag:s26], $0x4000  }
0x55: {  	[sflag:s26] =	ssyncset.done $0x0  }
0x56: {  	s1 =	rddreg [dreg:$0x6];
	[sflag:s26] =	ssyncadd.s32 $0xFFFFC000  }
0x57: {  	[tilespmem:s3], [sflag:$0x3] =	stream.linear.gather [hbm4b:s1+s3], $0x80, $0x38;
	[tilespmem:$0x8100] =	vst v63  }
0x58: {  	_ =	swait.ge [sflag:s26], $0x80  }
0x59: {  	[sflag:s26] =	ssyncset.done $0x0  }
0x5a: {  	[sflag:s26] =	ssyncadd.s32 $0xFFFFFF80  }
0x5b: {  	v1 =	vld [tilespmem:$0x0]  }
0x5c: {  	v2 =	vld [tilespmem:$0x10]  }
0x5d: {  	v3 =	vld [tilespmem:$0x20]  }
0x5e: {  	v22 =	vld [tilespmem:$0x30]  }
0x5f: {  	v23 =	vld [tilespmem:$0x40]  }
0x60: {  	v24 =	vld [tilespmem:$0x50];
	v1 =	vadd.s32 v0, v1  }
0x61: {  	[tilespmem:$0x0] =	vst v1;
	v1 =	vadd.s32 v0, v2;
	v2 =	vld [tilespmem:$0x60]  }
0x62: {  	[tilespmem:$0x10] =	vst v1;
	v1 =	vadd.s32 v0, v3;
	v3 =	vld [tilespmem:$0x70]  }
0x63: {  	[tilespmem:$0x20] =	vst v1;
	v1 =	vadd.s32 v0, v22  }
0x64: {  	[tilespmem:$0x30] =	vst v1;
	v1 =	vadd.s32 v0, v23  }
0x65: {  	[tilespmem:$0x40] =	vst v1;
	v1 =	vadd.s32 v0, v24  }
0x66: {  	[tilespmem:$0x50] =	vst v1;
	v1 =	vadd.s32 v0, v2  }
0x67: {  	[tilespmem:$0x60] =	vst v1;
	v1 =	vadd.s32 v0, v3  }
0x68: {  	[tilespmem:$0x70] =	vst v1  }
0x69: {  	[tilespmem:s29], [sflag:$0x1] =	stream.indirect.gather [hbm4b:s2+s28], $0x80, s3, s28, $0xb8;
	[tilespmem:$0x8100] =	vst v63  }
0x6a: {  	_ =	swait.ge [sflag:s0], $0x4000  }
0x6b: {  	[sflag:s0] =	ssyncset.done $0x0  }
0x6c: {  	s1 =	rddreg [dreg:$0x7];
	[sflag:s0] =	ssyncadd.s32 $0xFFFFC000  }
0x6d: {  	[hbm4b:s1+s3] =	stream.linear.scatter [tilespmem:s30], [sflag:$0x3], $0x4000, $0x38;
	[tilespmem:$0x8100] =	vst v63  }
0x6e: {  	_ =	swait.ge [sflag:s26], $0x4000  }
0x6f: {  	[sflag:s26] =	ssyncset.done $0x0  }
0x70: {  	s1 =	rddreg [dreg:$0x8];
	[sflag:s26] =	ssyncadd.s32 $0xFFFFC000  }
0x71: {  	[tilespmem:s28], [sflag:$0x3] =	stream.linear.gather [hbm4b:s1+s3], $0x80, $0x38;
	[tilespmem:$0x8100] =	vst v63  }
0x72: {  	_ =	swait.ge [sflag:s26], $0x80  }
0x73: {  	[sflag:s26] =	ssyncset.done $0x0  }
0x74: {  	[sflag:s26] =	ssyncadd.s32 $0xFFFFFF80  }
0x75: {  	v1 =	vld [tilespmem:$0x80]  }
0x76: {  	v2 =	vld [tilespmem:$0x90]  }
0x77: {  	v3 =	vld [tilespmem:$0xA0]  }
0x78: {  	v25 =	vld [tilespmem:$0xB0]  }
0x79: {  	v26 =	vld [tilespmem:$0xC0]  }
0x7a: {  	v27 =	vld [tilespmem:$0xD0];
	v1 =	vadd.s32 v0, v1  }
0x7b: {  	[tilespmem:$0x80] =	vst v1;
	v1 =	vadd.s32 v0, v2;
	v2 =	vld [tilespmem:$0xE0]  }
0x7c: {  	[tilespmem:$0x90] =	vst v1;
	v1 =	vadd.s32 v0, v3;
	v3 =	vld [tilespmem:$0xF0]  }
0x7d: {  	[tilespmem:$0xA0] =	vst v1;
	v1 =	vadd.s32 v0, v25  }
0x7e: {  	[tilespmem:$0xB0] =	vst v1;
	v1 =	vadd.s32 v0, v26  }
0x7f: {  	[tilespmem:$0xC0] =	vst v1;
	v1 =	vadd.s32 v0, v27  }
0x80: {  	[tilespmem:$0xD0] =	vst v1;
	v1 =	vadd.s32 v0, v2  }
0x81: {  	[tilespmem:$0xE0] =	vst v1;
	v1 =	vadd.s32 v0, v3  }
0x82: {  	[tilespmem:$0xF0] =	vst v1  }
0x83: {  	[tilespmem:s30], [sflag:$0x2] =	stream.indirect.gather [hbm4b:s2+s28], $0x80, s28, s28, $0xb8;
	[tilespmem:$0x8100] =	vst v63  }
0x84: {  	_ =	swait.ge [sflag:s31], $0x4000  }
0x85: {  	[sflag:s31] =	ssyncset.done $0x0  }
0x86: {  	s1 =	rddreg [dreg:$0x9];
	[sflag:s31] =	ssyncadd.s32 $0xFFFFC000  }
0x87: {  	[hbm4b:s1+s3] =	stream.linear.scatter [tilespmem:s29], [sflag:$0x3], $0x4000, $0x38;
	[tilespmem:$0x8100] =	vst v63  }
0x88: {  	_ =	swait.ge [sflag:s26], $0x4000  }
0x89: {  	[sflag:s26] =	ssyncset.done $0x0  }
0x8a: {  	s1 =	rddreg [dreg:$0xa];
	[sflag:s26] =	ssyncadd.s32 $0xFFFFC000  }
0x8b: {  	[tilespmem:s3], [sflag:$0x3] =	stream.linear.gather [hbm4b:s1+s3], $0x80, $0x38;
	[tilespmem:$0x8100] =	vst v63  }
0x8c: {  	_ =	swait.ge [sflag:s26], $0x80  }
0x8d: {  	[sflag:s26] =	ssyncset.done $0x0  }
0x8e: {  	[sflag:s26] =	ssyncadd.s32 $0xFFFFFF80  }
0x8f: {  	v1 =	vld [tilespmem:$0x0]  }
0x90: {  	v2 =	vld [tilespmem:$0x10]  }
0x91: {  	v3 =	vld [tilespmem:$0x20]  }
0x92: {  	v28 =	vld [tilespmem:$0x30]  }
0x93: {  	v29 =	vld [tilespmem:$0x40]  }
0x94: {  	v30 =	vld [tilespmem:$0x50];
	v1 =	vadd.s32 v0, v1  }
0x95: {  	[tilespmem:$0x0] =	vst v1;
	v1 =	vadd.s32 v0, v2;
	v2 =	vld [tilespmem:$0x60]  }
0x96: {  	[tilespmem:$0x10] =	vst v1;
	v1 =	vadd.s32 v0, v3;
	v3 =	vld [tilespmem:$0x70]  }
0x97: {  	[tilespmem:$0x20] =	vst v1;
	v1 =	vadd.s32 v0, v28  }
0x98: {  	[tilespmem:$0x30] =	vst v1;
	v1 =	vadd.s32 v0, v29  }
0x99: {  	[tilespmem:$0x40] =	vst v1;
	v1 =	vadd.s32 v0, v30  }
0x9a: {  	[tilespmem:$0x50] =	vst v1;
	v1 =	vadd.s32 v0, v2  }
0x9b: {  	[tilespmem:$0x60] =	vst v1;
	v1 =	vadd.s32 v0, v3  }
0x9c: {  	[tilespmem:$0x70] =	vst v1  }
0x9d: {  	[tilespmem:s29], [sflag:$0x1] =	stream.indirect.gather [hbm4b:s2+s28], $0x80, s3, s28, $0xb8;
	[tilespmem:$0x8100] =	vst v63  }
0x9e: {  	_ =	swait.ge [sflag:s0], $0x4000  }
0x9f: {  	[sflag:s0] =	ssyncset.done $0x0  }
0xa0: {  	s1 =	rddreg [dreg:$0xb];
	[sflag:s0] =	ssyncadd.s32 $0xFFFFC000  }
0xa1: {  	[hbm4b:s1+s3] =	stream.linear.scatter [tilespmem:s30], [sflag:$0x3], $0x4000, $0x38;
	[tilespmem:$0x8100] =	vst v63  }
0xa2: {  	_ =	swait.ge [sflag:s26], $0x4000  }
0xa3: {  	[sflag:s26] =	ssyncset.done $0x0  }
0xa4: {  	s1 =	rddreg [dreg:$0xc];
	[sflag:s26] =	ssyncadd.s32 $0xFFFFC000  }
0xa5: {  	[tilespmem:s28], [sflag:$0x3] =	stream.linear.gather [hbm4b:s1+s3], $0x80, $0x38;
	[tilespmem:$0x8100] =	vst v63  }
0xa6: {  	_ =	swait.ge [sflag:s26], $0x80  }
0xa7: {  	[sflag:s26] =	ssyncset.done $0x0  }
0xa8: {  	[sflag:s26] =	ssyncadd.s32 $0xFFFFFF80  }
0xa9: {  	v1 =	vld [tilespmem:$0x80]  }
0xaa: {  	v2 =	vld [tilespmem:$0x90]  }
0xab: {  	v3 =	vld [tilespmem:$0xA0]  }
0xac: {  	v31 =	vld [tilespmem:$0xB0]  }
0xad: {  	v32 =	vld [tilespmem:$0xC0]  }
0xae: {  	v33 =	vld [tilespmem:$0xD0];
	v1 =	vadd.s32 v0, v1  }
0xaf: {  	[tilespmem:$0x80] =	vst v1;
	v1 =	vadd.s32 v0, v2;
	v2 =	vld [tilespmem:$0xE0]  }
0xb0: {  	[tilespmem:$0x90] =	vst v1;
	v1 =	vadd.s32 v0, v3;
	v3 =	vld [tilespmem:$0xF0]  }
0xb1: {  	[tilespmem:$0xA0] =	vst v1;
	v1 =	vadd.s32 v0, v31  }
0xb2: {  	[tilespmem:$0xB0] =	vst v1;
	v1 =	vadd.s32 v0, v32  }
0xb3: {  	[tilespmem:$0xC0] =	vst v1;
	v1 =	vadd.s32 v0, v33  }
0xb4: {  	[tilespmem:$0xD0] =	vst v1;
	v1 =	vadd.s32 v0, v2  }
0xb5: {  	[tilespmem:$0xE0] =	vst v1;
	v1 =	vadd.s32 v0, v3  }
0xb6: {  	[tilespmem:$0xF0] =	vst v1  }
0xb7: {  	[tilespmem:s30], [sflag:$0x2] =	stream.indirect.gather [hbm4b:s2+s28], $0x80, s28, s28, $0xb8;
	[tilespmem:$0x8100] =	vst v63  }
0xb8: {  	_ =	swait.ge [sflag:s31], $0x4000  }
0xb9: {  	[sflag:s31] =	ssyncset.done $0x0  }
0xba: {  	s1 =	rddreg [dreg:$0xd];
	[sflag:s31] =	ssyncadd.s32 $0xFFFFC000  }
0xbb: {  	[hbm4b:s1+s3] =	stream.linear.scatter [tilespmem:s29], [sflag:$0x3], $0x4000, $0x38;
	[tilespmem:$0x8100] =	vst v63  }
0xbc: {  	_ =	swait.ge [sflag:s26], $0x4000  }
0xbd: {  	[sflag:s26] =	ssyncset.done $0x0  }
0xbe: {  	[sflag:s26] =	ssyncadd.s32 $0xFFFFC000  }
0xbf: {  	[tilespmem:s3], [sflag:$0x3] =	stream.linear.gather [hbm4b:s4+s3], $0x80, $0x38;
	[tilespmem:$0x8100] =	vst v63  }
0xc0: {  	_ =	swait.ge [sflag:s26], $0x80  }
0xc1: {  	[sflag:s26] =	ssyncset.done $0x0  }
0xc2: {  	[sflag:s26] =	ssyncadd.s32 $0xFFFFFF80  }
0xc3: {  	v1 =	vld [tilespmem:$0x0]  }
0xc4: {  	v2 =	vld [tilespmem:$0x10]  }
0xc5: {  	v3 =	vld [tilespmem:$0x20]  }
0xc6: {  	v34 =	vld [tilespmem:$0x30]  }
0xc7: {  	v35 =	vld [tilespmem:$0x40]  }
0xc8: {  	v36 =	vld [tilespmem:$0x50];
	v1 =	vadd.s32 v0, v1  }
0xc9: {  	[tilespmem:$0x0] =	vst v1;
	v1 =	vadd.s32 v0, v2;
	v2 =	vld [tilespmem:$0x60]  }
0xca: {  	[tilespmem:$0x10] =	vst v1;
	v1 =	vadd.s32 v0, v3;
	v3 =	vld [tilespmem:$0x70]  }
0xcb: {  	[tilespmem:$0x20] =	vst v1;
	v1 =	vadd.s32 v0, v34  }
0xcc: {  	[tilespmem:$0x30] =	vst v1;
	v1 =	vadd.s32 v0, v35  }
0xcd: {  	[tilespmem:$0x40] =	vst v1;
	v1 =	vadd.s32 v0, v36  }
0xce: {  	[tilespmem:$0x50] =	vst v1;
	v1 =	vadd.s32 v0, v2  }
0xcf: {  	[tilespmem:$0x60] =	vst v1;
	v1 =	vadd.s32 v0, v3  }
0xd0: {  	[tilespmem:$0x70] =	vst v1  }
0xd1: {  	[tilespmem:s29], [sflag:$0x1] =	stream.indirect.gather [hbm4b:s2+s28], $0x80, s3, s28, $0xb8;
	[tilespmem:$0x8100] =	vst v63  }
0xd2: {  	_ =	swait.ge [sflag:s0], $0x4000  }
0xd3: {  	[sflag:s0] =	ssyncset.done $0x0  }
0xd4: {  	[sflag:s0] =	ssyncadd.s32 $0xFFFFC000  }
0xd5: {  	[hbm4b:s14+s3] =	stream.linear.scatter [tilespmem:s30], [sflag:$0x3], $0x4000, $0x38;
	[tilespmem:$0x8100] =	vst v63  }
0xd6: {  	_ =	swait.ge [sflag:s26], $0x4000  }
0xd7: {  	[sflag:s26] =	ssyncset.done $0x0  }
0xd8: {  	[sflag:s26] =	ssyncadd.s32 $0xFFFFC000  }
0xd9: {  	[tilespmem:s28], [sflag:$0x3] =	stream.linear.gather [hbm4b:s5+s3], $0x80, $0x38;
	[tilespmem:$0x8100] =	vst v63  }
0xda: {  	_ =	swait.ge [sflag:s26], $0x80  }
0xdb: {  	[sflag:s26] =	ssyncset.done $0x0  }
0xdc: {  	[sflag:s26] =	ssyncadd.s32 $0xFFFFFF80  }
0xdd: {  	v1 =	vld [tilespmem:$0x80]  }
0xde: {  	v2 =	vld [tilespmem:$0x90]  }
0xdf: {  	v3 =	vld [tilespmem:$0xA0]  }
0xe0: {  	v37 =	vld [tilespmem:$0xB0]  }
0xe1: {  	v38 =	vld [tilespmem:$0xC0]  }
0xe2: {  	v39 =	vld [tilespmem:$0xD0];
	v1 =	vadd.s32 v0, v1  }
0xe3: {  	[tilespmem:$0x80] =	vst v1;
	v1 =	vadd.s32 v0, v2;
	v2 =	vld [tilespmem:$0xE0]  }
0xe4: {  	[tilespmem:$0x90] =	vst v1;
	v1 =	vadd.s32 v0, v3;
	v3 =	vld [tilespmem:$0xF0]  }
0xe5: {  	[tilespmem:$0xA0] =	vst v1;
	v1 =	vadd.s32 v0, v37  }
0xe6: {  	[tilespmem:$0xB0] =	vst v1;
	v1 =	vadd.s32 v0, v38  }
0xe7: {  	[tilespmem:$0xC0] =	vst v1;
	v1 =	vadd.s32 v0, v39  }
0xe8: {  	[tilespmem:$0xD0] =	vst v1;
	v1 =	vadd.s32 v0, v2  }
0xe9: {  	[tilespmem:$0xE0] =	vst v1;
	v1 =	vadd.s32 v0, v3  }
0xea: {  	[tilespmem:$0xF0] =	vst v1  }
0xeb: {  	[tilespmem:s30], [sflag:$0x2] =	stream.indirect.gather [hbm4b:s2+s28], $0x80, s28, s28, $0xb8;
	[tilespmem:$0x8100] =	vst v63  }
0xec: {  	_ =	swait.ge [sflag:s31], $0x4000  }
0xed: {  	[sflag:s31] =	ssyncset.done $0x0  }
0xee: {  	[sflag:s31] =	ssyncadd.s32 $0xFFFFC000  }
0xef: {  	[hbm4b:s15+s3] =	stream.linear.scatter [tilespmem:s29], [sflag:$0x3], $0x4000, $0x38;
	[tilespmem:$0x8100] =	vst v63  }
0xf0: {  	_ =	swait.ge [sflag:s26], $0x4000  }
0xf1: {  	[sflag:s26] =	ssyncset.done $0x0  }
0xf2: {  	[sflag:s26] =	ssyncadd.s32 $0xFFFFC000  }
0xf3: {  	[tilespmem:s3], [sflag:$0x3] =	stream.linear.gather [hbm4b:s6+s3], $0x80, $0x38;
	[tilespmem:$0x8100] =	vst v63  }
0xf4: {  	_ =	swait.ge [sflag:s26], $0x80  }
0xf5: {  	[sflag:s26] =	ssyncset.done $0x0  }
0xf6: {  	[sflag:s26] =	ssyncadd.s32 $0xFFFFFF80  }
0xf7: {  	v1 =	vld [tilespmem:$0x0]  }
0xf8: {  	v2 =	vld [tilespmem:$0x10]  }
0xf9: {  	v3 =	vld [tilespmem:$0x20]  }
0xfa: {  	v40 =	vld [tilespmem:$0x30]  }
0xfb: {  	v41 =	vld [tilespmem:$0x40]  }
0xfc: {  	v42 =	vld [tilespmem:$0x50];
	v1 =	vadd.s32 v0, v1  }
0xfd: {  	[tilespmem:$0x0] =	vst v1;
	v1 =	vadd.s32 v0, v2;
	v2 =	vld [tilespmem:$0x60]  }
0xfe: {  	[tilespmem:$0x10] =	vst v1;
	v1 =	vadd.s32 v0, v3;
	v3 =	vld [tilespmem:$0x70]  }
0xff: {  	[tilespmem:$0x20] =	vst v1;
	v1 =	vadd.s32 v0, v40  }
0x100: {  	[tilespmem:$0x30] =	vst v1;
	v1 =	vadd.s32 v0, v41  }
0x101: {  	[tilespmem:$0x40] =	vst v1;
	v1 =	vadd.s32 v0, v42  }
0x102: {  	[tilespmem:$0x50] =	vst v1;
	v1 =	vadd.s32 v0, v2  }
0x103: {  	[tilespmem:$0x60] =	vst v1;
	v1 =	vadd.s32 v0, v3  }
0x104: {  	[tilespmem:$0x70] =	vst v1  }
0x105: {  	[tilespmem:s29], [sflag:$0x1] =	stream.indirect.gather [hbm4b:s2+s28], $0x80, s3, s28, $0xb8;
	[tilespmem:$0x8100] =	vst v63  }
0x106: {  	_ =	swait.ge [sflag:s0], $0x4000  }
0x107: {  	[sflag:s0] =	ssyncset.done $0x0  }
0x108: {  	[sflag:s0] =	ssyncadd.s32 $0xFFFFC000  }
0x109: {  	[hbm4b:s16+s3] =	stream.linear.scatter [tilespmem:s30], [sflag:$0x3], $0x4000, $0x38;
	[tilespmem:$0x8100] =	vst v63  }
0x10a: {  	_ =	swait.ge [sflag:s26], $0x4000  }
0x10b: {  	[sflag:s26] =	ssyncset.done $0x0  }
0x10c: {  	[sflag:s26] =	ssyncadd.s32 $0xFFFFC000  }
0x10d: {  	[tilespmem:s28], [sflag:$0x3] =	stream.linear.gather [hbm4b:s7+s3], $0x80, $0x38;
	[tilespmem:$0x8100] =	vst v63  }
0x10e: {  	_ =	swait.ge [sflag:s26], $0x80  }
0x10f: {  	[sflag:s26] =	ssyncset.done $0x0  }
0x110: {  	[sflag:s26] =	ssyncadd.s32 $0xFFFFFF80  }
0x111: {  	v1 =	vld [tilespmem:$0x80]  }
0x112: {  	v2 =	vld [tilespmem:$0x90]  }
0x113: {  	v3 =	vld [tilespmem:$0xA0]  }
0x114: {  	v43 =	vld [tilespmem:$0xB0]  }
0x115: {  	v44 =	vld [tilespmem:$0xC0]  }
0x116: {  	v45 =	vld [tilespmem:$0xD0];
	v1 =	vadd.s32 v0, v1  }
0x117: {  	[tilespmem:$0x80] =	vst v1;
	v1 =	vadd.s32 v0, v2;
	v2 =	vld [tilespmem:$0xE0]  }
0x118: {  	[tilespmem:$0x90] =	vst v1;
	v1 =	vadd.s32 v0, v3;
	v3 =	vld [tilespmem:$0xF0]  }
0x119: {  	[tilespmem:$0xA0] =	vst v1;
	v1 =	vadd.s32 v0, v43  }
0x11a: {  	[tilespmem:$0xB0] =	vst v1;
	v1 =	vadd.s32 v0, v44  }
0x11b: {  	[tilespmem:$0xC0] =	vst v1;
	v1 =	vadd.s32 v0, v45  }
0x11c: {  	[tilespmem:$0xD0] =	vst v1;
	v1 =	vadd.s32 v0, v2  }
0x11d: {  	[tilespmem:$0xE0] =	vst v1;
	v1 =	vadd.s32 v0, v3  }
0x11e: {  	[tilespmem:$0xF0] =	vst v1  }
0x11f: {  	[tilespmem:s30], [sflag:$0x2] =	stream.indirect.gather [hbm4b:s2+s28], $0x80, s28, s28, $0xb8;
	[tilespmem:$0x8100] =	vst v63  }
0x120: {  	_ =	swait.ge [sflag:s31], $0x4000  }
0x121: {  	[sflag:s31] =	ssyncset.done $0x0  }
0x122: {  	[sflag:s31] =	ssyncadd.s32 $0xFFFFC000  }
0x123: {  	[hbm4b:s17+s3] =	stream.linear.scatter [tilespmem:s29], [sflag:$0x3], $0x4000, $0x38;
	[tilespmem:$0x8100] =	vst v63  }
0x124: {  	_ =	swait.ge [sflag:s26], $0x4000  }
0x125: {  	[sflag:s26] =	ssyncset.done $0x0  }
0x126: {  	[sflag:s26] =	ssyncadd.s32 $0xFFFFC000  }
0x127: {  	[tilespmem:s3], [sflag:$0x3] =	stream.linear.gather [hbm4b:s8+s3], $0x80, $0x38;
	[tilespmem:$0x8100] =	vst v63  }
0x128: {  	_ =	swait.ge [sflag:s26], $0x80  }
0x129: {  	[sflag:s26] =	ssyncset.done $0x0  }
0x12a: {  	[sflag:s26] =	ssyncadd.s32 $0xFFFFFF80  }
0x12b: {  	v1 =	vld [tilespmem:$0x0]  }
0x12c: {  	v2 =	vld [tilespmem:$0x10]  }
0x12d: {  	v3 =	vld [tilespmem:$0x20]  }
0x12e: {  	v46 =	vld [tilespmem:$0x30]  }
0x12f: {  	v47 =	vld [tilespmem:$0x40]  }
0x130: {  	v48 =	vld [tilespmem:$0x50];
	v1 =	vadd.s32 v0, v1  }
0x131: {  	[tilespmem:$0x0] =	vst v1;
	v1 =	vadd.s32 v0, v2;
	v2 =	vld [tilespmem:$0x60]  }
0x132: {  	[tilespmem:$0x10] =	vst v1;
	v1 =	vadd.s32 v0, v3;
	v3 =	vld [tilespmem:$0x70]  }
0x133: {  	[tilespmem:$0x20] =	vst v1;
	v1 =	vadd.s32 v0, v46  }
0x134: {  	[tilespmem:$0x30] =	vst v1;
	v1 =	vadd.s32 v0, v47  }
0x135: {  	[tilespmem:$0x40] =	vst v1;
	v1 =	vadd.s32 v0, v48  }
0x136: {  	[tilespmem:$0x50] =	vst v1;
	v1 =	vadd.s32 v0, v2  }
0x137: {  	[tilespmem:$0x60] =	vst v1;
	v1 =	vadd.s32 v0, v3  }
0x138: {  	[tilespmem:$0x70] =	vst v1  }
0x139: {  	[tilespmem:s29], [sflag:$0x1] =	stream.indirect.gather [hbm4b:s2+s28], $0x80, s3, s28, $0xb8;
	[tilespmem:$0x8100] =	vst v63  }
0x13a: {  	_ =	swait.ge [sflag:s0], $0x4000  }
0x13b: {  	[sflag:s0] =	ssyncset.done $0x0  }
0x13c: {  	[sflag:s0] =	ssyncadd.s32 $0xFFFFC000  }
0x13d: {  	[hbm4b:s18+s3] =	stream.linear.scatter [tilespmem:s30], [sflag:$0x3], $0x4000, $0x38;
	[tilespmem:$0x8100] =	vst v63  }
0x13e: {  	_ =	swait.ge [sflag:s26], $0x4000  }
0x13f: {  	[sflag:s26] =	ssyncset.done $0x0  }
0x140: {  	[sflag:s26] =	ssyncadd.s32 $0xFFFFC000  }
0x141: {  	[tilespmem:s28], [sflag:$0x3] =	stream.linear.gather [hbm4b:s9+s3], $0x80, $0x38;
	[tilespmem:$0x8100] =	vst v63  }
0x142: {  	_ =	swait.ge [sflag:s26], $0x80  }
0x143: {  	[sflag:s26] =	ssyncset.done $0x0  }
0x144: {  	[sflag:s26] =	ssyncadd.s32 $0xFFFFFF80  }
0x145: {  	v1 =	vld [tilespmem:$0x80]  }
0x146: {  	v2 =	vld [tilespmem:$0x90]  }
0x147: {  	v3 =	vld [tilespmem:$0xA0]  }
0x148: {  	v49 =	vld [tilespmem:$0xB0]  }
0x149: {  	v50 =	vld [tilespmem:$0xC0]  }
0x14a: {  	v51 =	vld [tilespmem:$0xD0];
	v1 =	vadd.s32 v0, v1  }
0x14b: {  	[tilespmem:$0x80] =	vst v1;
	v1 =	vadd.s32 v0, v2;
	v2 =	vld [tilespmem:$0xE0]  }
0x14c: {  	[tilespmem:$0x90] =	vst v1;
	v1 =	vadd.s32 v0, v3;
	v3 =	vld [tilespmem:$0xF0]  }
0x14d: {  	[tilespmem:$0xA0] =	vst v1;
	v1 =	vadd.s32 v0, v49  }
0x14e: {  	[tilespmem:$0xB0] =	vst v1;
	v1 =	vadd.s32 v0, v50  }
0x14f: {  	[tilespmem:$0xC0] =	vst v1;
	v1 =	vadd.s32 v0, v51  }
0x150: {  	[tilespmem:$0xD0] =	vst v1;
	v1 =	vadd.s32 v0, v2  }
0x151: {  	[tilespmem:$0xE0] =	vst v1;
	v1 =	vadd.s32 v0, v3  }
0x152: {  	[tilespmem:$0xF0] =	vst v1  }
0x153: {  	[tilespmem:s30], [sflag:$0x2] =	stream.indirect.gather [hbm4b:s2+s28], $0x80, s28, s28, $0xb8;
	[tilespmem:$0x8100] =	vst v63  }
0x154: {  	_ =	swait.ge [sflag:s31], $0x4000  }
0x155: {  	[sflag:s31] =	ssyncset.done $0x0  }
0x156: {  	[sflag:s31] =	ssyncadd.s32 $0xFFFFC000  }
0x157: {  	[hbm4b:s19+s3] =	stream.linear.scatter [tilespmem:s29], [sflag:$0x3], $0x4000, $0x38;
	[tilespmem:$0x8100] =	vst v63  }
0x158: {  	_ =	swait.ge [sflag:s26], $0x4000  }
0x159: {  	[sflag:s26] =	ssyncset.done $0x0  }
0x15a: {  	[sflag:s26] =	ssyncadd.s32 $0xFFFFC000  }
0x15b: {  	[tilespmem:s3], [sflag:$0x3] =	stream.linear.gather [hbm4b:s10+s3], $0x80, $0x38;
	[tilespmem:$0x8100] =	vst v63  }
0x15c: {  	_ =	swait.ge [sflag:s26], $0x80  }
0x15d: {  	[sflag:s26] =	ssyncset.done $0x0  }
0x15e: {  	[sflag:s26] =	ssyncadd.s32 $0xFFFFFF80  }
0x15f: {  	v1 =	vld [tilespmem:$0x0]  }
0x160: {  	v2 =	vld [tilespmem:$0x10]  }
0x161: {  	v3 =	vld [tilespmem:$0x20]  }
0x162: {  	v52 =	vld [tilespmem:$0x30]  }
0x163: {  	v53 =	vld [tilespmem:$0x40]  }
0x164: {  	v54 =	vld [tilespmem:$0x50];
	v1 =	vadd.s32 v0, v1  }
0x165: {  	[tilespmem:$0x0] =	vst v1;
	v1 =	vadd.s32 v0, v2;
	v2 =	vld [tilespmem:$0x60]  }
0x166: {  	[tilespmem:$0x10] =	vst v1;
	v1 =	vadd.s32 v0, v3;
	v3 =	vld [tilespmem:$0x70]  }
0x167: {  	[tilespmem:$0x20] =	vst v1;
	v1 =	vadd.s32 v0, v52  }
0x168: {  	[tilespmem:$0x30] =	vst v1;
	v1 =	vadd.s32 v0, v53  }
0x169: {  	[tilespmem:$0x40] =	vst v1;
	v1 =	vadd.s32 v0, v54  }
0x16a: {  	[tilespmem:$0x50] =	vst v1;
	v1 =	vadd.s32 v0, v2  }
0x16b: {  	[tilespmem:$0x60] =	vst v1;
	v1 =	vadd.s32 v0, v3  }
0x16c: {  	[tilespmem:$0x70] =	vst v1  }
0x16d: {  	[tilespmem:s29], [sflag:$0x1] =	stream.indirect.gather [hbm4b:s2+s28], $0x80, s3, s28, $0xb8;
	[tilespmem:$0x8100] =	vst v63  }
0x16e: {  	_ =	swait.ge [sflag:s0], $0x4000  }
0x16f: {  	[sflag:s0] =	ssyncset.done $0x0  }
0x170: {  	[sflag:s0] =	ssyncadd.s32 $0xFFFFC000  }
0x171: {  	[hbm4b:s20+s3] =	stream.linear.scatter [tilespmem:s30], [sflag:$0x3], $0x4000, $0x38;
	[tilespmem:$0x8100] =	vst v63  }
0x172: {  	_ =	swait.ge [sflag:s26], $0x4000  }
0x173: {  	[sflag:s26] =	ssyncset.done $0x0  }
0x174: {  	[sflag:s26] =	ssyncadd.s32 $0xFFFFC000  }
0x175: {  	[tilespmem:s28], [sflag:$0x3] =	stream.linear.gather [hbm4b:s11+s3], $0x80, $0x38;
	[tilespmem:$0x8100] =	vst v63  }
0x176: {  	_ =	swait.ge [sflag:s26], $0x80  }
0x177: {  	[sflag:s26] =	ssyncset.done $0x0  }
0x178: {  	[sflag:s26] =	ssyncadd.s32 $0xFFFFFF80  }
0x179: {  	v1 =	vld [tilespmem:$0x80]  }
0x17a: {  	v2 =	vld [tilespmem:$0x90]  }
0x17b: {  	v3 =	vld [tilespmem:$0xA0]  }
0x17c: {  	v55 =	vld [tilespmem:$0xB0]  }
0x17d: {  	v56 =	vld [tilespmem:$0xC0]  }
0x17e: {  	v57 =	vld [tilespmem:$0xD0];
	v1 =	vadd.s32 v0, v1  }
0x17f: {  	[tilespmem:$0x80] =	vst v1;
	v1 =	vadd.s32 v0, v2;
	v2 =	vld [tilespmem:$0xE0]  }
0x180: {  	[tilespmem:$0x90] =	vst v1;
	v1 =	vadd.s32 v0, v3;
	v3 =	vld [tilespmem:$0xF0]  }
0x181: {  	[tilespmem:$0xA0] =	vst v1;
	v1 =	vadd.s32 v0, v55  }
0x182: {  	[tilespmem:$0xB0] =	vst v1;
	v1 =	vadd.s32 v0, v56  }
0x183: {  	[tilespmem:$0xC0] =	vst v1;
	v1 =	vadd.s32 v0, v57  }
0x184: {  	[tilespmem:$0xD0] =	vst v1;
	v1 =	vadd.s32 v0, v2  }
0x185: {  	[tilespmem:$0xE0] =	vst v1;
	v1 =	vadd.s32 v0, v3  }
0x186: {  	[tilespmem:$0xF0] =	vst v1  }
0x187: {  	[tilespmem:s30], [sflag:$0x2] =	stream.indirect.gather [hbm4b:s2+s28], $0x80, s28, s28, $0xb8;
	[tilespmem:$0x8100] =	vst v63  }
0x188: {  	_ =	swait.ge [sflag:s31], $0x4000  }
0x189: {  	[sflag:s31] =	ssyncset.done $0x0  }
0x18a: {  	[sflag:s31] =	ssyncadd.s32 $0xFFFFC000  }
0x18b: {  	[hbm4b:s21+s3] =	stream.linear.scatter [tilespmem:s29], [sflag:$0x3], $0x4000, $0x38;
	[tilespmem:$0x8100] =	vst v63  }
0x18c: {  	_ =	swait.ge [sflag:s26], $0x4000  }
0x18d: {  	[sflag:s26] =	ssyncset.done $0x0  }
0x18e: {  	[sflag:s26] =	ssyncadd.s32 $0xFFFFC000  }
0x18f: {  	[tilespmem:s3], [sflag:$0x3] =	stream.linear.gather [hbm4b:s12+s3], $0x80, $0x38;
	[tilespmem:$0x8100] =	vst v63  }
0x190: {  	_ =	swait.ge [sflag:s26], $0x80  }
0x191: {  	[sflag:s26] =	ssyncset.done $0x0  }
0x192: {  	[sflag:s26] =	ssyncadd.s32 $0xFFFFFF80  }
0x193: {  	v1 =	vld [tilespmem:$0x0]  }
0x194: {  	v2 =	vld [tilespmem:$0x10]  }
0x195: {  	v3 =	vld [tilespmem:$0x20]  }
0x196: {  	v58 =	vld [tilespmem:$0x30]  }
0x197: {  	v59 =	vld [tilespmem:$0x40]  }
0x198: {  	v60 =	vld [tilespmem:$0x50];
	v1 =	vadd.s32 v0, v1  }
0x199: {  	[tilespmem:$0x0] =	vst v1;
	v1 =	vadd.s32 v0, v2;
	v2 =	vld [tilespmem:$0x60]  }
0x19a: {  	[tilespmem:$0x10] =	vst v1;
	v1 =	vadd.s32 v0, v3;
	v3 =	vld [tilespmem:$0x70]  }
0x19b: {  	[tilespmem:$0x20] =	vst v1;
	v1 =	vadd.s32 v0, v58  }
0x19c: {  	[tilespmem:$0x30] =	vst v1;
	v1 =	vadd.s32 v0, v59  }
0x19d: {  	[tilespmem:$0x40] =	vst v1;
	v1 =	vadd.s32 v0, v60  }
0x19e: {  	[tilespmem:$0x50] =	vst v1;
	v1 =	vadd.s32 v0, v2  }
0x19f: {  	[tilespmem:$0x60] =	vst v1;
	v1 =	vadd.s32 v0, v3  }
0x1a0: {  	[tilespmem:$0x70] =	vst v1  }
0x1a1: {  	[tilespmem:s29], [sflag:$0x1] =	stream.indirect.gather [hbm4b:s2+s28], $0x80, s3, s28, $0xb8;
	[tilespmem:$0x8100] =	vst v63  }
0x1a2: {  	_ =	swait.ge [sflag:s0], $0x4000  }
0x1a3: {  	[sflag:s0] =	ssyncset.done $0x0  }
0x1a4: {  	[sflag:s0] =	ssyncadd.s32 $0xFFFFC000  }
0x1a5: {  	[hbm4b:s22+s3] =	stream.linear.scatter [tilespmem:s30], [sflag:$0x3], $0x4000, $0x38;
	[tilespmem:$0x8100] =	vst v63  }
0x1a6: {  	_ =	swait.ge [sflag:s26], $0x4000  }
0x1a7: {  	[sflag:s26] =	ssyncset.done $0x0  }
0x1a8: {  	[sflag:s26] =	ssyncadd.s32 $0xFFFFC000  }
0x1a9: {  	[tilespmem:s28], [sflag:$0x3] =	stream.linear.gather [hbm4b:s13+s3], $0x80, $0x38;
	[tilespmem:$0x8100] =	vst v63  }
0x1aa: {  	_ =	swait.ge [sflag:s26], $0x80  }
0x1ab: {  	[sflag:s26] =	ssyncset.done $0x0  }
0x1ac: {  	[sflag:s26] =	ssyncadd.s32 $0xFFFFFF80  }
0x1ad: {  	v1 =	vld [tilespmem:$0x80]  }
0x1ae: {  	v2 =	vld [tilespmem:$0x90]  }
0x1af: {  	v3 =	vld [tilespmem:$0xA0]  }
0x1b0: {  	v61 =	vld [tilespmem:$0xB0]  }
0x1b1: {  	v62 =	vld [tilespmem:$0xC0]  }
0x1b2: {  	v63 =	vld [tilespmem:$0xD0];
	v1 =	vadd.s32 v0, v1  }
0x1b3: {  	[tilespmem:$0x80] =	vst v1;
	v1 =	vadd.s32 v0, v2;
	v2 =	vld [tilespmem:$0xE0]  }
0x1b4: {  	[tilespmem:$0x90] =	vst v1;
	v1 =	vadd.s32 v0, v3;
	v3 =	vld [tilespmem:$0xF0]  }
0x1b5: {  	[tilespmem:$0xA0] =	vst v1;
	v1 =	vadd.s32 v0, v61  }
0x1b6: {  	[tilespmem:$0xB0] =	vst v1;
	v1 =	vadd.s32 v0, v62  }
0x1b7: {  	[tilespmem:$0xC0] =	vst v1;
	v1 =	vadd.s32 v0, v63  }
0x1b8: {  	[tilespmem:$0xD0] =	vst v1;
	v1 =	vadd.s32 v0, v2  }
0x1b9: {  	[tilespmem:$0xE0] =	vst v1;
	v1 =	vadd.s32 v0, v3  }
0x1ba: {  	[tilespmem:$0xF0] =	vst v1  }
0x1bb: {  	[tilespmem:s30], [sflag:$0x2] =	stream.indirect.gather [hbm4b:s2+s28], $0x80, s28, s28, $0xb8;
	[tilespmem:$0x8100] =	vst v63  }
0x1bc: {  	_ =	swait.ge [sflag:s31], $0x4000  }
0x1bd: {  	[sflag:s31] =	ssyncset.done $0x0  }
0x1be: {  	[sflag:s31] =	ssyncadd.s32 $0xFFFFC000  }
0x1bf: {  	[hbm4b:s23+s3] =	stream.linear.scatter [tilespmem:s29], [sflag:$0x3], $0x4000, $0x38;
	[tilespmem:$0x8100] =	vst v63  }
0x1c0: {  	_ =	swait.ge [sflag:s26], $0x4000  }
0x1c1: {  	[sflag:s26] =	ssyncset.done $0x0  }
0x1c2: {  	[sflag:s26] =	ssyncadd.s32 $0xFFFFC000  }
0x1c3: {  	_ =	swait.ge [sflag:s0], $0x4000  }
0x1c4: {  	p0 =	sne.s32 s25, $0x1;
	[sflag:s0] =	ssyncset.done $0x0  }
.Ltmp0:
0x1c5: {  	[sflag:s0] =	ssyncadd.s32 $0xFFFFC000;
	(pc) =	sbr.rel @p0 .LBB2_1-.Ltmp0, $4  }
0x1c6: {  	[hbm4b:s24+s3] =	stream.linear.scatter [tilespmem:s30], [sflag:$0x3], $0x4000, $0x38;
	[tilespmem:$0x8100] =	vst v63  }
0x1c7: {  	_ =	swait.ge [sflag:s26], $0x4000  }
0x1c8: {  	[sflag:s26] =	ssyncset.done $0x0  }
0x1c9: {  	s25 =	sadd.s32 $0xFFFFFFFF, s25;
	[sflag:s26] =	ssyncadd.s32 $0xFFFFC000  }
0x1ca: {  	_ =	sfence.sel $0x180000  }
0x1cb: {  	[bflag:$0x0] =	sbarrier.arrive $0xFFFF  }
0x1cc: {  	_ =	strace $0x90000047  }
0x1cd: {  	s0 =	stileid.u32;
	[bflag:$0x2] =	sbarrier.arrive $0xFFFF  }
0x1ce: {  	p0 =	sne.s32 s0, $0x0;
	s0 =	rddreg [dreg:$0x2]  }
0x1cf: {  	s0 =	sadd.s32 @!p0 $0x100000, s0  }
0x1d0: {  	[sflag:s0] =	ssyncadd.tile.s32 @!p0 $0x1;
	_ =	shalt  }
.Lfunc_end2:
_tile_overlayer_lowered:
.L_overlay_start_2:
0x1d1: {  	(tag) =	ssettag $0x2  }
0x1d2: {  	s0 =	rddreg [dreg:$0x0];
	s2 =	stileid.u32  }
0x1d3: {  	s1 =	rddreg [dreg:$0x1];
	p0 =	sne.s32 s2, $0x0  }
0x1d4: {  	s3 =	rddreg [dreg:$0x2];
	[bflag:$0x3] =	sbarrier.arrive $0xFFFF;
	s2 =	simm.s32 @!p0 $0x1C03  }
0x1d5: {  	[timem:s3], [sflag:s2] =	dma.local @!p0 [hbm:s0], s1  }
0x1d6: {  	s0 =	simm.s32 @!p0 $0x3  }
0x1d7: {  	_ =	swait.ge @!p0 [sflag:s0], s1  }
0x1d8: {  	s1 =	ssub.s32 @!p0 $0x0, s1;
	[sflag:s0] =	ssyncset.done @!p0 $0x0  }
0x1d9: {  	[sflag:s0] =	ssyncadd.s32 @!p0 s1  }
0x1da: {  	[bflag:$0x3] =	sbarrier.arrive $0xFFFF  }
0x1db: {  	_ =	shalt  }

</sc_bundles>
